<compile_context>
chip_gen: v7x
topology: tpu7x:2x2x1
jax: 0.10.2.dev20260603
libtpu: 0.0.44.dev20260713+nightly
codegen_flags: <defaults>
</compile_context>

<pallas_src>
import functools
import jax
import jax.numpy as jnp
from jax import lax
from jax.experimental import pallas as pl
from jax.experimental.pallas import tpu as pltpu
from jax.experimental.pallas import tpu_sc as plsc

N_CLASS = 1000000
EMBED_DIM = 32
BATCH = 16384
FIELDS = 26

NC = 2
NS = 16
NW = NC * NS
S_PER_W = BATCH // NW
S_PER_CHUNK = 16
CHUNK = S_PER_CHUNK * FIELDS
N_CHUNK = S_PER_W // S_PER_CHUNK
STREAM = 104
N_STREAM = CHUNK // STREAM


def _fire(x_hbm, table_hbm, s0, xv, gv, rows_v, sem):
    iota = lax.iota(jnp.int32, 16)
    pltpu.sync_copy(x_hbm.at[pl.ds(s0, S_PER_CHUNK)], xv)
    for si in range(S_PER_CHUNK):
        v1 = xv[si, pl.ds(0, 16)]
        v2 = xv[si, pl.ds(10, 16)]
        plsc.store_scatter(gv, [iota + (FIELDS * si)], v1)
        plsc.store_scatter(gv, [iota + (FIELDS * si + 10)], v2)
    copies = []
    for j in range(N_STREAM):
        copies.append(
            pltpu.async_copy(
                table_hbm.at[gv.at[pl.ds(j * STREAM, STREAM)]],
                rows_v.at[pl.ds(j * STREAM, STREAM)],
                sem,
            )
        )
    return copies


def _drain_store(out_hbm, s0, copies, rows_v, osem):
    for c in copies:
        c.wait()
    ocopies = []
    for si in range(S_PER_CHUNK):
        ocopies.append(
            pltpu.async_copy(
                rows_v.at[pl.ds(FIELDS * si, FIELDS)],
                out_hbm.at[s0 + si],
                osem,
            )
        )
    return ocopies


def _emb_body(
    x_hbm, table_hbm, out_hbm,
    xv0, gv0, rows0, xv1, gv1, rows1, sem0, sem1, osem,
):
    wid = lax.axis_index("s") * NC + lax.axis_index("c")
    sbase = wid * S_PER_W

    def pair_body(ci, carry):
        s0 = sbase + (2 * ci) * S_PER_CHUNK
        s1 = sbase + (2 * ci + 1) * S_PER_CHUNK
        cp0 = _fire(x_hbm, table_hbm, s0, xv0, gv0, rows0, sem0)
        cp1 = _fire(x_hbm, table_hbm, s1, xv1, gv1, rows1, sem1)
        ocp0 = _drain_store(out_hbm, s0, cp0, rows0, osem)
        ocp1 = _drain_store(out_hbm, s1, cp1, rows1, osem)
        for c in ocp0 + ocp1:
            c.wait()
        return carry

    lax.fori_loop(0, N_CHUNK // 2, pair_body, 0, unroll=False)


@jax.jit
def kernel(X, table):
    xi = X.astype(jnp.int32)
    mesh = plsc.VectorSubcoreMesh(core_axis_name="c", subcore_axis_name="s")
    f = functools.partial(
        pl.kernel,
        mesh=mesh,
        out_type=jax.ShapeDtypeStruct((BATCH, FIELDS, EMBED_DIM), jnp.float32),
        compiler_params=pltpu.CompilerParams(
            needs_layout_passes=False, use_tc_tiling_on_sc=False
        ),
        scratch_types=[
            pltpu.VMEM((S_PER_CHUNK, FIELDS), jnp.int32),
            pltpu.VMEM((CHUNK,), jnp.int32),
            pltpu.VMEM((CHUNK, EMBED_DIM), jnp.float32),
            pltpu.VMEM((S_PER_CHUNK, FIELDS), jnp.int32),
            pltpu.VMEM((CHUNK,), jnp.int32),
            pltpu.VMEM((CHUNK, EMBED_DIM), jnp.float32),
            pltpu.SemaphoreType.DMA,
            pltpu.SemaphoreType.DMA,
            pltpu.SemaphoreType.DMA,
        ],
    )(_emb_body)
    return f(xi, table)

# --- scband reference (transcript-rebuilt; emitter-appended) ---
"""Pipeline reference for scband-embedding-layer-67783173865982 (READ-ONLY COPY).

The authoritative reference and input builder live on the scoring server;
editing this copy changes nothing except your own understanding.
"""

import jax, jax.numpy as jnp
import numpy as np

N_CLASS = 1000000
EMBED_DIM = 32
BATCH = 16384
FIELDS = 26

def setup_inputs(seed: int = 0) -> dict:
    key = jax.random.key(seed)
    k1, k2 = jax.random.split(key)
    X = jax.random.randint(k1, (BATCH, FIELDS), 0, N_CLASS, dtype=jnp.int64 if jax.config.jax_enable_x64 else jnp.int32)
    # nn.Embedding default init: N(0, 1)
    table = jax.random.normal(k2, (N_CLASS, EMBED_DIM), dtype=jnp.float32)
    return {"X": X, "table": table}

def reference(X, table):
    # nn.Embedding forward: gather rows of the table by index
    return jnp.take(table, X, axis=0)

if __name__ == "__main__":
    import jax
    _d = setup_inputs()
    print(jax.jit(kernel)(*tuple(_d.values())))

</pallas_src>

<mosaic_0001>
#map = affine_map<(d0, d1) -> (0, 0)>
#map1 = affine_map<(d0, d1) -> (0, 0, 0)>
module attributes {stable_mosaic.version = 14 : i64} {
  func.func @_emb_body(%arg0: i32, %arg1: i32, %arg2: memref<16384x26xi32, #tpu.memory_space<hbm>>, %arg3: memref<1000000x32xf32, #tpu.memory_space<hbm>>, %arg4: memref<16384x26x32xf32, #tpu.memory_space<hbm>>, %arg5: memref<16x26xi32, #tpu.memory_space<vmem>>, %arg6: memref<416xi32, #tpu.memory_space<vmem>>, %arg7: memref<416x32xf32, #tpu.memory_space<vmem>>, %arg8: memref<16x26xi32, #tpu.memory_space<vmem>>, %arg9: memref<416xi32, #tpu.memory_space<vmem>>, %arg10: memref<416x32xf32, #tpu.memory_space<vmem>>, %arg11: memref<!tpu.dma_semaphore, #tpu.memory_space<semaphore_mem>>, %arg12: memref<!tpu.dma_semaphore, #tpu.memory_space<semaphore_mem>>, %arg13: memref<!tpu.dma_semaphore, #tpu.memory_space<semaphore_mem>>) attributes {dimension_semantics = [#tpu.dimension_semantics<core_parallel>, #tpu.dimension_semantics<subcore_parallel>], iteration_bounds = array<i64: 2, 16>, scalar_prefetch = 0 : i64, scratch_operands = 9 : i64, tpu.core_type = #tpu.core_type<sc_vector_subcore>, window_params = [{transform_indices = #map}, {transform_indices = #map}, {transform_indices = #map1}]} {
    %mul3A = arith.constant 2 : i32
    %mul3A_0 = arith.muli %arg1, %mul3A : i32
    %add3A = arith.addi %mul3A_0, %arg0 : i32
    %mul3A_1 = arith.constant 512 : i32
    %mul3A_2 = arith.muli %add3A, %mul3A_1 : i32
    %scan3A = arith.constant 0 : i32
    %scan3A_3 = arith.constant 0 : i32
    %scan3A_4 = arith.constant 16 : i32
    %scan3A_5 = arith.addi %scan3A_3, %scan3A_4 : i32
    %scan3A_6 = arith.constant 1 : i32
    scf.for %scan3A_8 = %scan3A_3 to %scan3A_5 step %scan3A_6  : i32 {
      %mul3A_9 = arith.constant 2 : i32
      %mul3A_10 = arith.muli %mul3A_9, %scan3A_8 : i32
      %mul3A_11 = arith.constant 16 : i32
      %mul3A_12 = arith.muli %mul3A_10, %mul3A_11 : i32
      %add3A_13 = arith.addi %mul3A_2, %mul3A_12 : i32
      %mul3A_14 = arith.constant 2 : i32
      %mul3A_15 = arith.muli %mul3A_14, %scan3A_8 : i32
      %add3A_16 = arith.constant 1 : i32
      %add3A_17 = arith.addi %mul3A_15, %add3A_16 : i32
      %mul3A_18 = arith.constant 16 : i32
      %mul3A_19 = arith.muli %add3A_17, %mul3A_18 : i32
      %add3A_20 = arith.addi %mul3A_2, %mul3A_19 : i32
      %iota3A = tpu.iota {dimensions = array<i32: 0>} : vector<16xi32>
      "tpu.region"() ({
        %run_scoped3A = tpu.sem_alloc : memref<!tpu.dma_semaphore, #tpu.memory_space<semaphore_mem>>
        %dma_start3A_1555 = arith.constant 0 : i32
        %dma_start3A_1556 = tpu.memref_slice %arg2[%add3A_13, %dma_start3A_1555] : memref<16384x26xi32, #tpu.memory_space<hbm>> -> memref<16x26xi32, #tpu.memory_space<hbm>>
        %dma_start3A_1557 = arith.constant 0 : i32
        %dma_start3A_1558 = tpu.memref_slice %arg2[%add3A_13, %dma_start3A_1557] : memref<16384x26xi32, #tpu.memory_space<hbm>> -> memref<16x26xi32, #tpu.memory_space<hbm>>
        tpu.enqueue_dma source(%dma_start3A_1558 : memref<16x26xi32, #tpu.memory_space<hbm>>) target(%arg5 : memref<16x26xi32, #tpu.memory_space<vmem>>) target_semaphore(%run_scoped3A : memref<!tpu.dma_semaphore, #tpu.memory_space<semaphore_mem>>)
        %dma_wait3A_1559 = arith.constant 0 : i32
        %dma_wait3A_1560 = tpu.memref_slice %arg2[%add3A_13, %dma_wait3A_1559] : memref<16384x26xi32, #tpu.memory_space<hbm>> -> memref<16x26xi32, #tpu.memory_space<hbm>>
        %dma_wait3A_1561 = arith.constant 0 : i32
        %dma_wait3A_1562 = tpu.memref_slice %arg2[%add3A_13, %dma_wait3A_1561] : memref<16384x26xi32, #tpu.memory_space<hbm>> -> memref<16x26xi32, #tpu.memory_space<hbm>>
        tpu.wait_dma2 semaphore(%run_scoped3A : memref<!tpu.dma_semaphore, #tpu.memory_space<semaphore_mem>>) src(%dma_wait3A_1562 : memref<16x26xi32, #tpu.memory_space<hbm>>) dst(%arg5 : memref<16x26xi32, #tpu.memory_space<vmem>>)
        tpu.yield
      }) : () -> ()
      %get3A = arith.constant 0 : i32
      %get3A_21 = arith.index_cast %get3A : i32 to index
      %get3A_22 = arith.constant 0 : index
      %get3A_23 = tpu.vector_load %arg5[%get3A_21, %get3A_22] {strides = array<i32>} : memref<16x26xi32, #tpu.memory_space<vmem>>, vector<16xi32>,
      %get3A_24 = arith.constant 0 : i32
      %get3A_25 = arith.index_cast %get3A_24 : i32 to index
      %get3A_26 = arith.constant 10 : index
      %get3A_27 = tpu.vector_load %arg5[%get3A_25, %get3A_26] {strides = array<i32>} : memref<16x26xi32, #tpu.memory_space<vmem>>, vector<16xi32>,
      %add3A_28 = arith.constant 0 : i32
      %add3A_29 = vector.broadcast %add3A_28 : i32 to vector<16xi32>
      %add3A_30 = arith.addi %iota3A, %add3A_29 : vector<16xi32>
      tpu.vector_store_idx %arg6[%add3A_30], %get3A_23 : memref<416xi32, #tpu.memory_space<vmem>>[vector<16xi32>], vector<16xi32>,
      %add3A_31 = arith.constant 10 : i32
      %add3A_32 = vector.broadcast %add3A_31 : i32 to vector<16xi32>
      %add3A_33 = arith.addi %iota3A, %add3A_32 : vector<16xi32>
      tpu.vector_store_idx %arg6[%add3A_33], %get3A_27 : memref<416xi32, #tpu.memory_space<vmem>>[vector<16xi32>], vector<16xi32>,
      %get3A_34 = arith.constant 1 : i32
      %get3A_35 = arith.index_cast %get3A_34 : i32 to index
      %get3A_36 = arith.constant 0 : index
      %get3A_37 = tpu.vector_load %arg5[%get3A_35, %get3A_36] {strides = array<i32>} : memref<16x26xi32, #tpu.memory_space<vmem>>, vector<16xi32>,
      %get3A_38 = arith.constant 1 : i32
      %get3A_39 = arith.index_cast %get3A_38 : i32 to index
      %get3A_40 = arith.constant 10 : index
      %get3A_41 = tpu.vector_load %arg5[%get3A_39, %get3A_40] {strides = array<i32>} : memref<16x26xi32, #tpu.memory_space<vmem>>, vector<16xi32>,
      %add3A_42 = arith.constant 26 : i32
      %add3A_43 = vector.broadcast %add3A_42 : i32 to vector<16xi32>
      %add3A_44 = arith.addi %iota3A, %add3A_43 : vector<16xi32>
      tpu.vector_store_idx %arg6[%add3A_44], %get3A_37 : memref<416xi32, #tpu.memory_space<vmem>>[vector<16xi32>], vector<16xi32>,
      %add3A_45 = arith.constant 36 : i32
      %add3A_46 = vector.broadcast %add3A_45 : i32 to vector<16xi32>
      %add3A_47 = arith.addi %iota3A, %add3A_46 : vector<16xi32>
      tpu.vector_store_idx %arg6[%add3A_47], %get3A_41 : memref<416xi32, #tpu.memory_space<vmem>>[vector<16xi32>], vector<16xi32>,
      %get3A_48 = arith.constant 2 : i32
      %get3A_49 = arith.index_cast %get3A_48 : i32 to index
      %get3A_50 = arith.constant 0 : index
      %get3A_51 = tpu.vector_load %arg5[%get3A_49, %get3A_50] {strides = array<i32>} : memref<16x26xi32, #tpu.memory_space<vmem>>, vector<16xi32>,
      %get3A_52 = arith.constant 2 : i32
      %get3A_53 = arith.index_cast %get3A_52 : i32 to index
      %get3A_54 = arith.constant 10 : index
      %get3A_55 = tpu.vector_load %arg5[%get3A_53, %get3A_54] {strides = array<i32>} : memref<16x26xi32, #tpu.memory_space<vmem>>, vector<16xi32>,
      %add3A_56 = arith.constant 52 : i32
      %add3A_57 = vector.broadcast %add3A_56 : i32 to vector<16xi32>
      %add3A_58 = arith.addi %iota3A, %add3A_57 : vector<16xi32>
      tpu.vector_store_idx %arg6[%add3A_58], %get3A_51 : memref<416xi32, #tpu.memory_space<vmem>>[vector<16xi32>], vector<16xi32>,
      %add3A_59 = arith.constant 62 : i32
      %add3A_60 = vector.broadcast %add3A_59 : i32 to vector<16xi32>
      %add3A_61 = arith.addi %iota3A, %add3A_60 : vector<16xi32>
      tpu.vector_store_idx %arg6[%add3A_61], %get3A_55 : memref<416xi32, #tpu.memory_space<vmem>>[vector<16xi32>], vector<16xi32>,
      %get3A_62 = arith.constant 3 : i32
      %get3A_63 = arith.index_cast %get3A_62 : i32 to index
      %get3A_64 = arith.constant 0 : index
      %get3A_65 = tpu.vector_load %arg5[%get3A_63, %get3A_64] {strides = array<i32>} : memref<16x26xi32, #tpu.memory_space<vmem>>, vector<16xi32>,
      %get3A_66 = arith.constant 3 : i32
      %get3A_67 = arith.index_cast %get3A_66 : i32 to index
      %get3A_68 = arith.constant 10 : index
      %get3A_69 = tpu.vector_load %arg5[%get3A_67, %get3A_68] {strides = array<i32>} : memref<16x26xi32, #tpu.memory_space<vmem>>, vector<16xi32>,
      %add3A_70 = arith.constant 78 : i32
      %add3A_71 = vector.broadcast %add3A_70 : i32 to vector<16xi32>
      %add3A_72 = arith.addi %iota3A, %add3A_71 : vector<16xi32>
      tpu.vector_store_idx %arg6[%add3A_72], %get3A_65 : memref<416xi32, #tpu.memory_space<vmem>>[vector<16xi32>], vector<16xi32>,
      %add3A_73 = arith.constant 88 : i32
      %add3A_74 = vector.broadcast %add3A_73 : i32 to vector<16xi32>
      %add3A_75 = arith.addi %iota3A, %add3A_74 : vector<16xi32>
      tpu.vector_store_idx %arg6[%add3A_75], %get3A_69 : memref<416xi32, #tpu.memory_space<vmem>>[vector<16xi32>], vector<16xi32>,
      %get3A_76 = arith.constant 4 : i32
      %get3A_77 = arith.index_cast %get3A_76 : i32 to index
      %get3A_78 = arith.constant 0 : index
      %get3A_79 = tpu.vector_load %arg5[%get3A_77, %get3A_78] {strides = array<i32>} : memref<16x26xi32, #tpu.memory_space<vmem>>, vector<16xi32>,
      %get3A_80 = arith.constant 4 : i32
      %get3A_81 = arith.index_cast %get3A_80 : i32 to index
      %get3A_82 = arith.constant 10 : index
      %get3A_83 = tpu.vector_load %arg5[%get3A_81, %get3A_82] {strides = array<i32>} : memref<16x26xi32, #tpu.memory_space<vmem>>, vector<16xi32>,
      %add3A_84 = arith.constant 104 : i32
      %add3A_85 = vector.broadcast %add3A_84 : i32 to vector<16xi32>
      %add3A_86 = arith.addi %iota3A, %add3A_85 : vector<16xi32>
      tpu.vector_store_idx %arg6[%add3A_86], %get3A_79 : memref<416xi32, #tpu.memory_space<vmem>>[vector<16xi32>], vector<16xi32>,
      %add3A_87 = arith.constant 114 : i32
      %add3A_88 = vector.broadcast %add3A_87 : i32 to vector<16xi32>
      %add3A_89 = arith.addi %iota3A, %add3A_88 : vector<16xi32>
      tpu.vector_store_idx %arg6[%add3A_89], %get3A_83 : memref<416xi32, #tpu.memory_space<vmem>>[vector<16xi32>], vector<16xi32>,
      %get3A_90 = arith.constant 5 : i32
      %get3A_91 = arith.index_cast %get3A_90 : i32 to index
      %get3A_92 = arith.constant 0 : index
      %get3A_93 = tpu.vector_load %arg5[%get3A_91, %get3A_92] {strides = array<i32>} : memref<16x26xi32, #tpu.memory_space<vmem>>, vector<16xi32>,
      %get3A_94 = arith.constant 5 : i32
      %get3A_95 = arith.index_cast %get3A_94 : i32 to index
      %get3A_96 = arith.constant 10 : index
      %get3A_97 = tpu.vector_load %arg5[%get3A_95, %get3A_96] {strides = array<i32>} : memref<16x26xi32, #tpu.memory_space<vmem>>, vector<16xi32>,
      %add3A_98 = arith.constant 130 : i32
      %add3A_99 = vector.broadcast %add3A_98 : i32 to vector<16xi32>
      %add3A_100 = arith.addi %iota3A, %add3A_99 : vector<16xi32>
      tpu.vector_store_idx %arg6[%add3A_100], %get3A_93 : memref<416xi32, #tpu.memory_space<vmem>>[vector<16xi32>], vector<16xi32>,
      %add3A_101 = arith.constant 140 : i32
      %add3A_102 = vector.broadcast %add3A_101 : i32 to vector<16xi32>
      %add3A_103 = arith.addi %iota3A, %add3A_102 : vector<16xi32>
      tpu.vector_store_idx %arg6[%add3A_103], %get3A_97 : memref<416xi32, #tpu.memory_space<vmem>>[vector<16xi32>], vector<16xi32>,
      %get3A_104 = arith.constant 6 : i32
      %get3A_105 = arith.index_cast %get3A_104 : i32 to index
      %get3A_106 = arith.constant 0 : index
      %get3A_107 = tpu.vector_load %arg5[%get3A_105, %get3A_106] {strides = array<i32>} : memref<16x26xi32, #tpu.memory_space<vmem>>, vector<16xi32>,
      %get3A_108 = arith.constant 6 : i32
      %get3A_109 = arith.index_cast %get3A_108 : i32 to index
      %get3A_110 = arith.constant 10 : index
      %get3A_111 = tpu.vector_load %arg5[%get3A_109, %get3A_110] {strides = array<i32>} : memref<16x26xi32, #tpu.memory_space<vmem>>, vector<16xi32>,
      %add3A_112 = arith.constant 156 : i32
      %add3A_113 = vector.broadcast %add3A_112 : i32 to vector<16xi32>
      %add3A_114 = arith.addi %iota3A, %add3A_113 : vector<16xi32>
      tpu.vector_store_idx %arg6[%add3A_114], %get3A_107 : memref<416xi32, #tpu.memory_space<vmem>>[vector<16xi32>], vector<16xi32>,
      %add3A_115 = arith.constant 166 : i32
      %add3A_116 = vector.broadcast %add3A_115 : i32 to vector<16xi32>
      %add3A_117 = arith.addi %iota3A, %add3A_116 : vector<16xi32>
      tpu.vector_store_idx %arg6[%add3A_117], %get3A_111 : memref<416xi32, #tpu.memory_space<vmem>>[vector<16xi32>], vector<16xi32>,
      %get3A_118 = arith.constant 7 : i32
      %get3A_119 = arith.index_cast %get3A_118 : i32 to index
      %get3A_120 = arith.constant 0 : index
      %get3A_121 = tpu.vector_load %arg5[%get3A_119, %get3A_120] {strides = array<i32>} : memref<16x26xi32, #tpu.memory_space<vmem>>, vector<16xi32>,
      %get3A_122 = arith.constant 7 : i32
      %get3A_123 = arith.index_cast %get3A_122 : i32 to index
      %get3A_124 = arith.constant 10 : index
      %get3A_125 = tpu.vector_load %arg5[%get3A_123, %get3A_124] {strides = array<i32>} : memref<16x26xi32, #tpu.memory_space<vmem>>, vector<16xi32>,
      %add3A_126 = arith.constant 182 : i32
      %add3A_127 = vector.broadcast %add3A_126 : i32 to vector<16xi32>
      %add3A_128 = arith.addi %iota3A, %add3A_127 : vector<16xi32>
      tpu.vector_store_idx %arg6[%add3A_128], %get3A_121 : memref<416xi32, #tpu.memory_space<vmem>>[vector<16xi32>], vector<16xi32>,
      %add3A_129 = arith.constant 192 : i32
      %add3A_130 = vector.broadcast %add3A_129 : i32 to vector<16xi32>
      %add3A_131 = arith.addi %iota3A, %add3A_130 : vector<16xi32>
      tpu.vector_store_idx %arg6[%add3A_131], %get3A_125 : memref<416xi32, #tpu.memory_space<vmem>>[vector<16xi32>], vector<16xi32>,
      %get3A_132 = arith.constant 8 : i32
      %get3A_133 = arith.index_cast %get3A_132 : i32 to index
      %get3A_134 = arith.constant 0 : index
      %get3A_135 = tpu.vector_load %arg5[%get3A_133, %get3A_134] {strides = array<i32>} : memref<16x26xi32, #tpu.memory_space<vmem>>, vector<16xi32>,
      %get3A_136 = arith.constant 8 : i32
      %get3A_137 = arith.index_cast %get3A_136 : i32 to index
      %get3A_138 = arith.constant 10 : index
      %get3A_139 = tpu.vector_load %arg5[%get3A_137, %get3A_138] {strides = array<i32>} : memref<16x26xi32, #tpu.memory_space<vmem>>, vector<16xi32>,
      %add3A_140 = arith.constant 208 : i32
      %add3A_141 = vector.broadcast %add3A_140 : i32 to vector<16xi32>
      %add3A_142 = arith.addi %iota3A, %add3A_141 : vector<16xi32>
      tpu.vector_store_idx %arg6[%add3A_142], %get3A_135 : memref<416xi32, #tpu.memory_space<vmem>>[vector<16xi32>], vector<16xi32>,
      %add3A_143 = arith.constant 218 : i32
      %add3A_144 = vector.broadcast %add3A_143 : i32 to vector<16xi32>
      %add3A_145 = arith.addi %iota3A, %add3A_144 : vector<16xi32>
      tpu.vector_store_idx %arg6[%add3A_145], %get3A_139 : memref<416xi32, #tpu.memory_space<vmem>>[vector<16xi32>], vector<16xi32>,
      %get3A_146 = arith.constant 9 : i32
      %get3A_147 = arith.index_cast %get3A_146 : i32 to index
      %get3A_148 = arith.constant 0 : index
      %get3A_149 = tpu.vector_load %arg5[%get3A_147, %get3A_148] {strides = array<i32>} : memref<16x26xi32, #tpu.memory_space<vmem>>, vector<16xi32>,
      %get3A_150 = arith.constant 9 : i32
      %get3A_151 = arith.index_cast %get3A_150 : i32 to index
      %get3A_152 = arith.constant 10 : index
      %get3A_153 = tpu.vector_load %arg5[%get3A_151, %get3A_152] {strides = array<i32>} : memref<16x26xi32, #tpu.memory_space<vmem>>, vector<16xi32>,
      %add3A_154 = arith.constant 234 : i32
      %add3A_155 = vector.broadcast %add3A_154 : i32 to vector<16xi32>
      %add3A_156 = arith.addi %iota3A, %add3A_155 : vector<16xi32>
      tpu.vector_store_idx %arg6[%add3A_156], %get3A_149 : memref<416xi32, #tpu.memory_space<vmem>>[vector<16xi32>], vector<16xi32>,
      %add3A_157 = arith.constant 244 : i32
      %add3A_158 = vector.broadcast %add3A_157 : i32 to vector<16xi32>
      %add3A_159 = arith.addi %iota3A, %add3A_158 : vector<16xi32>
      tpu.vector_store_idx %arg6[%add3A_159], %get3A_153 : memref<416xi32, #tpu.memory_space<vmem>>[vector<16xi32>], vector<16xi32>,
      %get3A_160 = arith.constant 10 : i32
      %get3A_161 = arith.index_cast %get3A_160 : i32 to index
      %get3A_162 = arith.constant 0 : index
      %get3A_163 = tpu.vector_load %arg5[%get3A_161, %get3A_162] {strides = array<i32>} : memref<16x26xi32, #tpu.memory_space<vmem>>, vector<16xi32>,
      %get3A_164 = arith.constant 10 : i32
      %get3A_165 = arith.index_cast %get3A_164 : i32 to index
      %get3A_166 = arith.constant 10 : index
      %get3A_167 = tpu.vector_load %arg5[%get3A_165, %get3A_166] {strides = array<i32>} : memref<16x26xi32, #tpu.memory_space<vmem>>, vector<16xi32>,
      %add3A_168 = arith.constant 260 : i32
      %add3A_169 = vector.broadcast %add3A_168 : i32 to vector<16xi32>
      %add3A_170 = arith.addi %iota3A, %add3A_169 : vector<16xi32>
      tpu.vector_store_idx %arg6[%add3A_170], %get3A_163 : memref<416xi32, #tpu.memory_space<vmem>>[vector<16xi32>], vector<16xi32>,
      %add3A_171 = arith.constant 270 : i32
      %add3A_172 = vector.broadcast %add3A_171 : i32 to vector<16xi32>
      %add3A_173 = arith.addi %iota3A, %add3A_172 : vector<16xi32>
      tpu.vector_store_idx %arg6[%add3A_173], %get3A_167 : memref<416xi32, #tpu.memory_space<vmem>>[vector<16xi32>], vector<16xi32>,
      %get3A_174 = arith.constant 11 : i32
      %get3A_175 = arith.index_cast %get3A_174 : i32 to index
      %get3A_176 = arith.constant 0 : index
      %get3A_177 = tpu.vector_load %arg5[%get3A_175, %get3A_176] {strides = array<i32>} : memref<16x26xi32, #tpu.memory_space<vmem>>, vector<16xi32>,
      %get3A_178 = arith.constant 11 : i32
      %get3A_179 = arith.index_cast %get3A_178 : i32 to index
      %get3A_180 = arith.constant 10 : index
      %get3A_181 = tpu.vector_load %arg5[%get3A_179, %get3A_180] {strides = array<i32>} : memref<16x26xi32, #tpu.memory_space<vmem>>, vector<16xi32>,
      %add3A_182 = arith.constant 286 : i32
      %add3A_183 = vector.broadcast %add3A_182 : i32 to vector<16xi32>
      %add3A_184 = arith.addi %iota3A, %add3A_183 : vector<16xi32>
      tpu.vector_store_idx %arg6[%add3A_184], %get3A_177 : memref<416xi32, #tpu.memory_space<vmem>>[vector<16xi32>], vector<16xi32>,
      %add3A_185 = arith.constant 296 : i32
      %add3A_186 = vector.broadcast %add3A_185 : i32 to vector<16xi32>
      %add3A_187 = arith.addi %iota3A, %add3A_186 : vector<16xi32>
      tpu.vector_store_idx %arg6[%add3A_187], %get3A_181 : memref<416xi32, #tpu.memory_space<vmem>>[vector<16xi32>], vector<16xi32>,
      %get3A_188 = arith.constant 12 : i32
      %get3A_189 = arith.index_cast %get3A_188 : i32 to index
      %get3A_190 = arith.constant 0 : index
      %get3A_191 = tpu.vector_load %arg5[%get3A_189, %get3A_190] {strides = array<i32>} : memref<16x26xi32, #tpu.memory_space<vmem>>, vector<16xi32>,
      %get3A_192 = arith.constant 12 : i32
      %get3A_193 = arith.index_cast %get3A_192 : i32 to index
      %get3A_194 = arith.constant 10 : index
      %get3A_195 = tpu.vector_load %arg5[%get3A_193, %get3A_194] {strides = array<i32>} : memref<16x26xi32, #tpu.memory_space<vmem>>, vector<16xi32>,
      %add3A_196 = arith.constant 312 : i32
      %add3A_197 = vector.broadcast %add3A_196 : i32 to vector<16xi32>
      %add3A_198 = arith.addi %iota3A, %add3A_197 : vector<16xi32>
      tpu.vector_store_idx %arg6[%add3A_198], %get3A_191 : memref<416xi32, #tpu.memory_space<vmem>>[vector<16xi32>], vector<16xi32>,
      %add3A_199 = arith.constant 322 : i32
      %add3A_200 = vector.broadcast %add3A_199 : i32 to vector<16xi32>
      %add3A_201 = arith.addi %iota3A, %add3A_200 : vector<16xi32>
      tpu.vector_store_idx %arg6[%add3A_201], %get3A_195 : memref<416xi32, #tpu.memory_space<vmem>>[vector<16xi32>], vector<16xi32>,
      %get3A_202 = arith.constant 13 : i32
      %get3A_203 = arith.index_cast %get3A_202 : i32 to index
      %get3A_204 = arith.constant 0 : index
      %get3A_205 = tpu.vector_load %arg5[%get3A_203, %get3A_204] {strides = array<i32>} : memref<16x26xi32, #tpu.memory_space<vmem>>, vector<16xi32>,
      %get3A_206 = arith.constant 13 : i32
      %get3A_207 = arith.index_cast %get3A_206 : i32 to index
      %get3A_208 = arith.constant 10 : index
      %get3A_209 = tpu.vector_load %arg5[%get3A_207, %get3A_208] {strides = array<i32>} : memref<16x26xi32, #tpu.memory_space<vmem>>, vector<16xi32>,
      %add3A_210 = arith.constant 338 : i32
      %add3A_211 = vector.broadcast %add3A_210 : i32 to vector<16xi32>
      %add3A_212 = arith.addi %iota3A, %add3A_211 : vector<16xi32>
      tpu.vector_store_idx %arg6[%add3A_212], %get3A_205 : memref<416xi32, #tpu.memory_space<vmem>>[vector<16xi32>], vector<16xi32>,
      %add3A_213 = arith.constant 348 : i32
      %add3A_214 = vector.broadcast %add3A_213 : i32 to vector<16xi32>
      %add3A_215 = arith.addi %iota3A, %add3A_214 : vector<16xi32>
      tpu.vector_store_idx %arg6[%add3A_215], %get3A_209 : memref<416xi32, #tpu.memory_space<vmem>>[vector<16xi32>], vector<16xi32>,
      %get3A_216 = arith.constant 14 : i32
      %get3A_217 = arith.index_cast %get3A_216 : i32 to index
      %get3A_218 = arith.constant 0 : index
      %get3A_219 = tpu.vector_load %arg5[%get3A_217, %get3A_218] {strides = array<i32>} : memref<16x26xi32, #tpu.memory_space<vmem>>, vector<16xi32>,
      %get3A_220 = arith.constant 14 : i32
      %get3A_221 = arith.index_cast %get3A_220 : i32 to index
      %get3A_222 = arith.constant 10 : index
      %get3A_223 = tpu.vector_load %arg5[%get3A_221, %get3A_222] {strides = array<i32>} : memref<16x26xi32, #tpu.memory_space<vmem>>, vector<16xi32>,
      %add3A_224 = arith.constant 364 : i32
      %add3A_225 = vector.broadcast %add3A_224 : i32 to vector<16xi32>
      %add3A_226 = arith.addi %iota3A, %add3A_225 : vector<16xi32>
      tpu.vector_store_idx %arg6[%add3A_226], %get3A_219 : memref<416xi32, #tpu.memory_space<vmem>>[vector<16xi32>], vector<16xi32>,
      %add3A_227 = arith.constant 374 : i32
      %add3A_228 = vector.broadcast %add3A_227 : i32 to vector<16xi32>
      %add3A_229 = arith.addi %iota3A, %add3A_228 : vector<16xi32>
      tpu.vector_store_idx %arg6[%add3A_229], %get3A_223 : memref<416xi32, #tpu.memory_space<vmem>>[vector<16xi32>], vector<16xi32>,
      %get3A_230 = arith.constant 15 : i32
      %get3A_231 = arith.index_cast %get3A_230 : i32 to index
      %get3A_232 = arith.constant 0 : index
      %get3A_233 = tpu.vector_load %arg5[%get3A_231, %get3A_232] {strides = array<i32>} : memref<16x26xi32, #tpu.memory_space<vmem>>, vector<16xi32>,
      %get3A_234 = arith.constant 15 : i32
      %get3A_235 = arith.index_cast %get3A_234 : i32 to index
      %get3A_236 = arith.constant 10 : index
      %get3A_237 = tpu.vector_load %arg5[%get3A_235, %get3A_236] {strides = array<i32>} : memref<16x26xi32, #tpu.memory_space<vmem>>, vector<16xi32>,
      %add3A_238 = arith.constant 390 : i32
      %add3A_239 = vector.broadcast %add3A_238 : i32 to vector<16xi32>
      %add3A_240 = arith.addi %iota3A, %add3A_239 : vector<16xi32>
      tpu.vector_store_idx %arg6[%add3A_240], %get3A_233 : memref<416xi32, #tpu.memory_space<vmem>>[vector<16xi32>], vector<16xi32>,
      %add3A_241 = arith.constant 400 : i32
      %add3A_242 = vector.broadcast %add3A_241 : i32 to vector<16xi32>
      %add3A_243 = arith.addi %iota3A, %add3A_242 : vector<16xi32>
      tpu.vector_store_idx %arg6[%add3A_243], %get3A_237 : memref<416xi32, #tpu.memory_space<vmem>>[vector<16xi32>], vector<16xi32>,
      %dma_start3A = arith.constant 0 : i32
      %dma_start3A_244 = arith.constant 0 : i32
      %dma_start3A_245 = tpu.memref_slice %arg7[%dma_start3A, %dma_start3A_244] : memref<416x32xf32, #tpu.memory_space<vmem>> -> memref<104x32xf32, #tpu.memory_space<vmem>>
      %dma_start3A_246 = arith.constant 0 : i32
      %dma_start3A_247 = tpu.memref_slice %arg6[%dma_start3A_246] : memref<416xi32, #tpu.memory_space<vmem>> -> memref<104xi32, #tpu.memory_space<vmem>>
      %dma_start3A_248 = arith.constant 0 : i32
      %dma_start3A_249 = arith.constant 0 : i32
      %dma_start3A_250 = tpu.memref_slice %arg3[%dma_start3A_248, %dma_start3A_249] : memref<1000000x32xf32, #tpu.memory_space<hbm>> -> memref<1000000x32xf32, #tpu.memory_space<hbm>>
      tpu.enqueue_indirect_dma source(%dma_start3A_250 : memref<1000000x32xf32, #tpu.memory_space<hbm>>) target(%dma_start3A_245 : memref<104x32xf32, #tpu.memory_space<vmem>>) offsets(%dma_start3A_247 : memref<104xi32, #tpu.memory_space<vmem>>) semaphore(%arg11 : memref<!tpu.dma_semaphore, #tpu.memory_space<semaphore_mem>>)
      %dma_start3A_251 = arith.constant 104 : i32
      %dma_start3A_252 = arith.constant 0 : i32
      %dma_start3A_253 = tpu.memref_slice %arg7[%dma_start3A_251, %dma_start3A_252] : memref<416x32xf32, #tpu.memory_space<vmem>> -> memref<104x32xf32, #tpu.memory_space<vmem>>
      %dma_start3A_254 = arith.constant 104 : i32
      %dma_start3A_255 = tpu.memref_slice %arg6[%dma_start3A_254] : memref<416xi32, #tpu.memory_space<vmem>> -> memref<104xi32, #tpu.memory_space<vmem>>
      %dma_start3A_256 = arith.constant 0 : i32
      %dma_start3A_257 = arith.constant 0 : i32
      %dma_start3A_258 = tpu.memref_slice %arg3[%dma_start3A_256, %dma_start3A_257] : memref<1000000x32xf32, #tpu.memory_space<hbm>> -> memref<1000000x32xf32, #tpu.memory_space<hbm>>
      tpu.enqueue_indirect_dma source(%dma_start3A_258 : memref<1000000x32xf32, #tpu.memory_space<hbm>>) target(%dma_start3A_253 : memref<104x32xf32, #tpu.memory_space<vmem>>) offsets(%dma_start3A_255 : memref<104xi32, #tpu.memory_space<vmem>>) semaphore(%arg11 : memref<!tpu.dma_semaphore, #tpu.memory_space<semaphore_mem>>)
      %dma_start3A_259 = arith.constant 208 : i32
      %dma_start3A_260 = arith.constant 0 : i32
      %dma_start3A_261 = tpu.memref_slice %arg7[%dma_start3A_259, %dma_start3A_260] : memref<416x32xf32, #tpu.memory_space<vmem>> -> memref<104x32xf32, #tpu.memory_space<vmem>>
      %dma_start3A_262 = arith.constant 208 : i32
      %dma_start3A_263 = tpu.memref_slice %arg6[%dma_start3A_262] : memref<416xi32, #tpu.memory_space<vmem>> -> memref<104xi32, #tpu.memory_space<vmem>>
      %dma_start3A_264 = arith.constant 0 : i32
      %dma_start3A_265 = arith.constant 0 : i32
      %dma_start3A_266 = tpu.memref_slice %arg3[%dma_start3A_264, %dma_start3A_265] : memref<1000000x32xf32, #tpu.memory_space<hbm>> -> memref<1000000x32xf32, #tpu.memory_space<hbm>>
      tpu.enqueue_indirect_dma source(%dma_start3A_266 : memref<1000000x32xf32, #tpu.memory_space<hbm>>) target(%dma_start3A_261 : memref<104x32xf32, #tpu.memory_space<vmem>>) offsets(%dma_start3A_263 : memref<104xi32, #tpu.memory_space<vmem>>) semaphore(%arg11 : memref<!tpu.dma_semaphore, #tpu.memory_space<semaphore_mem>>)
      %dma_start3A_267 = arith.constant 312 : i32
      %dma_start3A_268 = arith.constant 0 : i32
      %dma_start3A_269 = tpu.memref_slice %arg7[%dma_start3A_267, %dma_start3A_268] : memref<416x32xf32, #tpu.memory_space<vmem>> -> memref<104x32xf32, #tpu.memory_space<vmem>>
      %dma_start3A_270 = arith.constant 312 : i32
      %dma_start3A_271 = tpu.memref_slice %arg6[%dma_start3A_270] : memref<416xi32, #tpu.memory_space<vmem>> -> memref<104xi32, #tpu.memory_space<vmem>>
      %dma_start3A_272 = arith.constant 0 : i32
      %dma_start3A_273 = arith.constant 0 : i32
      %dma_start3A_274 = tpu.memref_slice %arg3[%dma_start3A_272, %dma_start3A_273] : memref<1000000x32xf32, #tpu.memory_space<hbm>> -> memref<1000000x32xf32, #tpu.memory_space<hbm>>
      tpu.enqueue_indirect_dma source(%dma_start3A_274 : memref<1000000x32xf32, #tpu.memory_space<hbm>>) target(%dma_start3A_269 : memref<104x32xf32, #tpu.memory_space<vmem>>) offsets(%dma_start3A_271 : memref<104xi32, #tpu.memory_space<vmem>>) semaphore(%arg11 : memref<!tpu.dma_semaphore, #tpu.memory_space<semaphore_mem>>)
      %iota3A_275 = tpu.iota {dimensions = array<i32: 0>} : vector<16xi32>
      "tpu.region"() ({
        %run_scoped3A = tpu.sem_alloc : memref<!tpu.dma_semaphore, #tpu.memory_space<semaphore_mem>>
        %dma_start3A_1555 = arith.constant 0 : i32
        %dma_start3A_1556 = tpu.memref_slice %arg2[%add3A_20, %dma_start3A_1555] : memref<16384x26xi32, #tpu.memory_space<hbm>> -> memref<16x26xi32, #tpu.memory_space<hbm>>
        %dma_start3A_1557 = arith.constant 0 : i32
        %dma_start3A_1558 = tpu.memref_slice %arg2[%add3A_20, %dma_start3A_1557] : memref<16384x26xi32, #tpu.memory_space<hbm>> -> memref<16x26xi32, #tpu.memory_space<hbm>>
        tpu.enqueue_dma source(%dma_start3A_1558 : memref<16x26xi32, #tpu.memory_space<hbm>>) target(%arg8 : memref<16x26xi32, #tpu.memory_space<vmem>>) target_semaphore(%run_scoped3A : memref<!tpu.dma_semaphore, #tpu.memory_space<semaphore_mem>>)
        %dma_wait3A_1559 = arith.constant 0 : i32
        %dma_wait3A_1560 = tpu.memref_slice %arg2[%add3A_20, %dma_wait3A_1559] : memref<16384x26xi32, #tpu.memory_space<hbm>> -> memref<16x26xi32, #tpu.memory_space<hbm>>
        %dma_wait3A_1561 = arith.constant 0 : i32
        %dma_wait3A_1562 = tpu.memref_slice %arg2[%add3A_20, %dma_wait3A_1561] : memref<16384x26xi32, #tpu.memory_space<hbm>> -> memref<16x26xi32, #tpu.memory_space<hbm>>
        tpu.wait_dma2 semaphore(%run_scoped3A : memref<!tpu.dma_semaphore, #tpu.memory_space<semaphore_mem>>) src(%dma_wait3A_1562 : memref<16x26xi32, #tpu.memory_space<hbm>>) dst(%arg8 : memref<16x26xi32, #tpu.memory_space<vmem>>)
        tpu.yield
      }) : () -> ()
      %get3A_276 = arith.constant 0 : i32
      %get3A_277 = arith.index_cast %get3A_276 : i32 to index
      %get3A_278 = arith.constant 0 : index
      %get3A_279 = tpu.vector_load %arg8[%get3A_277, %get3A_278] {strides = array<i32>} : memref<16x26xi32, #tpu.memory_space<vmem>>, vector<16xi32>,
      %get3A_280 = arith.constant 0 : i32
      %get3A_281 = arith.index_cast %get3A_280 : i32 to index
      %get3A_282 = arith.constant 10 : index
      %get3A_283 = tpu.vector_load %arg8[%get3A_281, %get3A_282] {strides = array<i32>} : memref<16x26xi32, #tpu.memory_space<vmem>>, vector<16xi32>,
      %add3A_284 = arith.constant 0 : i32
      %add3A_285 = vector.broadcast %add3A_284 : i32 to vector<16xi32>
      %add3A_286 = arith.addi %iota3A_275, %add3A_285 : vector<16xi32>
      tpu.vector_store_idx %arg9[%add3A_286], %get3A_279 : memref<416xi32, #tpu.memory_space<vmem>>[vector<16xi32>], vector<16xi32>,
      %add3A_287 = arith.constant 10 : i32
      %add3A_288 = vector.broadcast %add3A_287 : i32 to vector<16xi32>
      %add3A_289 = arith.addi %iota3A_275, %add3A_288 : vector<16xi32>
      tpu.vector_store_idx %arg9[%add3A_289], %get3A_283 : memref<416xi32, #tpu.memory_space<vmem>>[vector<16xi32>], vector<16xi32>,
      %get3A_290 = arith.constant 1 : i32
      %get3A_291 = arith.index_cast %get3A_290 : i32 to index
      %get3A_292 = arith.constant 0 : index
      %get3A_293 = tpu.vector_load %arg8[%get3A_291, %get3A_292] {strides = array<i32>} : memref<16x26xi32, #tpu.memory_space<vmem>>, vector<16xi32>,
      %get3A_294 = arith.constant 1 : i32
      %get3A_295 = arith.index_cast %get3A_294 : i32 to index
      %get3A_296 = arith.constant 10 : index
      %get3A_297 = tpu.vector_load %arg8[%get3A_295, %get3A_296] {strides = array<i32>} : memref<16x26xi32, #tpu.memory_space<vmem>>, vector<16xi32>,
      %add3A_298 = arith.constant 26 : i32
      %add3A_299 = vector.broadcast %add3A_298 : i32 to vector<16xi32>
      %add3A_300 = arith.addi %iota3A_275, %add3A_299 : vector<16xi32>
      tpu.vector_store_idx %arg9[%add3A_300], %get3A_293 : memref<416xi32, #tpu.memory_space<vmem>>[vector<16xi32>], vector<16xi32>,
      %add3A_301 = arith.constant 36 : i32
      %add3A_302 = vector.broadcast %add3A_301 : i32 to vector<16xi32>
      %add3A_303 = arith.addi %iota3A_275, %add3A_302 : vector<16xi32>
      tpu.vector_store_idx %arg9[%add3A_303], %get3A_297 : memref<416xi32, #tpu.memory_space<vmem>>[vector<16xi32>], vector<16xi32>,
      %get3A_304 = arith.constant 2 : i32
      %get3A_305 = arith.index_cast %get3A_304 : i32 to index
      %get3A_306 = arith.constant 0 : index
      %get3A_307 = tpu.vector_load %arg8[%get3A_305, %get3A_306] {strides = array<i32>} : memref<16x26xi32, #tpu.memory_space<vmem>>, vector<16xi32>,
      %get3A_308 = arith.constant 2 : i32
      %get3A_309 = arith.index_cast %get3A_308 : i32 to index
      %get3A_310 = arith.constant 10 : index
      %get3A_311 = tpu.vector_load %arg8[%get3A_309, %get3A_310] {strides = array<i32>} : memref<16x26xi32, #tpu.memory_space<vmem>>, vector<16xi32>,
      %add3A_312 = arith.constant 52 : i32
      %add3A_313 = vector.broadcast %add3A_312 : i32 to vector<16xi32>
      %add3A_314 = arith.addi %iota3A_275, %add3A_313 : vector<16xi32>
      tpu.vector_store_idx %arg9[%add3A_314], %get3A_307 : memref<416xi32, #tpu.memory_space<vmem>>[vector<16xi32>], vector<16xi32>,
      %add3A_315 = arith.constant 62 : i32
      %add3A_316 = vector.broadcast %add3A_315 : i32 to vector<16xi32>
      %add3A_317 = arith.addi %iota3A_275, %add3A_316 : vector<16xi32>
      tpu.vector_store_idx %arg9[%add3A_317], %get3A_311 : memref<416xi32, #tpu.memory_space<vmem>>[vector<16xi32>], vector<16xi32>,
      %get3A_318 = arith.constant 3 : i32
      %get3A_319 = arith.index_cast %get3A_318 : i32 to index
      %get3A_320 = arith.constant 0 : index
      %get3A_321 = tpu.vector_load %arg8[%get3A_319, %get3A_320] {strides = array<i32>} : memref<16x26xi32, #tpu.memory_space<vmem>>, vector<16xi32>,
      %get3A_322 = arith.constant 3 : i32
      %get3A_323 = arith.index_cast %get3A_322 : i32 to index
      %get3A_324 = arith.constant 10 : index
      %get3A_325 = tpu.vector_load %arg8[%get3A_323, %get3A_324] {strides = array<i32>} : memref<16x26xi32, #tpu.memory_space<vmem>>, vector<16xi32>,
      %add3A_326 = arith.constant 78 : i32
      %add3A_327 = vector.broadcast %add3A_326 : i32 to vector<16xi32>
      %add3A_328 = arith.addi %iota3A_275, %add3A_327 : vector<16xi32>
      tpu.vector_store_idx %arg9[%add3A_328], %get3A_321 : memref<416xi32, #tpu.memory_space<vmem>>[vector<16xi32>], vector<16xi32>,
      %add3A_329 = arith.constant 88 : i32
      %add3A_330 = vector.broadcast %add3A_329 : i32 to vector<16xi32>
      %add3A_331 = arith.addi %iota3A_275, %add3A_330 : vector<16xi32>
      tpu.vector_store_idx %arg9[%add3A_331], %get3A_325 : memref<416xi32, #tpu.memory_space<vmem>>[vector<16xi32>], vector<16xi32>,
      %get3A_332 = arith.constant 4 : i32
      %get3A_333 = arith.index_cast %get3A_332 : i32 to index
      %get3A_334 = arith.constant 0 : index
      %get3A_335 = tpu.vector_load %arg8[%get3A_333, %get3A_334] {strides = array<i32>} : memref<16x26xi32, #tpu.memory_space<vmem>>, vector<16xi32>,
      %get3A_336 = arith.constant 4 : i32
      %get3A_337 = arith.index_cast %get3A_336 : i32 to index
      %get3A_338 = arith.constant 10 : index
      %get3A_339 = tpu.vector_load %arg8[%get3A_337, %get3A_338] {strides = array<i32>} : memref<16x26xi32, #tpu.memory_space<vmem>>, vector<16xi32>,
      %add3A_340 = arith.constant 104 : i32
      %add3A_341 = vector.broadcast %add3A_340 : i32 to vector<16xi32>
      %add3A_342 = arith.addi %iota3A_275, %add3A_341 : vector<16xi32>
      tpu.vector_store_idx %arg9[%add3A_342], %get3A_335 : memref<416xi32, #tpu.memory_space<vmem>>[vector<16xi32>], vector<16xi32>,
      %add3A_343 = arith.constant 114 : i32
      %add3A_344 = vector.broadcast %add3A_343 : i32 to vector<16xi32>
      %add3A_345 = arith.addi %iota3A_275, %add3A_344 : vector<16xi32>
      tpu.vector_store_idx %arg9[%add3A_345], %get3A_339 : memref<416xi32, #tpu.memory_space<vmem>>[vector<16xi32>], vector<16xi32>,
      %get3A_346 = arith.constant 5 : i32
      %get3A_347 = arith.index_cast %get3A_346 : i32 to index
      %get3A_348 = arith.constant 0 : index
      %get3A_349 = tpu.vector_load %arg8[%get3A_347, %get3A_348] {strides = array<i32>} : memref<16x26xi32, #tpu.memory_space<vmem>>, vector<16xi32>,
      %get3A_350 = arith.constant 5 : i32
      %get3A_351 = arith.index_cast %get3A_350 : i32 to index
      %get3A_352 = arith.constant 10 : index
      %get3A_353 = tpu.vector_load %arg8[%get3A_351, %get3A_352] {strides = array<i32>} : memref<16x26xi32, #tpu.memory_space<vmem>>, vector<16xi32>,
      %add3A_354 = arith.constant 130 : i32
      %add3A_355 = vector.broadcast %add3A_354 : i32 to vector<16xi32>
      %add3A_356 = arith.addi %iota3A_275, %add3A_355 : vector<16xi32>
      tpu.vector_store_idx %arg9[%add3A_356], %get3A_349 : memref<416xi32, #tpu.memory_space<vmem>>[vector<16xi32>], vector<16xi32>,
      %add3A_357 = arith.constant 140 : i32
      %add3A_358 = vector.broadcast %add3A_357 : i32 to vector<16xi32>
      %add3A_359 = arith.addi %iota3A_275, %add3A_358 : vector<16xi32>
      tpu.vector_store_idx %arg9[%add3A_359], %get3A_353 : memref<416xi32, #tpu.memory_space<vmem>>[vector<16xi32>], vector<16xi32>,
      %get3A_360 = arith.constant 6 : i32
      %get3A_361 = arith.index_cast %get3A_360 : i32 to index
      %get3A_362 = arith.constant 0 : index
      %get3A_363 = tpu.vector_load %arg8[%get3A_361, %get3A_362] {strides = array<i32>} : memref<16x26xi32, #tpu.memory_space<vmem>>, vector<16xi32>,
      %get3A_364 = arith.constant 6 : i32
      %get3A_365 = arith.index_cast %get3A_364 : i32 to index
      %get3A_366 = arith.constant 10 : index
      %get3A_367 = tpu.vector_load %arg8[%get3A_365, %get3A_366] {strides = array<i32>} : memref<16x26xi32, #tpu.memory_space<vmem>>, vector<16xi32>,
      %add3A_368 = arith.constant 156 : i32
      %add3A_369 = vector.broadcast %add3A_368 : i32 to vector<16xi32>
      %add3A_370 = arith.addi %iota3A_275, %add3A_369 : vector<16xi32>
      tpu.vector_store_idx %arg9[%add3A_370], %get3A_363 : memref<416xi32, #tpu.memory_space<vmem>>[vector<16xi32>], vector<16xi32>,
      %add3A_371 = arith.constant 166 : i32
      %add3A_372 = vector.broadcast %add3A_371 : i32 to vector<16xi32>
      %add3A_373 = arith.addi %iota3A_275, %add3A_372 : vector<16xi32>
      tpu.vector_store_idx %arg9[%add3A_373], %get3A_367 : memref<416xi32, #tpu.memory_space<vmem>>[vector<16xi32>], vector<16xi32>,
      %get3A_374 = arith.constant 7 : i32
      %get3A_375 = arith.index_cast %get3A_374 : i32 to index
      %get3A_376 = arith.constant 0 : index
      %get3A_377 = tpu.vector_load %arg8[%get3A_375, %get3A_376] {strides = array<i32>} : memref<16x26xi32, #tpu.memory_space<vmem>>, vector<16xi32>,
      %get3A_378 = arith.constant 7 : i32
      %get3A_379 = arith.index_cast %get3A_378 : i32 to index
      %get3A_380 = arith.constant 10 : index
      %get3A_381 = tpu.vector_load %arg8[%get3A_379, %get3A_380] {strides = array<i32>} : memref<16x26xi32, #tpu.memory_space<vmem>>, vector<16xi32>,
      %add3A_382 = arith.constant 182 : i32
      %add3A_383 = vector.broadcast %add3A_382 : i32 to vector<16xi32>
      %add3A_384 = arith.addi %iota3A_275, %add3A_383 : vector<16xi32>
      tpu.vector_store_idx %arg9[%add3A_384], %get3A_377 : memref<416xi32, #tpu.memory_space<vmem>>[vector<16xi32>], vector<16xi32>,
      %add3A_385 = arith.constant 192 : i32
      %add3A_386 = vector.broadcast %add3A_385 : i32 to vector<16xi32>
      %add3A_387 = arith.addi %iota3A_275, %add3A_386 : vector<16xi32>
      tpu.vector_store_idx %arg9[%add3A_387], %get3A_381 : memref<416xi32, #tpu.memory_space<vmem>>[vector<16xi32>], vector<16xi32>,
      %get3A_388 = arith.constant 8 : i32
      %get3A_389 = arith.index_cast %get3A_388 : i32 to index
      %get3A_390 = arith.constant 0 : index
      %get3A_391 = tpu.vector_load %arg8[%get3A_389, %get3A_390] {strides = array<i32>} : memref<16x26xi32, #tpu.memory_space<vmem>>, vector<16xi32>,
      %get3A_392 = arith.constant 8 : i32
      %get3A_393 = arith.index_cast %get3A_392 : i32 to index
      %get3A_394 = arith.constant 10 : index
      %get3A_395 = tpu.vector_load %arg8[%get3A_393, %get3A_394] {strides = array<i32>} : memref<16x26xi32, #tpu.memory_space<vmem>>, vector<16xi32>,
      %add3A_396 = arith.constant 208 : i32
      %add3A_397 = vector.broadcast %add3A_396 : i32 to vector<16xi32>
      %add3A_398 = arith.addi %iota3A_275, %add3A_397 : vector<16xi32>
      tpu.vector_store_idx %arg9[%add3A_398], %get3A_391 : memref<416xi32, #tpu.memory_space<vmem>>[vector<16xi32>], vector<16xi32>,
      %add3A_399 = arith.constant 218 : i32
      %add3A_400 = vector.broadcast %add3A_399 : i32 to vector<16xi32>
      %add3A_401 = arith.addi %iota3A_275, %add3A_400 : vector<16xi32>
      tpu.vector_store_idx %arg9[%add3A_401], %get3A_395 : memref<416xi32, #tpu.memory_space<vmem>>[vector<16xi32>], vector<16xi32>,
      %get3A_402 = arith.constant 9 : i32
      %get3A_403 = arith.index_cast %get3A_402 : i32 to index
      %get3A_404 = arith.constant 0 : index
      %get3A_405 = tpu.vector_load %arg8[%get3A_403, %get3A_404] {strides = array<i32>} : memref<16x26xi32, #tpu.memory_space<vmem>>, vector<16xi32>,
      %get3A_406 = arith.constant 9 : i32
      %get3A_407 = arith.index_cast %get3A_406 : i32 to index
      %get3A_408 = arith.constant 10 : index
      %get3A_409 = tpu.vector_load %arg8[%get3A_407, %get3A_408] {strides = array<i32>} : memref<16x26xi32, #tpu.memory_space<vmem>>, vector<16xi32>,
      %add3A_410 = arith.constant 234 : i32
      %add3A_411 = vector.broadcast %add3A_410 : i32 to vector<16xi32>
      %add3A_412 = arith.addi %iota3A_275, %add3A_411 : vector<16xi32>
      tpu.vector_store_idx %arg9[%add3A_412], %get3A_405 : memref<416xi32, #tpu.memory_space<vmem>>[vector<16xi32>], vector<16xi32>,
      %add3A_413 = arith.constant 244 : i32
      %add3A_414 = vector.broadcast %add3A_413 : i32 to vector<16xi32>
      %add3A_415 = arith.addi %iota3A_275, %add3A_414 : vector<16xi32>
      tpu.vector_store_idx %arg9[%add3A_415], %get3A_409 : memref<416xi32, #tpu.memory_space<vmem>>[vector<16xi32>], vector<16xi32>,
      %get3A_416 = arith.constant 10 : i32
      %get3A_417 = arith.index_cast %get3A_416 : i32 to index
      %get3A_418 = arith.constant 0 : index
      %get3A_419 = tpu.vector_load %arg8[%get3A_417, %get3A_418] {strides = array<i32>} : memref<16x26xi32, #tpu.memory_space<vmem>>, vector<16xi32>,
      %get3A_420 = arith.constant 10 : i32
      %get3A_421 = arith.index_cast %get3A_420 : i32 to index
      %get3A_422 = arith.constant 10 : index
      %get3A_423 = tpu.vector_load %arg8[%get3A_421, %get3A_422] {strides = array<i32>} : memref<16x26xi32, #tpu.memory_space<vmem>>, vector<16xi32>,
      %add3A_424 = arith.constant 260 : i32
      %add3A_425 = vector.broadcast %add3A_424 : i32 to vector<16xi32>
      %add3A_426 = arith.addi %iota3A_275, %add3A_425 : vector<16xi32>
      tpu.vector_store_idx %arg9[%add3A_426], %get3A_419 : memref<416xi32, #tpu.memory_space<vmem>>[vector<16xi32>], vector<16xi32>,
      %add3A_427 = arith.constant 270 : i32
      %add3A_428 = vector.broadcast %add3A_427 : i32 to vector<16xi32>
      %add3A_429 = arith.addi %iota3A_275, %add3A_428 : vector<16xi32>
      tpu.vector_store_idx %arg9[%add3A_429], %get3A_423 : memref<416xi32, #tpu.memory_space<vmem>>[vector<16xi32>], vector<16xi32>,
      %get3A_430 = arith.constant 11 : i32
      %get3A_431 = arith.index_cast %get3A_430 : i32 to index
      %get3A_432 = arith.constant 0 : index
      %get3A_433 = tpu.vector_load %arg8[%get3A_431, %get3A_432] {strides = array<i32>} : memref<16x26xi32, #tpu.memory_space<vmem>>, vector<16xi32>,
      %get3A_434 = arith.constant 11 : i32
      %get3A_435 = arith.index_cast %get3A_434 : i32 to index
      %get3A_436 = arith.constant 10 : index
      %get3A_437 = tpu.vector_load %arg8[%get3A_435, %get3A_436] {strides = array<i32>} : memref<16x26xi32, #tpu.memory_space<vmem>>, vector<16xi32>,
      %add3A_438 = arith.constant 286 : i32
      %add3A_439 = vector.broadcast %add3A_438 : i32 to vector<16xi32>
      %add3A_440 = arith.addi %iota3A_275, %add3A_439 : vector<16xi32>
      tpu.vector_store_idx %arg9[%add3A_440], %get3A_433 : memref<416xi32, #tpu.memory_space<vmem>>[vector<16xi32>], vector<16xi32>,
      %add3A_441 = arith.constant 296 : i32
      %add3A_442 = vector.broadcast %add3A_441 : i32 to vector<16xi32>
      %add3A_443 = arith.addi %iota3A_275, %add3A_442 : vector<16xi32>
      tpu.vector_store_idx %arg9[%add3A_443], %get3A_437 : memref<416xi32, #tpu.memory_space<vmem>>[vector<16xi32>], vector<16xi32>,
      %get3A_444 = arith.constant 12 : i32
      %get3A_445 = arith.index_cast %get3A_444 : i32 to index
      %get3A_446 = arith.constant 0 : index
      %get3A_447 = tpu.vector_load %arg8[%get3A_445, %get3A_446] {strides = array<i32>} : memref<16x26xi32, #tpu.memory_space<vmem>>, vector<16xi32>,
      %get3A_448 = arith.constant 12 : i32
      %get3A_449 = arith.index_cast %get3A_448 : i32 to index
      %get3A_450 = arith.constant 10 : index
      %get3A_451 = tpu.vector_load %arg8[%get3A_449, %get3A_450] {strides = array<i32>} : memref<16x26xi32, #tpu.memory_space<vmem>>, vector<16xi32>,
      %add3A_452 = arith.constant 312 : i32
      %add3A_453 = vector.broadcast %add3A_452 : i32 to vector<16xi32>
      %add3A_454 = arith.addi %iota3A_275, %add3A_453 : vector<16xi32>
      tpu.vector_store_idx %arg9[%add3A_454], %get3A_447 : memref<416xi32, #tpu.memory_space<vmem>>[vector<16xi32>], vector<16xi32>,
      %add3A_455 = arith.constant 322 : i32
      %add3A_456 = vector.broadcast %add3A_455 : i32 to vector<16xi32>
      %add3A_457 = arith.addi %iota3A_275, %add3A_456 : vector<16xi32>
      tpu.vector_store_idx %arg9[%add3A_457], %get3A_451 : memref<416xi32, #tpu.memory_space<vmem>>[vector<16xi32>], vector<16xi32>,
      %get3A_458 = arith.constant 13 : i32
      %get3A_459 = arith.index_cast %get3A_458 : i32 to index
      %get3A_460 = arith.constant 0 : index
      %get3A_461 = tpu.vector_load %arg8[%get3A_459, %get3A_460] {strides = array<i32>} : memref<16x26xi32, #tpu.memory_space<vmem>>, vector<16xi32>,
      %get3A_462 = arith.constant 13 : i32
      %get3A_463 = arith.index_cast %get3A_462 : i32 to index
      %get3A_464 = arith.constant 10 : index
      %get3A_465 = tpu.vector_load %arg8[%get3A_463, %get3A_464] {strides = array<i32>} : memref<16x26xi32, #tpu.memory_space<vmem>>, vector<16xi32>,
      %add3A_466 = arith.constant 338 : i32
      %add3A_467 = vector.broadcast %add3A_466 : i32 to vector<16xi32>
      %add3A_468 = arith.addi %iota3A_275, %add3A_467 : vector<16xi32>
      tpu.vector_store_idx %arg9[%add3A_468], %get3A_461 : memref<416xi32, #tpu.memory_space<vmem>>[vector<16xi32>], vector<16xi32>,
      %add3A_469 = arith.constant 348 : i32
      %add3A_470 = vector.broadcast %add3A_469 : i32 to vector<16xi32>
      %add3A_471 = arith.addi %iota3A_275, %add3A_470 : vector<16xi32>
      tpu.vector_store_idx %arg9[%add3A_471], %get3A_465 : memref<416xi32, #tpu.memory_space<vmem>>[vector<16xi32>], vector<16xi32>,
      %get3A_472 = arith.constant 14 : i32
      %get3A_473 = arith.index_cast %get3A_472 : i32 to index
      %get3A_474 = arith.constant 0 : index
      %get3A_475 = tpu.vector_load %arg8[%get3A_473, %get3A_474] {strides = array<i32>} : memref<16x26xi32, #tpu.memory_space<vmem>>, vector<16xi32>,
      %get3A_476 = arith.constant 14 : i32
      %get3A_477 = arith.index_cast %get3A_476 : i32 to index
      %get3A_478 = arith.constant 10 : index
      %get3A_479 = tpu.vector_load %arg8[%get3A_477, %get3A_478] {strides = array<i32>} : memref<16x26xi32, #tpu.memory_space<vmem>>, vector<16xi32>,
      %add3A_480 = arith.constant 364 : i32
      %add3A_481 = vector.broadcast %add3A_480 : i32 to vector<16xi32>
      %add3A_482 = arith.addi %iota3A_275, %add3A_481 : vector<16xi32>
      tpu.vector_store_idx %arg9[%add3A_482], %get3A_475 : memref<416xi32, #tpu.memory_space<vmem>>[vector<16xi32>], vector<16xi32>,
      %add3A_483 = arith.constant 374 : i32
      %add3A_484 = vector.broadcast %add3A_483 : i32 to vector<16xi32>
      %add3A_485 = arith.addi %iota3A_275, %add3A_484 : vector<16xi32>
      tpu.vector_store_idx %arg9[%add3A_485], %get3A_479 : memref<416xi32, #tpu.memory_space<vmem>>[vector<16xi32>], vector<16xi32>,
      %get3A_486 = arith.constant 15 : i32
      %get3A_487 = arith.index_cast %get3A_486 : i32 to index
      %get3A_488 = arith.constant 0 : index
      %get3A_489 = tpu.vector_load %arg8[%get3A_487, %get3A_488] {strides = array<i32>} : memref<16x26xi32, #tpu.memory_space<vmem>>, vector<16xi32>,
      %get3A_490 = arith.constant 15 : i32
      %get3A_491 = arith.index_cast %get3A_490 : i32 to index
      %get3A_492 = arith.constant 10 : index
      %get3A_493 = tpu.vector_load %arg8[%get3A_491, %get3A_492] {strides = array<i32>} : memref<16x26xi32, #tpu.memory_space<vmem>>, vector<16xi32>,
      %add3A_494 = arith.constant 390 : i32
      %add3A_495 = vector.broadcast %add3A_494 : i32 to vector<16xi32>
      %add3A_496 = arith.addi %iota3A_275, %add3A_495 : vector<16xi32>
      tpu.vector_store_idx %arg9[%add3A_496], %get3A_489 : memref<416xi32, #tpu.memory_space<vmem>>[vector<16xi32>], vector<16xi32>,
      %add3A_497 = arith.constant 400 : i32
      %add3A_498 = vector.broadcast %add3A_497 : i32 to vector<16xi32>
      %add3A_499 = arith.addi %iota3A_275, %add3A_498 : vector<16xi32>
      tpu.vector_store_idx %arg9[%add3A_499], %get3A_493 : memref<416xi32, #tpu.memory_space<vmem>>[vector<16xi32>], vector<16xi32>,
      %dma_start3A_500 = arith.constant 0 : i32
      %dma_start3A_501 = arith.constant 0 : i32
      %dma_start3A_502 = tpu.memref_slice %arg10[%dma_start3A_500, %dma_start3A_501] : memref<416x32xf32, #tpu.memory_space<vmem>> -> memref<104x32xf32, #tpu.memory_space<vmem>>
      %dma_start3A_503 = arith.constant 0 : i32
      %dma_start3A_504 = tpu.memref_slice %arg9[%dma_start3A_503] : memref<416xi32, #tpu.memory_space<vmem>> -> memref<104xi32, #tpu.memory_space<vmem>>
      %dma_start3A_505 = arith.constant 0 : i32
      %dma_start3A_506 = arith.constant 0 : i32
      %dma_start3A_507 = tpu.memref_slice %arg3[%dma_start3A_505, %dma_start3A_506] : memref<1000000x32xf32, #tpu.memory_space<hbm>> -> memref<1000000x32xf32, #tpu.memory_space<hbm>>
      tpu.enqueue_indirect_dma source(%dma_start3A_507 : memref<1000000x32xf32, #tpu.memory_space<hbm>>) target(%dma_start3A_502 : memref<104x32xf32, #tpu.memory_space<vmem>>) offsets(%dma_start3A_504 : memref<104xi32, #tpu.memory_space<vmem>>) semaphore(%arg12 : memref<!tpu.dma_semaphore, #tpu.memory_space<semaphore_mem>>)
      %dma_start3A_508 = arith.constant 104 : i32
      %dma_start3A_509 = arith.constant 0 : i32
      %dma_start3A_510 = tpu.memref_slice %arg10[%dma_start3A_508, %dma_start3A_509] : memref<416x32xf32, #tpu.memory_space<vmem>> -> memref<104x32xf32, #tpu.memory_space<vmem>>
      %dma_start3A_511 = arith.constant 104 : i32
      %dma_start3A_512 = tpu.memref_slice %arg9[%dma_start3A_511] : memref<416xi32, #tpu.memory_space<vmem>> -> memref<104xi32, #tpu.memory_space<vmem>>
      %dma_start3A_513 = arith.constant 0 : i32
      %dma_start3A_514 = arith.constant 0 : i32
      %dma_start3A_515 = tpu.memref_slice %arg3[%dma_start3A_513, %dma_start3A_514] : memref<1000000x32xf32, #tpu.memory_space<hbm>> -> memref<1000000x32xf32, #tpu.memory_space<hbm>>
      tpu.enqueue_indirect_dma source(%dma_start3A_515 : memref<1000000x32xf32, #tpu.memory_space<hbm>>) target(%dma_start3A_510 : memref<104x32xf32, #tpu.memory_space<vmem>>) offsets(%dma_start3A_512 : memref<104xi32, #tpu.memory_space<vmem>>) semaphore(%arg12 : memref<!tpu.dma_semaphore, #tpu.memory_space<semaphore_mem>>)
      %dma_start3A_516 = arith.constant 208 : i32
      %dma_start3A_517 = arith.constant 0 : i32
      %dma_start3A_518 = tpu.memref_slice %arg10[%dma_start3A_516, %dma_start3A_517] : memref<416x32xf32, #tpu.memory_space<vmem>> -> memref<104x32xf32, #tpu.memory_space<vmem>>
      %dma_start3A_519 = arith.constant 208 : i32
      %dma_start3A_520 = tpu.memref_slice %arg9[%dma_start3A_519] : memref<416xi32, #tpu.memory_space<vmem>> -> memref<104xi32, #tpu.memory_space<vmem>>
      %dma_start3A_521 = arith.constant 0 : i32
      %dma_start3A_522 = arith.constant 0 : i32
      %dma_start3A_523 = tpu.memref_slice %arg3[%dma_start3A_521, %dma_start3A_522] : memref<1000000x32xf32, #tpu.memory_space<hbm>> -> memref<1000000x32xf32, #tpu.memory_space<hbm>>
      tpu.enqueue_indirect_dma source(%dma_start3A_523 : memref<1000000x32xf32, #tpu.memory_space<hbm>>) target(%dma_start3A_518 : memref<104x32xf32, #tpu.memory_space<vmem>>) offsets(%dma_start3A_520 : memref<104xi32, #tpu.memory_space<vmem>>) semaphore(%arg12 : memref<!tpu.dma_semaphore, #tpu.memory_space<semaphore_mem>>)
      %dma_start3A_524 = arith.constant 312 : i32
      %dma_start3A_525 = arith.constant 0 : i32
      %dma_start3A_526 = tpu.memref_slice %arg10[%dma_start3A_524, %dma_start3A_525] : memref<416x32xf32, #tpu.memory_space<vmem>> -> memref<104x32xf32, #tpu.memory_space<vmem>>
      %dma_start3A_527 = arith.constant 312 : i32
      %dma_start3A_528 = tpu.memref_slice %arg9[%dma_start3A_527] : memref<416xi32, #tpu.memory_space<vmem>> -> memref<104xi32, #tpu.memory_space<vmem>>
      %dma_start3A_529 = arith.constant 0 : i32
      %dma_start3A_530 = arith.constant 0 : i32
      %dma_start3A_531 = tpu.memref_slice %arg3[%dma_start3A_529, %dma_start3A_530] : memref<1000000x32xf32, #tpu.memory_space<hbm>> -> memref<1000000x32xf32, #tpu.memory_space<hbm>>
      tpu.enqueue_indirect_dma source(%dma_start3A_531 : memref<1000000x32xf32, #tpu.memory_space<hbm>>) target(%dma_start3A_526 : memref<104x32xf32, #tpu.memory_space<vmem>>) offsets(%dma_start3A_528 : memref<104xi32, #tpu.memory_space<vmem>>) semaphore(%arg12 : memref<!tpu.dma_semaphore, #tpu.memory_space<semaphore_mem>>)
      %dma_wait3A = arith.constant 0 : i32
      %dma_wait3A_532 = arith.constant 0 : i32
      %dma_wait3A_533 = tpu.memref_slice %arg7[%dma_wait3A, %dma_wait3A_532] : memref<416x32xf32, #tpu.memory_space<vmem>> -> memref<104x32xf32, #tpu.memory_space<vmem>>
      %dma_wait3A_534 = arith.constant 0 : i32
      %dma_wait3A_535 = tpu.memref_slice %arg6[%dma_wait3A_534] : memref<416xi32, #tpu.memory_space<vmem>> -> memref<104xi32, #tpu.memory_space<vmem>>
      %dma_wait3A_536 = arith.constant 0 : i32
      %dma_wait3A_537 = arith.constant 0 : i32
      %dma_wait3A_538 = tpu.memref_slice %arg3[%dma_wait3A_536, %dma_wait3A_537] : memref<1000000x32xf32, #tpu.memory_space<hbm>> -> memref<1000000x32xf32, #tpu.memory_space<hbm>>
      tpu.wait_indirect_dma semaphore(%arg11 : memref<!tpu.dma_semaphore, #tpu.memory_space<semaphore_mem>>) src(%dma_wait3A_538 : memref<1000000x32xf32, #tpu.memory_space<hbm>>) dst(%dma_wait3A_533 : memref<104x32xf32, #tpu.memory_space<vmem>>)
      %dma_wait3A_539 = arith.constant 104 : i32
      %dma_wait3A_540 = arith.constant 0 : i32
      %dma_wait3A_541 = tpu.memref_slice %arg7[%dma_wait3A_539, %dma_wait3A_540] : memref<416x32xf32, #tpu.memory_space<vmem>> -> memref<104x32xf32, #tpu.memory_space<vmem>>
      %dma_wait3A_542 = arith.constant 104 : i32
      %dma_wait3A_543 = tpu.memref_slice %arg6[%dma_wait3A_542] : memref<416xi32, #tpu.memory_space<vmem>> -> memref<104xi32, #tpu.memory_space<vmem>>
      %dma_wait3A_544 = arith.constant 0 : i32
      %dma_wait3A_545 = arith.constant 0 : i32
      %dma_wait3A_546 = tpu.memref_slice %arg3[%dma_wait3A_544, %dma_wait3A_545] : memref<1000000x32xf32, #tpu.memory_space<hbm>> -> memref<1000000x32xf32, #tpu.memory_space<hbm>>
      tpu.wait_indirect_dma semaphore(%arg11 : memref<!tpu.dma_semaphore, #tpu.memory_space<semaphore_mem>>) src(%dma_wait3A_546 : memref<1000000x32xf32, #tpu.memory_space<hbm>>) dst(%dma_wait3A_541 : memref<104x32xf32, #tpu.memory_space<vmem>>)
      %dma_wait3A_547 = arith.constant 208 : i32
      %dma_wait3A_548 = arith.constant 0 : i32
      %dma_wait3A_549 = tpu.memref_slice %arg7[%dma_wait3A_547, %dma_wait3A_548] : memref<416x32xf32, #tpu.memory_space<vmem>> -> memref<104x32xf32, #tpu.memory_space<vmem>>
      %dma_wait3A_550 = arith.constant 208 : i32
      %dma_wait3A_551 = tpu.memref_slice %arg6[%dma_wait3A_550] : memref<416xi32, #tpu.memory_space<vmem>> -> memref<104xi32, #tpu.memory_space<vmem>>
      %dma_wait3A_552 = arith.constant 0 : i32
      %dma_wait3A_553 = arith.constant 0 : i32
      %dma_wait3A_554 = tpu.memref_slice %arg3[%dma_wait3A_552, %dma_wait3A_553] : memref<1000000x32xf32, #tpu.memory_space<hbm>> -> memref<1000000x32xf32, #tpu.memory_space<hbm>>
      tpu.wait_indirect_dma semaphore(%arg11 : memref<!tpu.dma_semaphore, #tpu.memory_space<semaphore_mem>>) src(%dma_wait3A_554 : memref<1000000x32xf32, #tpu.memory_space<hbm>>) dst(%dma_wait3A_549 : memref<104x32xf32, #tpu.memory_space<vmem>>)
      %dma_wait3A_555 = arith.constant 312 : i32
      %dma_wait3A_556 = arith.constant 0 : i32
      %dma_wait3A_557 = tpu.memref_slice %arg7[%dma_wait3A_555, %dma_wait3A_556] : memref<416x32xf32, #tpu.memory_space<vmem>> -> memref<104x32xf32, #tpu.memory_space<vmem>>
      %dma_wait3A_558 = arith.constant 312 : i32
      %dma_wait3A_559 = tpu.memref_slice %arg6[%dma_wait3A_558] : memref<416xi32, #tpu.memory_space<vmem>> -> memref<104xi32, #tpu.memory_space<vmem>>
      %dma_wait3A_560 = arith.constant 0 : i32
      %dma_wait3A_561 = arith.constant 0 : i32
      %dma_wait3A_562 = tpu.memref_slice %arg3[%dma_wait3A_560, %dma_wait3A_561] : memref<1000000x32xf32, #tpu.memory_space<hbm>> -> memref<1000000x32xf32, #tpu.memory_space<hbm>>
      tpu.wait_indirect_dma semaphore(%arg11 : memref<!tpu.dma_semaphore, #tpu.memory_space<semaphore_mem>>) src(%dma_wait3A_562 : memref<1000000x32xf32, #tpu.memory_space<hbm>>) dst(%dma_wait3A_557 : memref<104x32xf32, #tpu.memory_space<vmem>>)
      %add3A_563 = arith.constant 0 : i32
      %add3A_564 = arith.addi %add3A_13, %add3A_563 : i32
      %dma_start3A_565 = arith.constant 0 : i32
      %dma_start3A_566 = arith.constant 0 : i32
      %dma_start3A_567 = tpu.memref_slice %arg7[%dma_start3A_565, %dma_start3A_566] : memref<416x32xf32, #tpu.memory_space<vmem>> -> memref<26x32xf32, #tpu.memory_space<vmem>>
      %dma_start3A_568 = arith.constant 0 : i32
      %dma_start3A_569 = arith.constant 0 : i32
      %dma_start3A_570 = tpu.memref_slice %arg4[%add3A_564, %dma_start3A_568, %dma_start3A_569] : memref<16384x26x32xf32, #tpu.memory_space<hbm>> -> memref<1x26x32xf32, #tpu.memory_space<hbm>>
      %dma_start3A_571 = tpu.memref_squeeze %dma_start3A_570 : memref<1x26x32xf32, #tpu.memory_space<hbm>> -> memref<26x32xf32, #tpu.memory_space<hbm>>
      %dma_start3A_572 = arith.constant 0 : i32
      %dma_start3A_573 = arith.constant 0 : i32
      %dma_start3A_574 = tpu.memref_slice %arg4[%add3A_564, %dma_start3A_572, %dma_start3A_573] : memref<16384x26x32xf32, #tpu.memory_space<hbm>> -> memref<1x26x32xf32, #tpu.memory_space<hbm>>
      %dma_start3A_575 = tpu.memref_squeeze %dma_start3A_574 : memref<1x26x32xf32, #tpu.memory_space<hbm>> -> memref<26x32xf32, #tpu.memory_space<hbm>>
      %dma_start3A_576 = arith.constant 0 : i32
      %dma_start3A_577 = arith.constant 0 : i32
      %dma_start3A_578 = tpu.memref_slice %arg7[%dma_start3A_576, %dma_start3A_577] : memref<416x32xf32, #tpu.memory_space<vmem>> -> memref<26x32xf32, #tpu.memory_space<vmem>>
      tpu.enqueue_dma source(%dma_start3A_578 : memref<26x32xf32, #tpu.memory_space<vmem>>) target(%dma_start3A_575 : memref<26x32xf32, #tpu.memory_space<hbm>>) target_semaphore(%arg13 : memref<!tpu.dma_semaphore, #tpu.memory_space<semaphore_mem>>)
      %add3A_579 = arith.constant 1 : i32
      %add3A_580 = arith.addi %add3A_13, %add3A_579 : i32
      %dma_start3A_581 = arith.constant 26 : i32
      %dma_start3A_582 = arith.constant 0 : i32
      %dma_start3A_583 = tpu.memref_slice %arg7[%dma_start3A_581, %dma_start3A_582] : memref<416x32xf32, #tpu.memory_space<vmem>> -> memref<26x32xf32, #tpu.memory_space<vmem>>
      %dma_start3A_584 = arith.constant 0 : i32
      %dma_start3A_585 = arith.constant 0 : i32
      %dma_start3A_586 = tpu.memref_slice %arg4[%add3A_580, %dma_start3A_584, %dma_start3A_585] : memref<16384x26x32xf32, #tpu.memory_space<hbm>> -> memref<1x26x32xf32, #tpu.memory_space<hbm>>
      %dma_start3A_587 = tpu.memref_squeeze %dma_start3A_586 : memref<1x26x32xf32, #tpu.memory_space<hbm>> -> memref<26x32xf32, #tpu.memory_space<hbm>>
      %dma_start3A_588 = arith.constant 0 : i32
      %dma_start3A_589 = arith.constant 0 : i32
      %dma_start3A_590 = tpu.memref_slice %arg4[%add3A_580, %dma_start3A_588, %dma_start3A_589] : memref<16384x26x32xf32, #tpu.memory_space<hbm>> -> memref<1x26x32xf32, #tpu.memory_space<hbm>>
      %dma_start3A_591 = tpu.memref_squeeze %dma_start3A_590 : memref<1x26x32xf32, #tpu.memory_space<hbm>> -> memref<26x32xf32, #tpu.memory_space<hbm>>
      %dma_start3A_592 = arith.constant 26 : i32
      %dma_start3A_593 = arith.constant 0 : i32
      %dma_start3A_594 = tpu.memref_slice %arg7[%dma_start3A_592, %dma_start3A_593] : memref<416x32xf32, #tpu.memory_space<vmem>> -> memref<26x32xf32, #tpu.memory_space<vmem>>
      tpu.enqueue_dma source(%dma_start3A_594 : memref<26x32xf32, #tpu.memory_space<vmem>>) target(%dma_start3A_591 : memref<26x32xf32, #tpu.memory_space<hbm>>) target_semaphore(%arg13 : memref<!tpu.dma_semaphore, #tpu.memory_space<semaphore_mem>>)
      %add3A_595 = arith.constant 2 : i32
      %add3A_596 = arith.addi %add3A_13, %add3A_595 : i32
      %dma_start3A_597 = arith.constant 52 : i32
      %dma_start3A_598 = arith.constant 0 : i32
      %dma_start3A_599 = tpu.memref_slice %arg7[%dma_start3A_597, %dma_start3A_598] : memref<416x32xf32, #tpu.memory_space<vmem>> -> memref<26x32xf32, #tpu.memory_space<vmem>>
      %dma_start3A_600 = arith.constant 0 : i32
      %dma_start3A_601 = arith.constant 0 : i32
      %dma_start3A_602 = tpu.memref_slice %arg4[%add3A_596, %dma_start3A_600, %dma_start3A_601] : memref<16384x26x32xf32, #tpu.memory_space<hbm>> -> memref<1x26x32xf32, #tpu.memory_space<hbm>>
      %dma_start3A_603 = tpu.memref_squeeze %dma_start3A_602 : memref<1x26x32xf32, #tpu.memory_space<hbm>> -> memref<26x32xf32, #tpu.memory_space<hbm>>
      %dma_start3A_604 = arith.constant 0 : i32
      %dma_start3A_605 = arith.constant 0 : i32
      %dma_start3A_606 = tpu.memref_slice %arg4[%add3A_596, %dma_start3A_604, %dma_start3A_605] : memref<16384x26x32xf32, #tpu.memory_space<hbm>> -> memref<1x26x32xf32, #tpu.memory_space<hbm>>
      %dma_start3A_607 = tpu.memref_squeeze %dma_start3A_606 : memref<1x26x32xf32, #tpu.memory_space<hbm>> -> memref<26x32xf32, #tpu.memory_space<hbm>>
      %dma_start3A_608 = arith.constant 52 : i32
      %dma_start3A_609 = arith.constant 0 : i32
      %dma_start3A_610 = tpu.memref_slice %arg7[%dma_start3A_608, %dma_start3A_609] : memref<416x32xf32, #tpu.memory_space<vmem>> -> memref<26x32xf32, #tpu.memory_space<vmem>>
      tpu.enqueue_dma source(%dma_start3A_610 : memref<26x32xf32, #tpu.memory_space<vmem>>) target(%dma_start3A_607 : memref<26x32xf32, #tpu.memory_space<hbm>>) target_semaphore(%arg13 : memref<!tpu.dma_semaphore, #tpu.memory_space<semaphore_mem>>)
      %add3A_611 = arith.constant 3 : i32
      %add3A_612 = arith.addi %add3A_13, %add3A_611 : i32
      %dma_start3A_613 = arith.constant 78 : i32
      %dma_start3A_614 = arith.constant 0 : i32
      %dma_start3A_615 = tpu.memref_slice %arg7[%dma_start3A_613, %dma_start3A_614] : memref<416x32xf32, #tpu.memory_space<vmem>> -> memref<26x32xf32, #tpu.memory_space<vmem>>
      %dma_start3A_616 = arith.constant 0 : i32
      %dma_start3A_617 = arith.constant 0 : i32
      %dma_start3A_618 = tpu.memref_slice %arg4[%add3A_612, %dma_start3A_616, %dma_start3A_617] : memref<16384x26x32xf32, #tpu.memory_space<hbm>> -> memref<1x26x32xf32, #tpu.memory_space<hbm>>
      %dma_start3A_619 = tpu.memref_squeeze %dma_start3A_618 : memref<1x26x32xf32, #tpu.memory_space<hbm>> -> memref<26x32xf32, #tpu.memory_space<hbm>>
      %dma_start3A_620 = arith.constant 0 : i32
      %dma_start3A_621 = arith.constant 0 : i32
      %dma_start3A_622 = tpu.memref_slice %arg4[%add3A_612, %dma_start3A_620, %dma_start3A_621] : memref<16384x26x32xf32, #tpu.memory_space<hbm>> -> memref<1x26x32xf32, #tpu.memory_space<hbm>>
      %dma_start3A_623 = tpu.memref_squeeze %dma_start3A_622 : memref<1x26x32xf32, #tpu.memory_space<hbm>> -> memref<26x32xf32, #tpu.memory_space<hbm>>
      %dma_start3A_624 = arith.constant 78 : i32
      %dma_start3A_625 = arith.constant 0 : i32
      %dma_start3A_626 = tpu.memref_slice %arg7[%dma_start3A_624, %dma_start3A_625] : memref<416x32xf32, #tpu.memory_space<vmem>> -> memref<26x32xf32, #tpu.memory_space<vmem>>
      tpu.enqueue_dma source(%dma_start3A_626 : memref<26x32xf32, #tpu.memory_space<vmem>>) target(%dma_start3A_623 : memref<26x32xf32, #tpu.memory_space<hbm>>) target_semaphore(%arg13 : memref<!tpu.dma_semaphore, #tpu.memory_space<semaphore_mem>>)
      %add3A_627 = arith.constant 4 : i32
      %add3A_628 = arith.addi %add3A_13, %add3A_627 : i32
      %dma_start3A_629 = arith.constant 104 : i32
      %dma_start3A_630 = arith.constant 0 : i32
      %dma_start3A_631 = tpu.memref_slice %arg7[%dma_start3A_629, %dma_start3A_630] : memref<416x32xf32, #tpu.memory_space<vmem>> -> memref<26x32xf32, #tpu.memory_space<vmem>>
      %dma_start3A_632 = arith.constant 0 : i32
      %dma_start3A_633 = arith.constant 0 : i32
      %dma_start3A_634 = tpu.memref_slice %arg4[%add3A_628, %dma_start3A_632, %dma_start3A_633] : memref<16384x26x32xf32, #tpu.memory_space<hbm>> -> memref<1x26x32xf32, #tpu.memory_space<hbm>>
      %dma_start3A_635 = tpu.memref_squeeze %dma_start3A_634 : memref<1x26x32xf32, #tpu.memory_space<hbm>> -> memref<26x32xf32, #tpu.memory_space<hbm>>
      %dma_start3A_636 = arith.constant 0 : i32
      %dma_start3A_637 = arith.constant 0 : i32
      %dma_start3A_638 = tpu.memref_slice %arg4[%add3A_628, %dma_start3A_636, %dma_start3A_637] : memref<16384x26x32xf32, #tpu.memory_space<hbm>> -> memref<1x26x32xf32, #tpu.memory_space<hbm>>
      %dma_start3A_639 = tpu.memref_squeeze %dma_start3A_638 : memref<1x26x32xf32, #tpu.memory_space<hbm>> -> memref<26x32xf32, #tpu.memory_space<hbm>>
      %dma_start3A_640 = arith.constant 104 : i32
      %dma_start3A_641 = arith.constant 0 : i32
      %dma_start3A_642 = tpu.memref_slice %arg7[%dma_start3A_640, %dma_start3A_641] : memref<416x32xf32, #tpu.memory_space<vmem>> -> memref<26x32xf32, #tpu.memory_space<vmem>>
      tpu.enqueue_dma source(%dma_start3A_642 : memref<26x32xf32, #tpu.memory_space<vmem>>) target(%dma_start3A_639 : memref<26x32xf32, #tpu.memory_space<hbm>>) target_semaphore(%arg13 : memref<!tpu.dma_semaphore, #tpu.memory_space<semaphore_mem>>)
      %add3A_643 = arith.constant 5 : i32
      %add3A_644 = arith.addi %add3A_13, %add3A_643 : i32
      %dma_start3A_645 = arith.constant 130 : i32
      %dma_start3A_646 = arith.constant 0 : i32
      %dma_start3A_647 = tpu.memref_slice %arg7[%dma_start3A_645, %dma_start3A_646] : memref<416x32xf32, #tpu.memory_space<vmem>> -> memref<26x32xf32, #tpu.memory_space<vmem>>
      %dma_start3A_648 = arith.constant 0 : i32
      %dma_start3A_649 = arith.constant 0 : i32
      %dma_start3A_650 = tpu.memref_slice %arg4[%add3A_644, %dma_start3A_648, %dma_start3A_649] : memref<16384x26x32xf32, #tpu.memory_space<hbm>> -> memref<1x26x32xf32, #tpu.memory_space<hbm>>
      %dma_start3A_651 = tpu.memref_squeeze %dma_start3A_650 : memref<1x26x32xf32, #tpu.memory_space<hbm>> -> memref<26x32xf32, #tpu.memory_space<hbm>>
      %dma_start3A_652 = arith.constant 0 : i32
      %dma_start3A_653 = arith.constant 0 : i32
      %dma_start3A_654 = tpu.memref_slice %arg4[%add3A_644, %dma_start3A_652, %dma_start3A_653] : memref<16384x26x32xf32, #tpu.memory_space<hbm>> -> memref<1x26x32xf32, #tpu.memory_space<hbm>>
      %dma_start3A_655 = tpu.memref_squeeze %dma_start3A_654 : memref<1x26x32xf32, #tpu.memory_space<hbm>> -> memref<26x32xf32, #tpu.memory_space<hbm>>
      %dma_start3A_656 = arith.constant 130 : i32
      %dma_start3A_657 = arith.constant 0 : i32
      %dma_start3A_658 = tpu.memref_slice %arg7[%dma_start3A_656, %dma_start3A_657] : memref<416x32xf32, #tpu.memory_space<vmem>> -> memref<26x32xf32, #tpu.memory_space<vmem>>
      tpu.enqueue_dma source(%dma_start3A_658 : memref<26x32xf32, #tpu.memory_space<vmem>>) target(%dma_start3A_655 : memref<26x32xf32, #tpu.memory_space<hbm>>) target_semaphore(%arg13 : memref<!tpu.dma_semaphore, #tpu.memory_space<semaphore_mem>>)
      %add3A_659 = arith.constant 6 : i32
      %add3A_660 = arith.addi %add3A_13, %add3A_659 : i32
      %dma_start3A_661 = arith.constant 156 : i32
      %dma_start3A_662 = arith.constant 0 : i32
      %dma_start3A_663 = tpu.memref_slice %arg7[%dma_start3A_661, %dma_start3A_662] : memref<416x32xf32, #tpu.memory_space<vmem>> -> memref<26x32xf32, #tpu.memory_space<vmem>>
      %dma_start3A_664 = arith.constant 0 : i32
      %dma_start3A_665 = arith.constant 0 : i32
      %dma_start3A_666 = tpu.memref_slice %arg4[%add3A_660, %dma_start3A_664, %dma_start3A_665] : memref<16384x26x32xf32, #tpu.memory_space<hbm>> -> memref<1x26x32xf32, #tpu.memory_space<hbm>>
      %dma_start3A_667 = tpu.memref_squeeze %dma_start3A_666 : memref<1x26x32xf32, #tpu.memory_space<hbm>> -> memref<26x32xf32, #tpu.memory_space<hbm>>
      %dma_start3A_668 = arith.constant 0 : i32
      %dma_start3A_669 = arith.constant 0 : i32
      %dma_start3A_670 = tpu.memref_slice %arg4[%add3A_660, %dma_start3A_668, %dma_start3A_669] : memref<16384x26x32xf32, #tpu.memory_space<hbm>> -> memref<1x26x32xf32, #tpu.memory_space<hbm>>
      %dma_start3A_671 = tpu.memref_squeeze %dma_start3A_670 : memref<1x26x32xf32, #tpu.memory_space<hbm>> -> memref<26x32xf32, #tpu.memory_space<hbm>>
      %dma_start3A_672 = arith.constant 156 : i32
      %dma_start3A_673 = arith.constant 0 : i32
      %dma_start3A_674 = tpu.memref_slice %arg7[%dma_start3A_672, %dma_start3A_673] : memref<416x32xf32, #tpu.memory_space<vmem>> -> memref<26x32xf32, #tpu.memory_space<vmem>>
      tpu.enqueue_dma source(%dma_start3A_674 : memref<26x32xf32, #tpu.memory_space<vmem>>) target(%dma_start3A_671 : memref<26x32xf32, #tpu.memory_space<hbm>>) target_semaphore(%arg13 : memref<!tpu.dma_semaphore, #tpu.memory_space<semaphore_mem>>)
      %add3A_675 = arith.constant 7 : i32
      %add3A_676 = arith.addi %add3A_13, %add3A_675 : i32
      %dma_start3A_677 = arith.constant 182 : i32
      %dma_start3A_678 = arith.constant 0 : i32
      %dma_start3A_679 = tpu.memref_slice %arg7[%dma_start3A_677, %dma_start3A_678] : memref<416x32xf32, #tpu.memory_space<vmem>> -> memref<26x32xf32, #tpu.memory_space<vmem>>
      %dma_start3A_680 = arith.constant 0 : i32
      %dma_start3A_681 = arith.constant 0 : i32
      %dma_start3A_682 = tpu.memref_slice %arg4[%add3A_676, %dma_start3A_680, %dma_start3A_681] : memref<16384x26x32xf32, #tpu.memory_space<hbm>> -> memref<1x26x32xf32, #tpu.memory_space<hbm>>
      %dma_start3A_683 = tpu.memref_squeeze %dma_start3A_682 : memref<1x26x32xf32, #tpu.memory_space<hbm>> -> memref<26x32xf32, #tpu.memory_space<hbm>>
      %dma_start3A_684 = arith.constant 0 : i32
      %dma_start3A_685 = arith.constant 0 : i32
      %dma_start3A_686 = tpu.memref_slice %arg4[%add3A_676, %dma_start3A_684, %dma_start3A_685] : memref<16384x26x32xf32, #tpu.memory_space<hbm>> -> memref<1x26x32xf32, #tpu.memory_space<hbm>>
      %dma_start3A_687 = tpu.memref_squeeze %dma_start3A_686 : memref<1x26x32xf32, #tpu.memory_space<hbm>> -> memref<26x32xf32, #tpu.memory_space<hbm>>
      %dma_start3A_688 = arith.constant 182 : i32
      %dma_start3A_689 = arith.constant 0 : i32
      %dma_start3A_690 = tpu.memref_slice %arg7[%dma_start3A_688, %dma_start3A_689] : memref<416x32xf32, #tpu.memory_space<vmem>> -> memref<26x32xf32, #tpu.memory_space<vmem>>
      tpu.enqueue_dma source(%dma_start3A_690 : memref<26x32xf32, #tpu.memory_space<vmem>>) target(%dma_start3A_687 : memref<26x32xf32, #tpu.memory_space<hbm>>) target_semaphore(%arg13 : memref<!tpu.dma_semaphore, #tpu.memory_space<semaphore_mem>>)
      %add3A_691 = arith.constant 8 : i32
      %add3A_692 = arith.addi %add3A_13, %add3A_691 : i32
      %dma_start3A_693 = arith.constant 208 : i32
      %dma_start3A_694 = arith.constant 0 : i32
      %dma_start3A_695 = tpu.memref_slice %arg7[%dma_start3A_693, %dma_start3A_694] : memref<416x32xf32, #tpu.memory_space<vmem>> -> memref<26x32xf32, #tpu.memory_space<vmem>>
      %dma_start3A_696 = arith.constant 0 : i32
      %dma_start3A_697 = arith.constant 0 : i32
      %dma_start3A_698 = tpu.memref_slice %arg4[%add3A_692, %dma_start3A_696, %dma_start3A_697] : memref<16384x26x32xf32, #tpu.memory_space<hbm>> -> memref<1x26x32xf32, #tpu.memory_space<hbm>>
      %dma_start3A_699 = tpu.memref_squeeze %dma_start3A_698 : memref<1x26x32xf32, #tpu.memory_space<hbm>> -> memref<26x32xf32, #tpu.memory_space<hbm>>
      %dma_start3A_700 = arith.constant 0 : i32
      %dma_start3A_701 = arith.constant 0 : i32
      %dma_start3A_702 = tpu.memref_slice %arg4[%add3A_692, %dma_start3A_700, %dma_start3A_701] : memref<16384x26x32xf32, #tpu.memory_space<hbm>> -> memref<1x26x32xf32, #tpu.memory_space<hbm>>
      %dma_start3A_703 = tpu.memref_squeeze %dma_start3A_702 : memref<1x26x32xf32, #tpu.memory_space<hbm>> -> memref<26x32xf32, #tpu.memory_space<hbm>>
      %dma_start3A_704 = arith.constant 208 : i32
      %dma_start3A_705 = arith.constant 0 : i32
      %dma_start3A_706 = tpu.memref_slice %arg7[%dma_start3A_704, %dma_start3A_705] : memref<416x32xf32, #tpu.memory_space<vmem>> -> memref<26x32xf32, #tpu.memory_space<vmem>>
      tpu.enqueue_dma source(%dma_start3A_706 : memref<26x32xf32, #tpu.memory_space<vmem>>) target(%dma_start3A_703 : memref<26x32xf32, #tpu.memory_space<hbm>>) target_semaphore(%arg13 : memref<!tpu.dma_semaphore, #tpu.memory_space<semaphore_mem>>)
      %add3A_707 = arith.constant 9 : i32
      %add3A_708 = arith.addi %add3A_13, %add3A_707 : i32
      %dma_start3A_709 = arith.constant 234 : i32
      %dma_start3A_710 = arith.constant 0 : i32
      %dma_start3A_711 = tpu.memref_slice %arg7[%dma_start3A_709, %dma_start3A_710] : memref<416x32xf32, #tpu.memory_space<vmem>> -> memref<26x32xf32, #tpu.memory_space<vmem>>
      %dma_start3A_712 = arith.constant 0 : i32
      %dma_start3A_713 = arith.constant 0 : i32
      %dma_start3A_714 = tpu.memref_slice %arg4[%add3A_708, %dma_start3A_712, %dma_start3A_713] : memref<16384x26x32xf32, #tpu.memory_space<hbm>> -> memref<1x26x32xf32, #tpu.memory_space<hbm>>
      %dma_start3A_715 = tpu.memref_squeeze %dma_start3A_714 : memref<1x26x32xf32, #tpu.memory_space<hbm>> -> memref<26x32xf32, #tpu.memory_space<hbm>>
      %dma_start3A_716 = arith.constant 0 : i32
      %dma_start3A_717 = arith.constant 0 : i32
      %dma_start3A_718 = tpu.memref_slice %arg4[%add3A_708, %dma_start3A_716, %dma_start3A_717] : memref<16384x26x32xf32, #tpu.memory_space<hbm>> -> memref<1x26x32xf32, #tpu.memory_space<hbm>>
      %dma_start3A_719 = tpu.memref_squeeze %dma_start3A_718 : memref<1x26x32xf32, #tpu.memory_space<hbm>> -> memref<26x32xf32, #tpu.memory_space<hbm>>
      %dma_start3A_720 = arith.constant 234 : i32
      %dma_start3A_721 = arith.constant 0 : i32
      %dma_start3A_722 = tpu.memref_slice %arg7[%dma_start3A_720, %dma_start3A_721] : memref<416x32xf32, #tpu.memory_space<vmem>> -> memref<26x32xf32, #tpu.memory_space<vmem>>
      tpu.enqueue_dma source(%dma_start3A_722 : memref<26x32xf32, #tpu.memory_space<vmem>>) target(%dma_start3A_719 : memref<26x32xf32, #tpu.memory_space<hbm>>) target_semaphore(%arg13 : memref<!tpu.dma_semaphore, #tpu.memory_space<semaphore_mem>>)
      %add3A_723 = arith.constant 10 : i32
      %add3A_724 = arith.addi %add3A_13, %add3A_723 : i32
      %dma_start3A_725 = arith.constant 260 : i32
      %dma_start3A_726 = arith.constant 0 : i32
      %dma_start3A_727 = tpu.memref_slice %arg7[%dma_start3A_725, %dma_start3A_726] : memref<416x32xf32, #tpu.memory_space<vmem>> -> memref<26x32xf32, #tpu.memory_space<vmem>>
      %dma_start3A_728 = arith.constant 0 : i32
      %dma_start3A_729 = arith.constant 0 : i32
      %dma_start3A_730 = tpu.memref_slice %arg4[%add3A_724, %dma_start3A_728, %dma_start3A_729] : memref<16384x26x32xf32, #tpu.memory_space<hbm>> -> memref<1x26x32xf32, #tpu.memory_space<hbm>>
      %dma_start3A_731 = tpu.memref_squeeze %dma_start3A_730 : memref<1x26x32xf32, #tpu.memory_space<hbm>> -> memref<26x32xf32, #tpu.memory_space<hbm>>
      %dma_start3A_732 = arith.constant 0 : i32
      %dma_start3A_733 = arith.constant 0 : i32
      %dma_start3A_734 = tpu.memref_slice %arg4[%add3A_724, %dma_start3A_732, %dma_start3A_733] : memref<16384x26x32xf32, #tpu.memory_space<hbm>> -> memref<1x26x32xf32, #tpu.memory_space<hbm>>
      %dma_start3A_735 = tpu.memref_squeeze %dma_start3A_734 : memref<1x26x32xf32, #tpu.memory_space<hbm>> -> memref<26x32xf32, #tpu.memory_space<hbm>>
      %dma_start3A_736 = arith.constant 260 : i32
      %dma_start3A_737 = arith.constant 0 : i32
      %dma_start3A_738 = tpu.memref_slice %arg7[%dma_start3A_736, %dma_start3A_737] : memref<416x32xf32, #tpu.memory_space<vmem>> -> memref<26x32xf32, #tpu.memory_space<vmem>>
      tpu.enqueue_dma source(%dma_start3A_738 : memref<26x32xf32, #tpu.memory_space<vmem>>) target(%dma_start3A_735 : memref<26x32xf32, #tpu.memory_space<hbm>>) target_semaphore(%arg13 : memref<!tpu.dma_semaphore, #tpu.memory_space<semaphore_mem>>)
      %add3A_739 = arith.constant 11 : i32
      %add3A_740 = arith.addi %add3A_13, %add3A_739 : i32
      %dma_start3A_741 = arith.constant 286 : i32
      %dma_start3A_742 = arith.constant 0 : i32
      %dma_start3A_743 = tpu.memref_slice %arg7[%dma_start3A_741, %dma_start3A_742] : memref<416x32xf32, #tpu.memory_space<vmem>> -> memref<26x32xf32, #tpu.memory_space<vmem>>
      %dma_start3A_744 = arith.constant 0 : i32
      %dma_start3A_745 = arith.constant 0 : i32
      %dma_start3A_746 = tpu.memref_slice %arg4[%add3A_740, %dma_start3A_744, %dma_start3A_745] : memref<16384x26x32xf32, #tpu.memory_space<hbm>> -> memref<1x26x32xf32, #tpu.memory_space<hbm>>
      %dma_start3A_747 = tpu.memref_squeeze %dma_start3A_746 : memref<1x26x32xf32, #tpu.memory_space<hbm>> -> memref<26x32xf32, #tpu.memory_space<hbm>>
      %dma_start3A_748 = arith.constant 0 : i32
      %dma_start3A_749 = arith.constant 0 : i32
      %dma_start3A_750 = tpu.memref_slice %arg4[%add3A_740, %dma_start3A_748, %dma_start3A_749] : memref<16384x26x32xf32, #tpu.memory_space<hbm>> -> memref<1x26x32xf32, #tpu.memory_space<hbm>>
      %dma_start3A_751 = tpu.memref_squeeze %dma_start3A_750 : memref<1x26x32xf32, #tpu.memory_space<hbm>> -> memref<26x32xf32, #tpu.memory_space<hbm>>
      %dma_start3A_752 = arith.constant 286 : i32
      %dma_start3A_753 = arith.constant 0 : i32
      %dma_start3A_754 = tpu.memref_slice %arg7[%dma_start3A_752, %dma_start3A_753] : memref<416x32xf32, #tpu.memory_space<vmem>> -> memref<26x32xf32, #tpu.memory_space<vmem>>
      tpu.enqueue_dma source(%dma_start3A_754 : memref<26x32xf32, #tpu.memory_space<vmem>>) target(%dma_start3A_751 : memref<26x32xf32, #tpu.memory_space<hbm>>) target_semaphore(%arg13 : memref<!tpu.dma_semaphore, #tpu.memory_space<semaphore_mem>>)
      %add3A_755 = arith.constant 12 : i32
      %add3A_756 = arith.addi %add3A_13, %add3A_755 : i32
      %dma_start3A_757 = arith.constant 312 : i32
      %dma_start3A_758 = arith.constant 0 : i32
      %dma_start3A_759 = tpu.memref_slice %arg7[%dma_start3A_757, %dma_start3A_758] : memref<416x32xf32, #tpu.memory_space<vmem>> -> memref<26x32xf32, #tpu.memory_space<vmem>>
      %dma_start3A_760 = arith.constant 0 : i32
      %dma_start3A_761 = arith.constant 0 : i32
      %dma_start3A_762 = tpu.memref_slice %arg4[%add3A_756, %dma_start3A_760, %dma_start3A_761] : memref<16384x26x32xf32, #tpu.memory_space<hbm>> -> memref<1x26x32xf32, #tpu.memory_space<hbm>>
      %dma_start3A_763 = tpu.memref_squeeze %dma_start3A_762 : memref<1x26x32xf32, #tpu.memory_space<hbm>> -> memref<26x32xf32, #tpu.memory_space<hbm>>
      %dma_start3A_764 = arith.constant 0 : i32
      %dma_start3A_765 = arith.constant 0 : i32
      %dma_start3A_766 = tpu.memref_slice %arg4[%add3A_756, %dma_start3A_764, %dma_start3A_765] : memref<16384x26x32xf32, #tpu.memory_space<hbm>> -> memref<1x26x32xf32, #tpu.memory_space<hbm>>
      %dma_start3A_767 = tpu.memref_squeeze %dma_start3A_766 : memref<1x26x32xf32, #tpu.memory_space<hbm>> -> memref<26x32xf32, #tpu.memory_space<hbm>>
      %dma_start3A_768 = arith.constant 312 : i32
      %dma_start3A_769 = arith.constant 0 : i32
      %dma_start3A_770 = tpu.memref_slice %arg7[%dma_start3A_768, %dma_start3A_769] : memref<416x32xf32, #tpu.memory_space<vmem>> -> memref<26x32xf32, #tpu.memory_space<vmem>>
      tpu.enqueue_dma source(%dma_start3A_770 : memref<26x32xf32, #tpu.memory_space<vmem>>) target(%dma_start3A_767 : memref<26x32xf32, #tpu.memory_space<hbm>>) target_semaphore(%arg13 : memref<!tpu.dma_semaphore, #tpu.memory_space<semaphore_mem>>)
      %add3A_771 = arith.constant 13 : i32
      %add3A_772 = arith.addi %add3A_13, %add3A_771 : i32
      %dma_start3A_773 = arith.constant 338 : i32
      %dma_start3A_774 = arith.constant 0 : i32
      %dma_start3A_775 = tpu.memref_slice %arg7[%dma_start3A_773, %dma_start3A_774] : memref<416x32xf32, #tpu.memory_space<vmem>> -> memref<26x32xf32, #tpu.memory_space<vmem>>
      %dma_start3A_776 = arith.constant 0 : i32
      %dma_start3A_777 = arith.constant 0 : i32
      %dma_start3A_778 = tpu.memref_slice %arg4[%add3A_772, %dma_start3A_776, %dma_start3A_777] : memref<16384x26x32xf32, #tpu.memory_space<hbm>> -> memref<1x26x32xf32, #tpu.memory_space<hbm>>
      %dma_start3A_779 = tpu.memref_squeeze %dma_start3A_778 : memref<1x26x32xf32, #tpu.memory_space<hbm>> -> memref<26x32xf32, #tpu.memory_space<hbm>>
      %dma_start3A_780 = arith.constant 0 : i32
      %dma_start3A_781 = arith.constant 0 : i32
      %dma_start3A_782 = tpu.memref_slice %arg4[%add3A_772, %dma_start3A_780, %dma_start3A_781] : memref<16384x26x32xf32, #tpu.memory_space<hbm>> -> memref<1x26x32xf32, #tpu.memory_space<hbm>>
      %dma_start3A_783 = tpu.memref_squeeze %dma_start3A_782 : memref<1x26x32xf32, #tpu.memory_space<hbm>> -> memref<26x32xf32, #tpu.memory_space<hbm>>
      %dma_start3A_784 = arith.constant 338 : i32
      %dma_start3A_785 = arith.constant 0 : i32
      %dma_start3A_786 = tpu.memref_slice %arg7[%dma_start3A_784, %dma_start3A_785] : memref<416x32xf32, #tpu.memory_space<vmem>> -> memref<26x32xf32, #tpu.memory_space<vmem>>
      tpu.enqueue_dma source(%dma_start3A_786 : memref<26x32xf32, #tpu.memory_space<vmem>>) target(%dma_start3A_783 : memref<26x32xf32, #tpu.memory_space<hbm>>) target_semaphore(%arg13 : memref<!tpu.dma_semaphore, #tpu.memory_space<semaphore_mem>>)
      %add3A_787 = arith.constant 14 : i32
      %add3A_788 = arith.addi %add3A_13, %add3A_787 : i32
      %dma_start3A_789 = arith.constant 364 : i32
      %dma_start3A_790 = arith.constant 0 : i32
      %dma_start3A_791 = tpu.memref_slice %arg7[%dma_start3A_789, %dma_start3A_790] : memref<416x32xf32, #tpu.memory_space<vmem>> -> memref<26x32xf32, #tpu.memory_space<vmem>>
      %dma_start3A_792 = arith.constant 0 : i32
      %dma_start3A_793 = arith.constant 0 : i32
      %dma_start3A_794 = tpu.memref_slice %arg4[%add3A_788, %dma_start3A_792, %dma_start3A_793] : memref<16384x26x32xf32, #tpu.memory_space<hbm>> -> memref<1x26x32xf32, #tpu.memory_space<hbm>>
      %dma_start3A_795 = tpu.memref_squeeze %dma_start3A_794 : memref<1x26x32xf32, #tpu.memory_space<hbm>> -> memref<26x32xf32, #tpu.memory_space<hbm>>
      %dma_start3A_796 = arith.constant 0 : i32
      %dma_start3A_797 = arith.constant 0 : i32
      %dma_start3A_798 = tpu.memref_slice %arg4[%add3A_788, %dma_start3A_796, %dma_start3A_797] : memref<16384x26x32xf32, #tpu.memory_space<hbm>> -> memref<1x26x32xf32, #tpu.memory_space<hbm>>
      %dma_start3A_799 = tpu.memref_squeeze %dma_start3A_798 : memref<1x26x32xf32, #tpu.memory_space<hbm>> -> memref<26x32xf32, #tpu.memory_space<hbm>>
      %dma_start3A_800 = arith.constant 364 : i32
      %dma_start3A_801 = arith.constant 0 : i32
      %dma_start3A_802 = tpu.memref_slice %arg7[%dma_start3A_800, %dma_start3A_801] : memref<416x32xf32, #tpu.memory_space<vmem>> -> memref<26x32xf32, #tpu.memory_space<vmem>>
      tpu.enqueue_dma source(%dma_start3A_802 : memref<26x32xf32, #tpu.memory_space<vmem>>) target(%dma_start3A_799 : memref<26x32xf32, #tpu.memory_space<hbm>>) target_semaphore(%arg13 : memref<!tpu.dma_semaphore, #tpu.memory_space<semaphore_mem>>)
      %add3A_803 = arith.constant 15 : i32
      %add3A_804 = arith.addi %add3A_13, %add3A_803 : i32
      %dma_start3A_805 = arith.constant 390 : i32
      %dma_start3A_806 = arith.constant 0 : i32
      %dma_start3A_807 = tpu.memref_slice %arg7[%dma_start3A_805, %dma_start3A_806] : memref<416x32xf32, #tpu.memory_space<vmem>> -> memref<26x32xf32, #tpu.memory_space<vmem>>
      %dma_start3A_808 = arith.constant 0 : i32
      %dma_start3A_809 = arith.constant 0 : i32
      %dma_start3A_810 = tpu.memref_slice %arg4[%add3A_804, %dma_start3A_808, %dma_start3A_809] : memref<16384x26x32xf32, #tpu.memory_space<hbm>> -> memref<1x26x32xf32, #tpu.memory_space<hbm>>
      %dma_start3A_811 = tpu.memref_squeeze %dma_start3A_810 : memref<1x26x32xf32, #tpu.memory_space<hbm>> -> memref<26x32xf32, #tpu.memory_space<hbm>>
      %dma_start3A_812 = arith.constant 0 : i32
      %dma_start3A_813 = arith.constant 0 : i32
      %dma_start3A_814 = tpu.memref_slice %arg4[%add3A_804, %dma_start3A_812, %dma_start3A_813] : memref<16384x26x32xf32, #tpu.memory_space<hbm>> -> memref<1x26x32xf32, #tpu.memory_space<hbm>>
      %dma_start3A_815 = tpu.memref_squeeze %dma_start3A_814 : memref<1x26x32xf32, #tpu.memory_space<hbm>> -> memref<26x32xf32, #tpu.memory_space<hbm>>
      %dma_start3A_816 = arith.constant 390 : i32
      %dma_start3A_817 = arith.constant 0 : i32
      %dma_start3A_818 = tpu.memref_slice %arg7[%dma_start3A_816, %dma_start3A_817] : memref<416x32xf32, #tpu.memory_space<vmem>> -> memref<26x32xf32, #tpu.memory_space<vmem>>
      tpu.enqueue_dma source(%dma_start3A_818 : memref<26x32xf32, #tpu.memory_space<vmem>>) target(%dma_start3A_815 : memref<26x32xf32, #tpu.memory_space<hbm>>) target_semaphore(%arg13 : memref<!tpu.dma_semaphore, #tpu.memory_space<semaphore_mem>>)
      %dma_wait3A_819 = arith.constant 0 : i32
      %dma_wait3A_820 = arith.constant 0 : i32
      %dma_wait3A_821 = tpu.memref_slice %arg10[%dma_wait3A_819, %dma_wait3A_820] : memref<416x32xf32, #tpu.memory_space<vmem>> -> memref<104x32xf32, #tpu.memory_space<vmem>>
      %dma_wait3A_822 = arith.constant 0 : i32
      %dma_wait3A_823 = tpu.memref_slice %arg9[%dma_wait3A_822] : memref<416xi32, #tpu.memory_space<vmem>> -> memref<104xi32, #tpu.memory_space<vmem>>
      %dma_wait3A_824 = arith.constant 0 : i32
      %dma_wait3A_825 = arith.constant 0 : i32
      %dma_wait3A_826 = tpu.memref_slice %arg3[%dma_wait3A_824, %dma_wait3A_825] : memref<1000000x32xf32, #tpu.memory_space<hbm>> -> memref<1000000x32xf32, #tpu.memory_space<hbm>>
      tpu.wait_indirect_dma semaphore(%arg12 : memref<!tpu.dma_semaphore, #tpu.memory_space<semaphore_mem>>) src(%dma_wait3A_826 : memref<1000000x32xf32, #tpu.memory_space<hbm>>) dst(%dma_wait3A_821 : memref<104x32xf32, #tpu.memory_space<vmem>>)
      %dma_wait3A_827 = arith.constant 104 : i32
      %dma_wait3A_828 = arith.constant 0 : i32
      %dma_wait3A_829 = tpu.memref_slice %arg10[%dma_wait3A_827, %dma_wait3A_828] : memref<416x32xf32, #tpu.memory_space<vmem>> -> memref<104x32xf32, #tpu.memory_space<vmem>>
      %dma_wait3A_830 = arith.constant 104 : i32
      %dma_wait3A_831 = tpu.memref_slice %arg9[%dma_wait3A_830] : memref<416xi32, #tpu.memory_space<vmem>> -> memref<104xi32, #tpu.memory_space<vmem>>
      %dma_wait3A_832 = arith.constant 0 : i32
      %dma_wait3A_833 = arith.constant 0 : i32
      %dma_wait3A_834 = tpu.memref_slice %arg3[%dma_wait3A_832, %dma_wait3A_833] : memref<1000000x32xf32, #tpu.memory_space<hbm>> -> memref<1000000x32xf32, #tpu.memory_space<hbm>>
      tpu.wait_indirect_dma semaphore(%arg12 : memref<!tpu.dma_semaphore, #tpu.memory_space<semaphore_mem>>) src(%dma_wait3A_834 : memref<1000000x32xf32, #tpu.memory_space<hbm>>) dst(%dma_wait3A_829 : memref<104x32xf32, #tpu.memory_space<vmem>>)
      %dma_wait3A_835 = arith.constant 208 : i32
      %dma_wait3A_836 = arith.constant 0 : i32
      %dma_wait3A_837 = tpu.memref_slice %arg10[%dma_wait3A_835, %dma_wait3A_836] : memref<416x32xf32, #tpu.memory_space<vmem>> -> memref<104x32xf32, #tpu.memory_space<vmem>>
      %dma_wait3A_838 = arith.constant 208 : i32
      %dma_wait3A_839 = tpu.memref_slice %arg9[%dma_wait3A_838] : memref<416xi32, #tpu.memory_space<vmem>> -> memref<104xi32, #tpu.memory_space<vmem>>
      %dma_wait3A_840 = arith.constant 0 : i32
      %dma_wait3A_841 = arith.constant 0 : i32
      %dma_wait3A_842 = tpu.memref_slice %arg3[%dma_wait3A_840, %dma_wait3A_841] : memref<1000000x32xf32, #tpu.memory_space<hbm>> -> memref<1000000x32xf32, #tpu.memory_space<hbm>>
      tpu.wait_indirect_dma semaphore(%arg12 : memref<!tpu.dma_semaphore, #tpu.memory_space<semaphore_mem>>) src(%dma_wait3A_842 : memref<1000000x32xf32, #tpu.memory_space<hbm>>) dst(%dma_wait3A_837 : memref<104x32xf32, #tpu.memory_space<vmem>>)
      %dma_wait3A_843 = arith.constant 312 : i32
      %dma_wait3A_844 = arith.constant 0 : i32
      %dma_wait3A_845 = tpu.memref_slice %arg10[%dma_wait3A_843, %dma_wait3A_844] : memref<416x32xf32, #tpu.memory_space<vmem>> -> memref<104x32xf32, #tpu.memory_space<vmem>>
      %dma_wait3A_846 = arith.constant 312 : i32
      %dma_wait3A_847 = tpu.memref_slice %arg9[%dma_wait3A_846] : memref<416xi32, #tpu.memory_space<vmem>> -> memref<104xi32, #tpu.memory_space<vmem>>
      %dma_wait3A_848 = arith.constant 0 : i32
      %dma_wait3A_849 = arith.constant 0 : i32
      %dma_wait3A_850 = tpu.memref_slice %arg3[%dma_wait3A_848, %dma_wait3A_849] : memref<1000000x32xf32, #tpu.memory_space<hbm>> -> memref<1000000x32xf32, #tpu.memory_space<hbm>>
      tpu.wait_indirect_dma semaphore(%arg12 : memref<!tpu.dma_semaphore, #tpu.memory_space<semaphore_mem>>) src(%dma_wait3A_850 : memref<1000000x32xf32, #tpu.memory_space<hbm>>) dst(%dma_wait3A_845 : memref<104x32xf32, #tpu.memory_space<vmem>>)
      %add3A_851 = arith.constant 0 : i32
      %add3A_852 = arith.addi %add3A_20, %add3A_851 : i32
      %dma_start3A_853 = arith.constant 0 : i32
      %dma_start3A_854 = arith.constant 0 : i32
      %dma_start3A_855 = tpu.memref_slice %arg10[%dma_start3A_853, %dma_start3A_854] : memref<416x32xf32, #tpu.memory_space<vmem>> -> memref<26x32xf32, #tpu.memory_space<vmem>>
      %dma_start3A_856 = arith.constant 0 : i32
      %dma_start3A_857 = arith.constant 0 : i32
      %dma_start3A_858 = tpu.memref_slice %arg4[%add3A_852, %dma_start3A_856, %dma_start3A_857] : memref<16384x26x32xf32, #tpu.memory_space<hbm>> -> memref<1x26x32xf32, #tpu.memory_space<hbm>>
      %dma_start3A_859 = tpu.memref_squeeze %dma_start3A_858 : memref<1x26x32xf32, #tpu.memory_space<hbm>> -> memref<26x32xf32, #tpu.memory_space<hbm>>
      %dma_start3A_860 = arith.constant 0 : i32
      %dma_start3A_861 = arith.constant 0 : i32
      %dma_start3A_862 = tpu.memref_slice %arg4[%add3A_852, %dma_start3A_860, %dma_start3A_861] : memref<16384x26x32xf32, #tpu.memory_space<hbm>> -> memref<1x26x32xf32, #tpu.memory_space<hbm>>
      %dma_start3A_863 = tpu.memref_squeeze %dma_start3A_862 : memref<1x26x32xf32, #tpu.memory_space<hbm>> -> memref<26x32xf32, #tpu.memory_space<hbm>>
      %dma_start3A_864 = arith.constant 0 : i32
      %dma_start3A_865 = arith.constant 0 : i32
      %dma_start3A_866 = tpu.memref_slice %arg10[%dma_start3A_864, %dma_start3A_865] : memref<416x32xf32, #tpu.memory_space<vmem>> -> memref<26x32xf32, #tpu.memory_space<vmem>>
      tpu.enqueue_dma source(%dma_start3A_866 : memref<26x32xf32, #tpu.memory_space<vmem>>) target(%dma_start3A_863 : memref<26x32xf32, #tpu.memory_space<hbm>>) target_semaphore(%arg13 : memref<!tpu.dma_semaphore, #tpu.memory_space<semaphore_mem>>)
      %add3A_867 = arith.constant 1 : i32
      %add3A_868 = arith.addi %add3A_20, %add3A_867 : i32
      %dma_start3A_869 = arith.constant 26 : i32
      %dma_start3A_870 = arith.constant 0 : i32
      %dma_start3A_871 = tpu.memref_slice %arg10[%dma_start3A_869, %dma_start3A_870] : memref<416x32xf32, #tpu.memory_space<vmem>> -> memref<26x32xf32, #tpu.memory_space<vmem>>
      %dma_start3A_872 = arith.constant 0 : i32
      %dma_start3A_873 = arith.constant 0 : i32
      %dma_start3A_874 = tpu.memref_slice %arg4[%add3A_868, %dma_start3A_872, %dma_start3A_873] : memref<16384x26x32xf32, #tpu.memory_space<hbm>> -> memref<1x26x32xf32, #tpu.memory_space<hbm>>
      %dma_start3A_875 = tpu.memref_squeeze %dma_start3A_874 : memref<1x26x32xf32, #tpu.memory_space<hbm>> -> memref<26x32xf32, #tpu.memory_space<hbm>>
      %dma_start3A_876 = arith.constant 0 : i32
      %dma_start3A_877 = arith.constant 0 : i32
      %dma_start3A_878 = tpu.memref_slice %arg4[%add3A_868, %dma_start3A_876, %dma_start3A_877] : memref<16384x26x32xf32, #tpu.memory_space<hbm>> -> memref<1x26x32xf32, #tpu.memory_space<hbm>>
      %dma_start3A_879 = tpu.memref_squeeze %dma_start3A_878 : memref<1x26x32xf32, #tpu.memory_space<hbm>> -> memref<26x32xf32, #tpu.memory_space<hbm>>
      %dma_start3A_880 = arith.constant 26 : i32
      %dma_start3A_881 = arith.constant 0 : i32
      %dma_start3A_882 = tpu.memref_slice %arg10[%dma_start3A_880, %dma_start3A_881] : memref<416x32xf32, #tpu.memory_space<vmem>> -> memref<26x32xf32, #tpu.memory_space<vmem>>
      tpu.enqueue_dma source(%dma_start3A_882 : memref<26x32xf32, #tpu.memory_space<vmem>>) target(%dma_start3A_879 : memref<26x32xf32, #tpu.memory_space<hbm>>) target_semaphore(%arg13 : memref<!tpu.dma_semaphore, #tpu.memory_space<semaphore_mem>>)
      %add3A_883 = arith.constant 2 : i32
      %add3A_884 = arith.addi %add3A_20, %add3A_883 : i32
      %dma_start3A_885 = arith.constant 52 : i32
      %dma_start3A_886 = arith.constant 0 : i32
      %dma_start3A_887 = tpu.memref_slice %arg10[%dma_start3A_885, %dma_start3A_886] : memref<416x32xf32, #tpu.memory_space<vmem>> -> memref<26x32xf32, #tpu.memory_space<vmem>>
      %dma_start3A_888 = arith.constant 0 : i32
      %dma_start3A_889 = arith.constant 0 : i32
      %dma_start3A_890 = tpu.memref_slice %arg4[%add3A_884, %dma_start3A_888, %dma_start3A_889] : memref<16384x26x32xf32, #tpu.memory_space<hbm>> -> memref<1x26x32xf32, #tpu.memory_space<hbm>>
      %dma_start3A_891 = tpu.memref_squeeze %dma_start3A_890 : memref<1x26x32xf32, #tpu.memory_space<hbm>> -> memref<26x32xf32, #tpu.memory_space<hbm>>
      %dma_start3A_892 = arith.constant 0 : i32
      %dma_start3A_893 = arith.constant 0 : i32
      %dma_start3A_894 = tpu.memref_slice %arg4[%add3A_884, %dma_start3A_892, %dma_start3A_893] : memref<16384x26x32xf32, #tpu.memory_space<hbm>> -> memref<1x26x32xf32, #tpu.memory_space<hbm>>
      %dma_start3A_895 = tpu.memref_squeeze %dma_start3A_894 : memref<1x26x32xf32, #tpu.memory_space<hbm>> -> memref<26x32xf32, #tpu.memory_space<hbm>>
      %dma_start3A_896 = arith.constant 52 : i32
      %dma_start3A_897 = arith.constant 0 : i32
      %dma_start3A_898 = tpu.memref_slice %arg10[%dma_start3A_896, %dma_start3A_897] : memref<416x32xf32, #tpu.memory_space<vmem>> -> memref<26x32xf32, #tpu.memory_space<vmem>>
      tpu.enqueue_dma source(%dma_start3A_898 : memref<26x32xf32, #tpu.memory_space<vmem>>) target(%dma_start3A_895 : memref<26x32xf32, #tpu.memory_space<hbm>>) target_semaphore(%arg13 : memref<!tpu.dma_semaphore, #tpu.memory_space<semaphore_mem>>)
      %add3A_899 = arith.constant 3 : i32
      %add3A_900 = arith.addi %add3A_20, %add3A_899 : i32
      %dma_start3A_901 = arith.constant 78 : i32
      %dma_start3A_902 = arith.constant 0 : i32
      %dma_start3A_903 = tpu.memref_slice %arg10[%dma_start3A_901, %dma_start3A_902] : memref<416x32xf32, #tpu.memory_space<vmem>> -> memref<26x32xf32, #tpu.memory_space<vmem>>
      %dma_start3A_904 = arith.constant 0 : i32
      %dma_start3A_905 = arith.constant 0 : i32
      %dma_start3A_906 = tpu.memref_slice %arg4[%add3A_900, %dma_start3A_904, %dma_start3A_905] : memref<16384x26x32xf32, #tpu.memory_space<hbm>> -> memref<1x26x32xf32, #tpu.memory_space<hbm>>
      %dma_start3A_907 = tpu.memref_squeeze %dma_start3A_906 : memref<1x26x32xf32, #tpu.memory_space<hbm>> -> memref<26x32xf32, #tpu.memory_space<hbm>>
      %dma_start3A_908 = arith.constant 0 : i32
      %dma_start3A_909 = arith.constant 0 : i32
      %dma_start3A_910 = tpu.memref_slice %arg4[%add3A_900, %dma_start3A_908, %dma_start3A_909] : memref<16384x26x32xf32, #tpu.memory_space<hbm>> -> memref<1x26x32xf32, #tpu.memory_space<hbm>>
      %dma_start3A_911 = tpu.memref_squeeze %dma_start3A_910 : memref<1x26x32xf32, #tpu.memory_space<hbm>> -> memref<26x32xf32, #tpu.memory_space<hbm>>
      %dma_start3A_912 = arith.constant 78 : i32
      %dma_start3A_913 = arith.constant 0 : i32
      %dma_start3A_914 = tpu.memref_slice %arg10[%dma_start3A_912, %dma_start3A_913] : memref<416x32xf32, #tpu.memory_space<vmem>> -> memref<26x32xf32, #tpu.memory_space<vmem>>
      tpu.enqueue_dma source(%dma_start3A_914 : memref<26x32xf32, #tpu.memory_space<vmem>>) target(%dma_start3A_911 : memref<26x32xf32, #tpu.memory_space<hbm>>) target_semaphore(%arg13 : memref<!tpu.dma_semaphore, #tpu.memory_space<semaphore_mem>>)
      %add3A_915 = arith.constant 4 : i32
      %add3A_916 = arith.addi %add3A_20, %add3A_915 : i32
      %dma_start3A_917 = arith.constant 104 : i32
      %dma_start3A_918 = arith.constant 0 : i32
      %dma_start3A_919 = tpu.memref_slice %arg10[%dma_start3A_917, %dma_start3A_918] : memref<416x32xf32, #tpu.memory_space<vmem>> -> memref<26x32xf32, #tpu.memory_space<vmem>>
      %dma_start3A_920 = arith.constant 0 : i32
      %dma_start3A_921 = arith.constant 0 : i32
      %dma_start3A_922 = tpu.memref_slice %arg4[%add3A_916, %dma_start3A_920, %dma_start3A_921] : memref<16384x26x32xf32, #tpu.memory_space<hbm>> -> memref<1x26x32xf32, #tpu.memory_space<hbm>>
      %dma_start3A_923 = tpu.memref_squeeze %dma_start3A_922 : memref<1x26x32xf32, #tpu.memory_space<hbm>> -> memref<26x32xf32, #tpu.memory_space<hbm>>
      %dma_start3A_924 = arith.constant 0 : i32
      %dma_start3A_925 = arith.constant 0 : i32
      %dma_start3A_926 = tpu.memref_slice %arg4[%add3A_916, %dma_start3A_924, %dma_start3A_925] : memref<16384x26x32xf32, #tpu.memory_space<hbm>> -> memref<1x26x32xf32, #tpu.memory_space<hbm>>
      %dma_start3A_927 = tpu.memref_squeeze %dma_start3A_926 : memref<1x26x32xf32, #tpu.memory_space<hbm>> -> memref<26x32xf32, #tpu.memory_space<hbm>>
      %dma_start3A_928 = arith.constant 104 : i32
      %dma_start3A_929 = arith.constant 0 : i32
      %dma_start3A_930 = tpu.memref_slice %arg10[%dma_start3A_928, %dma_start3A_929] : memref<416x32xf32, #tpu.memory_space<vmem>> -> memref<26x32xf32, #tpu.memory_space<vmem>>
      tpu.enqueue_dma source(%dma_start3A_930 : memref<26x32xf32, #tpu.memory_space<vmem>>) target(%dma_start3A_927 : memref<26x32xf32, #tpu.memory_space<hbm>>) target_semaphore(%arg13 : memref<!tpu.dma_semaphore, #tpu.memory_space<semaphore_mem>>)
      %add3A_931 = arith.constant 5 : i32
      %add3A_932 = arith.addi %add3A_20, %add3A_931 : i32
      %dma_start3A_933 = arith.constant 130 : i32
      %dma_start3A_934 = arith.constant 0 : i32
      %dma_start3A_935 = tpu.memref_slice %arg10[%dma_start3A_933, %dma_start3A_934] : memref<416x32xf32, #tpu.memory_space<vmem>> -> memref<26x32xf32, #tpu.memory_space<vmem>>
      %dma_start3A_936 = arith.constant 0 : i32
      %dma_start3A_937 = arith.constant 0 : i32
      %dma_start3A_938 = tpu.memref_slice %arg4[%add3A_932, %dma_start3A_936, %dma_start3A_937] : memref<16384x26x32xf32, #tpu.memory_space<hbm>> -> memref<1x26x32xf32, #tpu.memory_space<hbm>>
      %dma_start3A_939 = tpu.memref_squeeze %dma_start3A_938 : memref<1x26x32xf32, #tpu.memory_space<hbm>> -> memref<26x32xf32, #tpu.memory_space<hbm>>
      %dma_start3A_940 = arith.constant 0 : i32
      %dma_start3A_941 = arith.constant 0 : i32
      %dma_start3A_942 = tpu.memref_slice %arg4[%add3A_932, %dma_start3A_940, %dma_start3A_941] : memref<16384x26x32xf32, #tpu.memory_space<hbm>> -> memref<1x26x32xf32, #tpu.memory_space<hbm>>
      %dma_start3A_943 = tpu.memref_squeeze %dma_start3A_942 : memref<1x26x32xf32, #tpu.memory_space<hbm>> -> memref<26x32xf32, #tpu.memory_space<hbm>>
      %dma_start3A_944 = arith.constant 130 : i32
      %dma_start3A_945 = arith.constant 0 : i32
      %dma_start3A_946 = tpu.memref_slice %arg10[%dma_start3A_944, %dma_start3A_945] : memref<416x32xf32, #tpu.memory_space<vmem>> -> memref<26x32xf32, #tpu.memory_space<vmem>>
      tpu.enqueue_dma source(%dma_start3A_946 : memref<26x32xf32, #tpu.memory_space<vmem>>) target(%dma_start3A_943 : memref<26x32xf32, #tpu.memory_space<hbm>>) target_semaphore(%arg13 : memref<!tpu.dma_semaphore, #tpu.memory_space<semaphore_mem>>)
      %add3A_947 = arith.constant 6 : i32
      %add3A_948 = arith.addi %add3A_20, %add3A_947 : i32
      %dma_start3A_949 = arith.constant 156 : i32
      %dma_start3A_950 = arith.constant 0 : i32
      %dma_start3A_951 = tpu.memref_slice %arg10[%dma_start3A_949, %dma_start3A_950] : memref<416x32xf32, #tpu.memory_space<vmem>> -> memref<26x32xf32, #tpu.memory_space<vmem>>
      %dma_start3A_952 = arith.constant 0 : i32
      %dma_start3A_953 = arith.constant 0 : i32
      %dma_start3A_954 = tpu.memref_slice %arg4[%add3A_948, %dma_start3A_952, %dma_start3A_953] : memref<16384x26x32xf32, #tpu.memory_space<hbm>> -> memref<1x26x32xf32, #tpu.memory_space<hbm>>
      %dma_start3A_955 = tpu.memref_squeeze %dma_start3A_954 : memref<1x26x32xf32, #tpu.memory_space<hbm>> -> memref<26x32xf32, #tpu.memory_space<hbm>>
      %dma_start3A_956 = arith.constant 0 : i32
      %dma_start3A_957 = arith.constant 0 : i32
      %dma_start3A_958 = tpu.memref_slice %arg4[%add3A_948, %dma_start3A_956, %dma_start3A_957] : memref<16384x26x32xf32, #tpu.memory_space<hbm>> -> memref<1x26x32xf32, #tpu.memory_space<hbm>>
      %dma_start3A_959 = tpu.memref_squeeze %dma_start3A_958 : memref<1x26x32xf32, #tpu.memory_space<hbm>> -> memref<26x32xf32, #tpu.memory_space<hbm>>
      %dma_start3A_960 = arith.constant 156 : i32
      %dma_start3A_961 = arith.constant 0 : i32
      %dma_start3A_962 = tpu.memref_slice %arg10[%dma_start3A_960, %dma_start3A_961] : memref<416x32xf32, #tpu.memory_space<vmem>> -> memref<26x32xf32, #tpu.memory_space<vmem>>
      tpu.enqueue_dma source(%dma_start3A_962 : memref<26x32xf32, #tpu.memory_space<vmem>>) target(%dma_start3A_959 : memref<26x32xf32, #tpu.memory_space<hbm>>) target_semaphore(%arg13 : memref<!tpu.dma_semaphore, #tpu.memory_space<semaphore_mem>>)
      %add3A_963 = arith.constant 7 : i32
      %add3A_964 = arith.addi %add3A_20, %add3A_963 : i32
      %dma_start3A_965 = arith.constant 182 : i32
      %dma_start3A_966 = arith.constant 0 : i32
      %dma_start3A_967 = tpu.memref_slice %arg10[%dma_start3A_965, %dma_start3A_966] : memref<416x32xf32, #tpu.memory_space<vmem>> -> memref<26x32xf32, #tpu.memory_space<vmem>>
      %dma_start3A_968 = arith.constant 0 : i32
      %dma_start3A_969 = arith.constant 0 : i32
      %dma_start3A_970 = tpu.memref_slice %arg4[%add3A_964, %dma_start3A_968, %dma_start3A_969] : memref<16384x26x32xf32, #tpu.memory_space<hbm>> -> memref<1x26x32xf32, #tpu.memory_space<hbm>>
      %dma_start3A_971 = tpu.memref_squeeze %dma_start3A_970 : memref<1x26x32xf32, #tpu.memory_space<hbm>> -> memref<26x32xf32, #tpu.memory_space<hbm>>
      %dma_start3A_972 = arith.constant 0 : i32
      %dma_start3A_973 = arith.constant 0 : i32
      %dma_start3A_974 = tpu.memref_slice %arg4[%add3A_964, %dma_start3A_972, %dma_start3A_973] : memref<16384x26x32xf32, #tpu.memory_space<hbm>> -> memref<1x26x32xf32, #tpu.memory_space<hbm>>
      %dma_start3A_975 = tpu.memref_squeeze %dma_start3A_974 : memref<1x26x32xf32, #tpu.memory_space<hbm>> -> memref<26x32xf32, #tpu.memory_space<hbm>>
      %dma_start3A_976 = arith.constant 182 : i32
      %dma_start3A_977 = arith.constant 0 : i32
      %dma_start3A_978 = tpu.memref_slice %arg10[%dma_start3A_976, %dma_start3A_977] : memref<416x32xf32, #tpu.memory_space<vmem>> -> memref<26x32xf32, #tpu.memory_space<vmem>>
      tpu.enqueue_dma source(%dma_start3A_978 : memref<26x32xf32, #tpu.memory_space<vmem>>) target(%dma_start3A_975 : memref<26x32xf32, #tpu.memory_space<hbm>>) target_semaphore(%arg13 : memref<!tpu.dma_semaphore, #tpu.memory_space<semaphore_mem>>)
      %add3A_979 = arith.constant 8 : i32
      %add3A_980 = arith.addi %add3A_20, %add3A_979 : i32
      %dma_start3A_981 = arith.constant 208 : i32
      %dma_start3A_982 = arith.constant 0 : i32
      %dma_start3A_983 = tpu.memref_slice %arg10[%dma_start3A_981, %dma_start3A_982] : memref<416x32xf32, #tpu.memory_space<vmem>> -> memref<26x32xf32, #tpu.memory_space<vmem>>
      %dma_start3A_984 = arith.constant 0 : i32
      %dma_start3A_985 = arith.constant 0 : i32
      %dma_start3A_986 = tpu.memref_slice %arg4[%add3A_980, %dma_start3A_984, %dma_start3A_985] : memref<16384x26x32xf32, #tpu.memory_space<hbm>> -> memref<1x26x32xf32, #tpu.memory_space<hbm>>
      %dma_start3A_987 = tpu.memref_squeeze %dma_start3A_986 : memref<1x26x32xf32, #tpu.memory_space<hbm>> -> memref<26x32xf32, #tpu.memory_space<hbm>>
      %dma_start3A_988 = arith.constant 0 : i32
      %dma_start3A_989 = arith.constant 0 : i32
      %dma_start3A_990 = tpu.memref_slice %arg4[%add3A_980, %dma_start3A_988, %dma_start3A_989] : memref<16384x26x32xf32, #tpu.memory_space<hbm>> -> memref<1x26x32xf32, #tpu.memory_space<hbm>>
      %dma_start3A_991 = tpu.memref_squeeze %dma_start3A_990 : memref<1x26x32xf32, #tpu.memory_space<hbm>> -> memref<26x32xf32, #tpu.memory_space<hbm>>
      %dma_start3A_992 = arith.constant 208 : i32
      %dma_start3A_993 = arith.constant 0 : i32
      %dma_start3A_994 = tpu.memref_slice %arg10[%dma_start3A_992, %dma_start3A_993] : memref<416x32xf32, #tpu.memory_space<vmem>> -> memref<26x32xf32, #tpu.memory_space<vmem>>
      tpu.enqueue_dma source(%dma_start3A_994 : memref<26x32xf32, #tpu.memory_space<vmem>>) target(%dma_start3A_991 : memref<26x32xf32, #tpu.memory_space<hbm>>) target_semaphore(%arg13 : memref<!tpu.dma_semaphore, #tpu.memory_space<semaphore_mem>>)
      %add3A_995 = arith.constant 9 : i32
      %add3A_996 = arith.addi %add3A_20, %add3A_995 : i32
      %dma_start3A_997 = arith.constant 234 : i32
      %dma_start3A_998 = arith.constant 0 : i32
      %dma_start3A_999 = tpu.memref_slice %arg10[%dma_start3A_997, %dma_start3A_998] : memref<416x32xf32, #tpu.memory_space<vmem>> -> memref<26x32xf32, #tpu.memory_space<vmem>>
      %dma_start3A_1000 = arith.constant 0 : i32
      %dma_start3A_1001 = arith.constant 0 : i32
      %dma_start3A_1002 = tpu.memref_slice %arg4[%add3A_996, %dma_start3A_1000, %dma_start3A_1001] : memref<16384x26x32xf32, #tpu.memory_space<hbm>> -> memref<1x26x32xf32, #tpu.memory_space<hbm>>
      %dma_start3A_1003 = tpu.memref_squeeze %dma_start3A_1002 : memref<1x26x32xf32, #tpu.memory_space<hbm>> -> memref<26x32xf32, #tpu.memory_space<hbm>>
      %dma_start3A_1004 = arith.constant 0 : i32
      %dma_start3A_1005 = arith.constant 0 : i32
      %dma_start3A_1006 = tpu.memref_slice %arg4[%add3A_996, %dma_start3A_1004, %dma_start3A_1005] : memref<16384x26x32xf32, #tpu.memory_space<hbm>> -> memref<1x26x32xf32, #tpu.memory_space<hbm>>
      %dma_start3A_1007 = tpu.memref_squeeze %dma_start3A_1006 : memref<1x26x32xf32, #tpu.memory_space<hbm>> -> memref<26x32xf32, #tpu.memory_space<hbm>>
      %dma_start3A_1008 = arith.constant 234 : i32
      %dma_start3A_1009 = arith.constant 0 : i32
      %dma_start3A_1010 = tpu.memref_slice %arg10[%dma_start3A_1008, %dma_start3A_1009] : memref<416x32xf32, #tpu.memory_space<vmem>> -> memref<26x32xf32, #tpu.memory_space<vmem>>
      tpu.enqueue_dma source(%dma_start3A_1010 : memref<26x32xf32, #tpu.memory_space<vmem>>) target(%dma_start3A_1007 : memref<26x32xf32, #tpu.memory_space<hbm>>) target_semaphore(%arg13 : memref<!tpu.dma_semaphore, #tpu.memory_space<semaphore_mem>>)
      %add3A_1011 = arith.constant 10 : i32
      %add3A_1012 = arith.addi %add3A_20, %add3A_1011 : i32
      %dma_start3A_1013 = arith.constant 260 : i32
      %dma_start3A_1014 = arith.constant 0 : i32
      %dma_start3A_1015 = tpu.memref_slice %arg10[%dma_start3A_1013, %dma_start3A_1014] : memref<416x32xf32, #tpu.memory_space<vmem>> -> memref<26x32xf32, #tpu.memory_space<vmem>>
      %dma_start3A_1016 = arith.constant 0 : i32
      %dma_start3A_1017 = arith.constant 0 : i32
      %dma_start3A_1018 = tpu.memref_slice %arg4[%add3A_1012, %dma_start3A_1016, %dma_start3A_1017] : memref<16384x26x32xf32, #tpu.memory_space<hbm>> -> memref<1x26x32xf32, #tpu.memory_space<hbm>>
      %dma_start3A_1019 = tpu.memref_squeeze %dma_start3A_1018 : memref<1x26x32xf32, #tpu.memory_space<hbm>> -> memref<26x32xf32, #tpu.memory_space<hbm>>
      %dma_start3A_1020 = arith.constant 0 : i32
      %dma_start3A_1021 = arith.constant 0 : i32
      %dma_start3A_1022 = tpu.memref_slice %arg4[%add3A_1012, %dma_start3A_1020, %dma_start3A_1021] : memref<16384x26x32xf32, #tpu.memory_space<hbm>> -> memref<1x26x32xf32, #tpu.memory_space<hbm>>
      %dma_start3A_1023 = tpu.memref_squeeze %dma_start3A_1022 : memref<1x26x32xf32, #tpu.memory_space<hbm>> -> memref<26x32xf32, #tpu.memory_space<hbm>>
      %dma_start3A_1024 = arith.constant 260 : i32
      %dma_start3A_1025 = arith.constant 0 : i32
      %dma_start3A_1026 = tpu.memref_slice %arg10[%dma_start3A_1024, %dma_start3A_1025] : memref<416x32xf32, #tpu.memory_space<vmem>> -> memref<26x32xf32, #tpu.memory_space<vmem>>
      tpu.enqueue_dma source(%dma_start3A_1026 : memref<26x32xf32, #tpu.memory_space<vmem>>) target(%dma_start3A_1023 : memref<26x32xf32, #tpu.memory_space<hbm>>) target_semaphore(%arg13 : memref<!tpu.dma_semaphore, #tpu.memory_space<semaphore_mem>>)
      %add3A_1027 = arith.constant 11 : i32
      %add3A_1028 = arith.addi %add3A_20, %add3A_1027 : i32
      %dma_start3A_1029 = arith.constant 286 : i32
      %dma_start3A_1030 = arith.constant 0 : i32
      %dma_start3A_1031 = tpu.memref_slice %arg10[%dma_start3A_1029, %dma_start3A_1030] : memref<416x32xf32, #tpu.memory_space<vmem>> -> memref<26x32xf32, #tpu.memory_space<vmem>>
      %dma_start3A_1032 = arith.constant 0 : i32
      %dma_start3A_1033 = arith.constant 0 : i32
      %dma_start3A_1034 = tpu.memref_slice %arg4[%add3A_1028, %dma_start3A_1032, %dma_start3A_1033] : memref<16384x26x32xf32, #tpu.memory_space<hbm>> -> memref<1x26x32xf32, #tpu.memory_space<hbm>>
      %dma_start3A_1035 = tpu.memref_squeeze %dma_start3A_1034 : memref<1x26x32xf32, #tpu.memory_space<hbm>> -> memref<26x32xf32, #tpu.memory_space<hbm>>
      %dma_start3A_1036 = arith.constant 0 : i32
      %dma_start3A_1037 = arith.constant 0 : i32
      %dma_start3A_1038 = tpu.memref_slice %arg4[%add3A_1028, %dma_start3A_1036, %dma_start3A_1037] : memref<16384x26x32xf32, #tpu.memory_space<hbm>> -> memref<1x26x32xf32, #tpu.memory_space<hbm>>
      %dma_start3A_1039 = tpu.memref_squeeze %dma_start3A_1038 : memref<1x26x32xf32, #tpu.memory_space<hbm>> -> memref<26x32xf32, #tpu.memory_space<hbm>>
      %dma_start3A_1040 = arith.constant 286 : i32
      %dma_start3A_1041 = arith.constant 0 : i32
      %dma_start3A_1042 = tpu.memref_slice %arg10[%dma_start3A_1040, %dma_start3A_1041] : memref<416x32xf32, #tpu.memory_space<vmem>> -> memref<26x32xf32, #tpu.memory_space<vmem>>
      tpu.enqueue_dma source(%dma_start3A_1042 : memref<26x32xf32, #tpu.memory_space<vmem>>) target(%dma_start3A_1039 : memref<26x32xf32, #tpu.memory_space<hbm>>) target_semaphore(%arg13 : memref<!tpu.dma_semaphore, #tpu.memory_space<semaphore_mem>>)
      %add3A_1043 = arith.constant 12 : i32
      %add3A_1044 = arith.addi %add3A_20, %add3A_1043 : i32
      %dma_start3A_1045 = arith.constant 312 : i32
      %dma_start3A_1046 = arith.constant 0 : i32
      %dma_start3A_1047 = tpu.memref_slice %arg10[%dma_start3A_1045, %dma_start3A_1046] : memref<416x32xf32, #tpu.memory_space<vmem>> -> memref<26x32xf32, #tpu.memory_space<vmem>>
      %dma_start3A_1048 = arith.constant 0 : i32
      %dma_start3A_1049 = arith.constant 0 : i32
      %dma_start3A_1050 = tpu.memref_slice %arg4[%add3A_1044, %dma_start3A_1048, %dma_start3A_1049] : memref<16384x26x32xf32, #tpu.memory_space<hbm>> -> memref<1x26x32xf32, #tpu.memory_space<hbm>>
      %dma_start3A_1051 = tpu.memref_squeeze %dma_start3A_1050 : memref<1x26x32xf32, #tpu.memory_space<hbm>> -> memref<26x32xf32, #tpu.memory_space<hbm>>
      %dma_start3A_1052 = arith.constant 0 : i32
      %dma_start3A_1053 = arith.constant 0 : i32
      %dma_start3A_1054 = tpu.memref_slice %arg4[%add3A_1044, %dma_start3A_1052, %dma_start3A_1053] : memref<16384x26x32xf32, #tpu.memory_space<hbm>> -> memref<1x26x32xf32, #tpu.memory_space<hbm>>
      %dma_start3A_1055 = tpu.memref_squeeze %dma_start3A_1054 : memref<1x26x32xf32, #tpu.memory_space<hbm>> -> memref<26x32xf32, #tpu.memory_space<hbm>>
      %dma_start3A_1056 = arith.constant 312 : i32
      %dma_start3A_1057 = arith.constant 0 : i32
      %dma_start3A_1058 = tpu.memref_slice %arg10[%dma_start3A_1056, %dma_start3A_1057] : memref<416x32xf32, #tpu.memory_space<vmem>> -> memref<26x32xf32, #tpu.memory_space<vmem>>
      tpu.enqueue_dma source(%dma_start3A_1058 : memref<26x32xf32, #tpu.memory_space<vmem>>) target(%dma_start3A_1055 : memref<26x32xf32, #tpu.memory_space<hbm>>) target_semaphore(%arg13 : memref<!tpu.dma_semaphore, #tpu.memory_space<semaphore_mem>>)
      %add3A_1059 = arith.constant 13 : i32
      %add3A_1060 = arith.addi %add3A_20, %add3A_1059 : i32
      %dma_start3A_1061 = arith.constant 338 : i32
      %dma_start3A_1062 = arith.constant 0 : i32
      %dma_start3A_1063 = tpu.memref_slice %arg10[%dma_start3A_1061, %dma_start3A_1062] : memref<416x32xf32, #tpu.memory_space<vmem>> -> memref<26x32xf32, #tpu.memory_space<vmem>>
      %dma_start3A_1064 = arith.constant 0 : i32
      %dma_start3A_1065 = arith.constant 0 : i32
      %dma_start3A_1066 = tpu.memref_slice %arg4[%add3A_1060, %dma_start3A_1064, %dma_start3A_1065] : memref<16384x26x32xf32, #tpu.memory_space<hbm>> -> memref<1x26x32xf32, #tpu.memory_space<hbm>>
      %dma_start3A_1067 = tpu.memref_squeeze %dma_start3A_1066 : memref<1x26x32xf32, #tpu.memory_space<hbm>> -> memref<26x32xf32, #tpu.memory_space<hbm>>
      %dma_start3A_1068 = arith.constant 0 : i32
      %dma_start3A_1069 = arith.constant 0 : i32
      %dma_start3A_1070 = tpu.memref_slice %arg4[%add3A_1060, %dma_start3A_1068, %dma_start3A_1069] : memref<16384x26x32xf32, #tpu.memory_space<hbm>> -> memref<1x26x32xf32, #tpu.memory_space<hbm>>
      %dma_start3A_1071 = tpu.memref_squeeze %dma_start3A_1070 : memref<1x26x32xf32, #tpu.memory_space<hbm>> -> memref<26x32xf32, #tpu.memory_space<hbm>>
      %dma_start3A_1072 = arith.constant 338 : i32
      %dma_start3A_1073 = arith.constant 0 : i32
      %dma_start3A_1074 = tpu.memref_slice %arg10[%dma_start3A_1072, %dma_start3A_1073] : memref<416x32xf32, #tpu.memory_space<vmem>> -> memref<26x32xf32, #tpu.memory_space<vmem>>
      tpu.enqueue_dma source(%dma_start3A_1074 : memref<26x32xf32, #tpu.memory_space<vmem>>) target(%dma_start3A_1071 : memref<26x32xf32, #tpu.memory_space<hbm>>) target_semaphore(%arg13 : memref<!tpu.dma_semaphore, #tpu.memory_space<semaphore_mem>>)
      %add3A_1075 = arith.constant 14 : i32
      %add3A_1076 = arith.addi %add3A_20, %add3A_1075 : i32
      %dma_start3A_1077 = arith.constant 364 : i32
      %dma_start3A_1078 = arith.constant 0 : i32
      %dma_start3A_1079 = tpu.memref_slice %arg10[%dma_start3A_1077, %dma_start3A_1078] : memref<416x32xf32, #tpu.memory_space<vmem>> -> memref<26x32xf32, #tpu.memory_space<vmem>>
      %dma_start3A_1080 = arith.constant 0 : i32
      %dma_start3A_1081 = arith.constant 0 : i32
      %dma_start3A_1082 = tpu.memref_slice %arg4[%add3A_1076, %dma_start3A_1080, %dma_start3A_1081] : memref<16384x26x32xf32, #tpu.memory_space<hbm>> -> memref<1x26x32xf32, #tpu.memory_space<hbm>>
      %dma_start3A_1083 = tpu.memref_squeeze %dma_start3A_1082 : memref<1x26x32xf32, #tpu.memory_space<hbm>> -> memref<26x32xf32, #tpu.memory_space<hbm>>
      %dma_start3A_1084 = arith.constant 0 : i32
      %dma_start3A_1085 = arith.constant 0 : i32
      %dma_start3A_1086 = tpu.memref_slice %arg4[%add3A_1076, %dma_start3A_1084, %dma_start3A_1085] : memref<16384x26x32xf32, #tpu.memory_space<hbm>> -> memref<1x26x32xf32, #tpu.memory_space<hbm>>
      %dma_start3A_1087 = tpu.memref_squeeze %dma_start3A_1086 : memref<1x26x32xf32, #tpu.memory_space<hbm>> -> memref<26x32xf32, #tpu.memory_space<hbm>>
      %dma_start3A_1088 = arith.constant 364 : i32
      %dma_start3A_1089 = arith.constant 0 : i32
      %dma_start3A_1090 = tpu.memref_slice %arg10[%dma_start3A_1088, %dma_start3A_1089] : memref<416x32xf32, #tpu.memory_space<vmem>> -> memref<26x32xf32, #tpu.memory_space<vmem>>
      tpu.enqueue_dma source(%dma_start3A_1090 : memref<26x32xf32, #tpu.memory_space<vmem>>) target(%dma_start3A_1087 : memref<26x32xf32, #tpu.memory_space<hbm>>) target_semaphore(%arg13 : memref<!tpu.dma_semaphore, #tpu.memory_space<semaphore_mem>>)
      %add3A_1091 = arith.constant 15 : i32
      %add3A_1092 = arith.addi %add3A_20, %add3A_1091 : i32
      %dma_start3A_1093 = arith.constant 390 : i32
      %dma_start3A_1094 = arith.constant 0 : i32
      %dma_start3A_1095 = tpu.memref_slice %arg10[%dma_start3A_1093, %dma_start3A_1094] : memref<416x32xf32, #tpu.memory_space<vmem>> -> memref<26x32xf32, #tpu.memory_space<vmem>>
      %dma_start3A_1096 = arith.constant 0 : i32
      %dma_start3A_1097 = arith.constant 0 : i32
      %dma_start3A_1098 = tpu.memref_slice %arg4[%add3A_1092, %dma_start3A_1096, %dma_start3A_1097] : memref<16384x26x32xf32, #tpu.memory_space<hbm>> -> memref<1x26x32xf32, #tpu.memory_space<hbm>>
      %dma_start3A_1099 = tpu.memref_squeeze %dma_start3A_1098 : memref<1x26x32xf32, #tpu.memory_space<hbm>> -> memref<26x32xf32, #tpu.memory_space<hbm>>
      %dma_start3A_1100 = arith.constant 0 : i32
      %dma_start3A_1101 = arith.constant 0 : i32
      %dma_start3A_1102 = tpu.memref_slice %arg4[%add3A_1092, %dma_start3A_1100, %dma_start3A_1101] : memref<16384x26x32xf32, #tpu.memory_space<hbm>> -> memref<1x26x32xf32, #tpu.memory_space<hbm>>
      %dma_start3A_1103 = tpu.memref_squeeze %dma_start3A_1102 : memref<1x26x32xf32, #tpu.memory_space<hbm>> -> memref<26x32xf32, #tpu.memory_space<hbm>>
      %dma_start3A_1104 = arith.constant 390 : i32
      %dma_start3A_1105 = arith.constant 0 : i32
      %dma_start3A_1106 = tpu.memref_slice %arg10[%dma_start3A_1104, %dma_start3A_1105] : memref<416x32xf32, #tpu.memory_space<vmem>> -> memref<26x32xf32, #tpu.memory_space<vmem>>
      tpu.enqueue_dma source(%dma_start3A_1106 : memref<26x32xf32, #tpu.memory_space<vmem>>) target(%dma_start3A_1103 : memref<26x32xf32, #tpu.memory_space<hbm>>) target_semaphore(%arg13 : memref<!tpu.dma_semaphore, #tpu.memory_space<semaphore_mem>>)
      %dma_wait3A_1107 = arith.constant 0 : i32
      %dma_wait3A_1108 = arith.constant 0 : i32
      %dma_wait3A_1109 = tpu.memref_slice %arg7[%dma_wait3A_1107, %dma_wait3A_1108] : memref<416x32xf32, #tpu.memory_space<vmem>> -> memref<26x32xf32, #tpu.memory_space<vmem>>
      %dma_wait3A_1110 = arith.constant 0 : i32
      %dma_wait3A_1111 = arith.constant 0 : i32
      %dma_wait3A_1112 = tpu.memref_slice %arg4[%add3A_564, %dma_wait3A_1110, %dma_wait3A_1111] : memref<16384x26x32xf32, #tpu.memory_space<hbm>> -> memref<1x26x32xf32, #tpu.memory_space<hbm>>
      %dma_wait3A_1113 = tpu.memref_squeeze %dma_wait3A_1112 : memref<1x26x32xf32, #tpu.memory_space<hbm>> -> memref<26x32xf32, #tpu.memory_space<hbm>>
      %dma_wait3A_1114 = arith.constant 0 : i32
      %dma_wait3A_1115 = arith.constant 0 : i32
      %dma_wait3A_1116 = tpu.memref_slice %arg4[%add3A_564, %dma_wait3A_1114, %dma_wait3A_1115] : memref<16384x26x32xf32, #tpu.memory_space<hbm>> -> memref<1x26x32xf32, #tpu.memory_space<hbm>>
      %dma_wait3A_1117 = tpu.memref_squeeze %dma_wait3A_1116 : memref<1x26x32xf32, #tpu.memory_space<hbm>> -> memref<26x32xf32, #tpu.memory_space<hbm>>
      %dma_wait3A_1118 = arith.constant 0 : i32
      %dma_wait3A_1119 = arith.constant 0 : i32
      %dma_wait3A_1120 = tpu.memref_slice %arg7[%dma_wait3A_1118, %dma_wait3A_1119] : memref<416x32xf32, #tpu.memory_space<vmem>> -> memref<26x32xf32, #tpu.memory_space<vmem>>
      tpu.wait_dma2 semaphore(%arg13 : memref<!tpu.dma_semaphore, #tpu.memory_space<semaphore_mem>>) src(%dma_wait3A_1120 : memref<26x32xf32, #tpu.memory_space<vmem>>) dst(%dma_wait3A_1117 : memref<26x32xf32, #tpu.memory_space<hbm>>)
      %dma_wait3A_1121 = arith.constant 26 : i32
      %dma_wait3A_1122 = arith.constant 0 : i32
      %dma_wait3A_1123 = tpu.memref_slice %arg7[%dma_wait3A_1121, %dma_wait3A_1122] : memref<416x32xf32, #tpu.memory_space<vmem>> -> memref<26x32xf32, #tpu.memory_space<vmem>>
      %dma_wait3A_1124 = arith.constant 0 : i32
      %dma_wait3A_1125 = arith.constant 0 : i32
      %dma_wait3A_1126 = tpu.memref_slice %arg4[%add3A_580, %dma_wait3A_1124, %dma_wait3A_1125] : memref<16384x26x32xf32, #tpu.memory_space<hbm>> -> memref<1x26x32xf32, #tpu.memory_space<hbm>>
      %dma_wait3A_1127 = tpu.memref_squeeze %dma_wait3A_1126 : memref<1x26x32xf32, #tpu.memory_space<hbm>> -> memref<26x32xf32, #tpu.memory_space<hbm>>
      %dma_wait3A_1128 = arith.constant 0 : i32
      %dma_wait3A_1129 = arith.constant 0 : i32
      %dma_wait3A_1130 = tpu.memref_slice %arg4[%add3A_580, %dma_wait3A_1128, %dma_wait3A_1129] : memref<16384x26x32xf32, #tpu.memory_space<hbm>> -> memref<1x26x32xf32, #tpu.memory_space<hbm>>
      %dma_wait3A_1131 = tpu.memref_squeeze %dma_wait3A_1130 : memref<1x26x32xf32, #tpu.memory_space<hbm>> -> memref<26x32xf32, #tpu.memory_space<hbm>>
      %dma_wait3A_1132 = arith.constant 26 : i32
      %dma_wait3A_1133 = arith.constant 0 : i32
      %dma_wait3A_1134 = tpu.memref_slice %arg7[%dma_wait3A_1132, %dma_wait3A_1133] : memref<416x32xf32, #tpu.memory_space<vmem>> -> memref<26x32xf32, #tpu.memory_space<vmem>>
      tpu.wait_dma2 semaphore(%arg13 : memref<!tpu.dma_semaphore, #tpu.memory_space<semaphore_mem>>) src(%dma_wait3A_1134 : memref<26x32xf32, #tpu.memory_space<vmem>>) dst(%dma_wait3A_1131 : memref<26x32xf32, #tpu.memory_space<hbm>>)
      %dma_wait3A_1135 = arith.constant 52 : i32
      %dma_wait3A_1136 = arith.constant 0 : i32
      %dma_wait3A_1137 = tpu.memref_slice %arg7[%dma_wait3A_1135, %dma_wait3A_1136] : memref<416x32xf32, #tpu.memory_space<vmem>> -> memref<26x32xf32, #tpu.memory_space<vmem>>
      %dma_wait3A_1138 = arith.constant 0 : i32
      %dma_wait3A_1139 = arith.constant 0 : i32
      %dma_wait3A_1140 = tpu.memref_slice %arg4[%add3A_596, %dma_wait3A_1138, %dma_wait3A_1139] : memref<16384x26x32xf32, #tpu.memory_space<hbm>> -> memref<1x26x32xf32, #tpu.memory_space<hbm>>
      %dma_wait3A_1141 = tpu.memref_squeeze %dma_wait3A_1140 : memref<1x26x32xf32, #tpu.memory_space<hbm>> -> memref<26x32xf32, #tpu.memory_space<hbm>>
      %dma_wait3A_1142 = arith.constant 0 : i32
      %dma_wait3A_1143 = arith.constant 0 : i32
      %dma_wait3A_1144 = tpu.memref_slice %arg4[%add3A_596, %dma_wait3A_1142, %dma_wait3A_1143] : memref<16384x26x32xf32, #tpu.memory_space<hbm>> -> memref<1x26x32xf32, #tpu.memory_space<hbm>>
      %dma_wait3A_1145 = tpu.memref_squeeze %dma_wait3A_1144 : memref<1x26x32xf32, #tpu.memory_space<hbm>> -> memref<26x32xf32, #tpu.memory_space<hbm>>
      %dma_wait3A_1146 = arith.constant 52 : i32
      %dma_wait3A_1147 = arith.constant 0 : i32
      %dma_wait3A_1148 = tpu.memref_slice %arg7[%dma_wait3A_1146, %dma_wait3A_1147] : memref<416x32xf32, #tpu.memory_space<vmem>> -> memref<26x32xf32, #tpu.memory_space<vmem>>
      tpu.wait_dma2 semaphore(%arg13 : memref<!tpu.dma_semaphore, #tpu.memory_space<semaphore_mem>>) src(%dma_wait3A_1148 : memref<26x32xf32, #tpu.memory_space<vmem>>) dst(%dma_wait3A_1145 : memref<26x32xf32, #tpu.memory_space<hbm>>)
      %dma_wait3A_1149 = arith.constant 78 : i32
      %dma_wait3A_1150 = arith.constant 0 : i32
      %dma_wait3A_1151 = tpu.memref_slice %arg7[%dma_wait3A_1149, %dma_wait3A_1150] : memref<416x32xf32, #tpu.memory_space<vmem>> -> memref<26x32xf32, #tpu.memory_space<vmem>>
      %dma_wait3A_1152 = arith.constant 0 : i32
      %dma_wait3A_1153 = arith.constant 0 : i32
      %dma_wait3A_1154 = tpu.memref_slice %arg4[%add3A_612, %dma_wait3A_1152, %dma_wait3A_1153] : memref<16384x26x32xf32, #tpu.memory_space<hbm>> -> memref<1x26x32xf32, #tpu.memory_space<hbm>>
      %dma_wait3A_1155 = tpu.memref_squeeze %dma_wait3A_1154 : memref<1x26x32xf32, #tpu.memory_space<hbm>> -> memref<26x32xf32, #tpu.memory_space<hbm>>
      %dma_wait3A_1156 = arith.constant 0 : i32
      %dma_wait3A_1157 = arith.constant 0 : i32
      %dma_wait3A_1158 = tpu.memref_slice %arg4[%add3A_612, %dma_wait3A_1156, %dma_wait3A_1157] : memref<16384x26x32xf32, #tpu.memory_space<hbm>> -> memref<1x26x32xf32, #tpu.memory_space<hbm>>
      %dma_wait3A_1159 = tpu.memref_squeeze %dma_wait3A_1158 : memref<1x26x32xf32, #tpu.memory_space<hbm>> -> memref<26x32xf32, #tpu.memory_space<hbm>>
      %dma_wait3A_1160 = arith.constant 78 : i32
      %dma_wait3A_1161 = arith.constant 0 : i32
      %dma_wait3A_1162 = tpu.memref_slice %arg7[%dma_wait3A_1160, %dma_wait3A_1161] : memref<416x32xf32, #tpu.memory_space<vmem>> -> memref<26x32xf32, #tpu.memory_space<vmem>>
      tpu.wait_dma2 semaphore(%arg13 : memref<!tpu.dma_semaphore, #tpu.memory_space<semaphore_mem>>) src(%dma_wait3A_1162 : memref<26x32xf32, #tpu.memory_space<vmem>>) dst(%dma_wait3A_1159 : memref<26x32xf32, #tpu.memory_space<hbm>>)
      %dma_wait3A_1163 = arith.constant 104 : i32
      %dma_wait3A_1164 = arith.constant 0 : i32
      %dma_wait3A_1165 = tpu.memref_slice %arg7[%dma_wait3A_1163, %dma_wait3A_1164] : memref<416x32xf32, #tpu.memory_space<vmem>> -> memref<26x32xf32, #tpu.memory_space<vmem>>
      %dma_wait3A_1166 = arith.constant 0 : i32
      %dma_wait3A_1167 = arith.constant 0 : i32
      %dma_wait3A_1168 = tpu.memref_slice %arg4[%add3A_628, %dma_wait3A_1166, %dma_wait3A_1167] : memref<16384x26x32xf32, #tpu.memory_space<hbm>> -> memref<1x26x32xf32, #tpu.memory_space<hbm>>
      %dma_wait3A_1169 = tpu.memref_squeeze %dma_wait3A_1168 : memref<1x26x32xf32, #tpu.memory_space<hbm>> -> memref<26x32xf32, #tpu.memory_space<hbm>>
      %dma_wait3A_1170 = arith.constant 0 : i32
      %dma_wait3A_1171 = arith.constant 0 : i32
      %dma_wait3A_1172 = tpu.memref_slice %arg4[%add3A_628, %dma_wait3A_1170, %dma_wait3A_1171] : memref<16384x26x32xf32, #tpu.memory_space<hbm>> -> memref<1x26x32xf32, #tpu.memory_space<hbm>>
      %dma_wait3A_1173 = tpu.memref_squeeze %dma_wait3A_1172 : memref<1x26x32xf32, #tpu.memory_space<hbm>> -> memref<26x32xf32, #tpu.memory_space<hbm>>
      %dma_wait3A_1174 = arith.constant 104 : i32
      %dma_wait3A_1175 = arith.constant 0 : i32
      %dma_wait3A_1176 = tpu.memref_slice %arg7[%dma_wait3A_1174, %dma_wait3A_1175] : memref<416x32xf32, #tpu.memory_space<vmem>> -> memref<26x32xf32, #tpu.memory_space<vmem>>
      tpu.wait_dma2 semaphore(%arg13 : memref<!tpu.dma_semaphore, #tpu.memory_space<semaphore_mem>>) src(%dma_wait3A_1176 : memref<26x32xf32, #tpu.memory_space<vmem>>) dst(%dma_wait3A_1173 : memref<26x32xf32, #tpu.memory_space<hbm>>)
      %dma_wait3A_1177 = arith.constant 130 : i32
      %dma_wait3A_1178 = arith.constant 0 : i32
      %dma_wait3A_1179 = tpu.memref_slice %arg7[%dma_wait3A_1177, %dma_wait3A_1178] : memref<416x32xf32, #tpu.memory_space<vmem>> -> memref<26x32xf32, #tpu.memory_space<vmem>>
      %dma_wait3A_1180 = arith.constant 0 : i32
      %dma_wait3A_1181 = arith.constant 0 : i32
      %dma_wait3A_1182 = tpu.memref_slice %arg4[%add3A_644, %dma_wait3A_1180, %dma_wait3A_1181] : memref<16384x26x32xf32, #tpu.memory_space<hbm>> -> memref<1x26x32xf32, #tpu.memory_space<hbm>>
      %dma_wait3A_1183 = tpu.memref_squeeze %dma_wait3A_1182 : memref<1x26x32xf32, #tpu.memory_space<hbm>> -> memref<26x32xf32, #tpu.memory_space<hbm>>
      %dma_wait3A_1184 = arith.constant 0 : i32
      %dma_wait3A_1185 = arith.constant 0 : i32
      %dma_wait3A_1186 = tpu.memref_slice %arg4[%add3A_644, %dma_wait3A_1184, %dma_wait3A_1185] : memref<16384x26x32xf32, #tpu.memory_space<hbm>> -> memref<1x26x32xf32, #tpu.memory_space<hbm>>
      %dma_wait3A_1187 = tpu.memref_squeeze %dma_wait3A_1186 : memref<1x26x32xf32, #tpu.memory_space<hbm>> -> memref<26x32xf32, #tpu.memory_space<hbm>>
      %dma_wait3A_1188 = arith.constant 130 : i32
      %dma_wait3A_1189 = arith.constant 0 : i32
      %dma_wait3A_1190 = tpu.memref_slice %arg7[%dma_wait3A_1188, %dma_wait3A_1189] : memref<416x32xf32, #tpu.memory_space<vmem>> -> memref<26x32xf32, #tpu.memory_space<vmem>>
      tpu.wait_dma2 semaphore(%arg13 : memref<!tpu.dma_semaphore, #tpu.memory_space<semaphore_mem>>) src(%dma_wait3A_1190 : memref<26x32xf32, #tpu.memory_space<vmem>>) dst(%dma_wait3A_1187 : memref<26x32xf32, #tpu.memory_space<hbm>>)
      %dma_wait3A_1191 = arith.constant 156 : i32
      %dma_wait3A_1192 = arith.constant 0 : i32
      %dma_wait3A_1193 = tpu.memref_slice %arg7[%dma_wait3A_1191, %dma_wait3A_1192] : memref<416x32xf32, #tpu.memory_space<vmem>> -> memref<26x32xf32, #tpu.memory_space<vmem>>
      %dma_wait3A_1194 = arith.constant 0 : i32
      %dma_wait3A_1195 = arith.constant 0 : i32
      %dma_wait3A_1196 = tpu.memref_slice %arg4[%add3A_660, %dma_wait3A_1194, %dma_wait3A_1195] : memref<16384x26x32xf32, #tpu.memory_space<hbm>> -> memref<1x26x32xf32, #tpu.memory_space<hbm>>
      %dma_wait3A_1197 = tpu.memref_squeeze %dma_wait3A_1196 : memref<1x26x32xf32, #tpu.memory_space<hbm>> -> memref<26x32xf32, #tpu.memory_space<hbm>>
      %dma_wait3A_1198 = arith.constant 0 : i32
      %dma_wait3A_1199 = arith.constant 0 : i32
      %dma_wait3A_1200 = tpu.memref_slice %arg4[%add3A_660, %dma_wait3A_1198, %dma_wait3A_1199] : memref<16384x26x32xf32, #tpu.memory_space<hbm>> -> memref<1x26x32xf32, #tpu.memory_space<hbm>>
      %dma_wait3A_1201 = tpu.memref_squeeze %dma_wait3A_1200 : memref<1x26x32xf32, #tpu.memory_space<hbm>> -> memref<26x32xf32, #tpu.memory_space<hbm>>
      %dma_wait3A_1202 = arith.constant 156 : i32
      %dma_wait3A_1203 = arith.constant 0 : i32
      %dma_wait3A_1204 = tpu.memref_slice %arg7[%dma_wait3A_1202, %dma_wait3A_1203] : memref<416x32xf32, #tpu.memory_space<vmem>> -> memref<26x32xf32, #tpu.memory_space<vmem>>
      tpu.wait_dma2 semaphore(%arg13 : memref<!tpu.dma_semaphore, #tpu.memory_space<semaphore_mem>>) src(%dma_wait3A_1204 : memref<26x32xf32, #tpu.memory_space<vmem>>) dst(%dma_wait3A_1201 : memref<26x32xf32, #tpu.memory_space<hbm>>)
      %dma_wait3A_1205 = arith.constant 182 : i32
      %dma_wait3A_1206 = arith.constant 0 : i32
      %dma_wait3A_1207 = tpu.memref_slice %arg7[%dma_wait3A_1205, %dma_wait3A_1206] : memref<416x32xf32, #tpu.memory_space<vmem>> -> memref<26x32xf32, #tpu.memory_space<vmem>>
      %dma_wait3A_1208 = arith.constant 0 : i32
      %dma_wait3A_1209 = arith.constant 0 : i32
      %dma_wait3A_1210 = tpu.memref_slice %arg4[%add3A_676, %dma_wait3A_1208, %dma_wait3A_1209] : memref<16384x26x32xf32, #tpu.memory_space<hbm>> -> memref<1x26x32xf32, #tpu.memory_space<hbm>>
      %dma_wait3A_1211 = tpu.memref_squeeze %dma_wait3A_1210 : memref<1x26x32xf32, #tpu.memory_space<hbm>> -> memref<26x32xf32, #tpu.memory_space<hbm>>
      %dma_wait3A_1212 = arith.constant 0 : i32
      %dma_wait3A_1213 = arith.constant 0 : i32
      %dma_wait3A_1214 = tpu.memref_slice %arg4[%add3A_676, %dma_wait3A_1212, %dma_wait3A_1213] : memref<16384x26x32xf32, #tpu.memory_space<hbm>> -> memref<1x26x32xf32, #tpu.memory_space<hbm>>
      %dma_wait3A_1215 = tpu.memref_squeeze %dma_wait3A_1214 : memref<1x26x32xf32, #tpu.memory_space<hbm>> -> memref<26x32xf32, #tpu.memory_space<hbm>>
      %dma_wait3A_1216 = arith.constant 182 : i32
      %dma_wait3A_1217 = arith.constant 0 : i32
      %dma_wait3A_1218 = tpu.memref_slice %arg7[%dma_wait3A_1216, %dma_wait3A_1217] : memref<416x32xf32, #tpu.memory_space<vmem>> -> memref<26x32xf32, #tpu.memory_space<vmem>>
      tpu.wait_dma2 semaphore(%arg13 : memref<!tpu.dma_semaphore, #tpu.memory_space<semaphore_mem>>) src(%dma_wait3A_1218 : memref<26x32xf32, #tpu.memory_space<vmem>>) dst(%dma_wait3A_1215 : memref<26x32xf32, #tpu.memory_space<hbm>>)
      %dma_wait3A_1219 = arith.constant 208 : i32
      %dma_wait3A_1220 = arith.constant 0 : i32
      %dma_wait3A_1221 = tpu.memref_slice %arg7[%dma_wait3A_1219, %dma_wait3A_1220] : memref<416x32xf32, #tpu.memory_space<vmem>> -> memref<26x32xf32, #tpu.memory_space<vmem>>
      %dma_wait3A_1222 = arith.constant 0 : i32
      %dma_wait3A_1223 = arith.constant 0 : i32
      %dma_wait3A_1224 = tpu.memref_slice %arg4[%add3A_692, %dma_wait3A_1222, %dma_wait3A_1223] : memref<16384x26x32xf32, #tpu.memory_space<hbm>> -> memref<1x26x32xf32, #tpu.memory_space<hbm>>
      %dma_wait3A_1225 = tpu.memref_squeeze %dma_wait3A_1224 : memref<1x26x32xf32, #tpu.memory_space<hbm>> -> memref<26x32xf32, #tpu.memory_space<hbm>>
      %dma_wait3A_1226 = arith.constant 0 : i32
      %dma_wait3A_1227 = arith.constant 0 : i32
      %dma_wait3A_1228 = tpu.memref_slice %arg4[%add3A_692, %dma_wait3A_1226, %dma_wait3A_1227] : memref<16384x26x32xf32, #tpu.memory_space<hbm>> -> memref<1x26x32xf32, #tpu.memory_space<hbm>>
      %dma_wait3A_1229 = tpu.memref_squeeze %dma_wait3A_1228 : memref<1x26x32xf32, #tpu.memory_space<hbm>> -> memref<26x32xf32, #tpu.memory_space<hbm>>
      %dma_wait3A_1230 = arith.constant 208 : i32
      %dma_wait3A_1231 = arith.constant 0 : i32
      %dma_wait3A_1232 = tpu.memref_slice %arg7[%dma_wait3A_1230, %dma_wait3A_1231] : memref<416x32xf32, #tpu.memory_space<vmem>> -> memref<26x32xf32, #tpu.memory_space<vmem>>
      tpu.wait_dma2 semaphore(%arg13 : memref<!tpu.dma_semaphore, #tpu.memory_space<semaphore_mem>>) src(%dma_wait3A_1232 : memref<26x32xf32, #tpu.memory_space<vmem>>) dst(%dma_wait3A_1229 : memref<26x32xf32, #tpu.memory_space<hbm>>)
      %dma_wait3A_1233 = arith.constant 234 : i32
      %dma_wait3A_1234 = arith.constant 0 : i32
      %dma_wait3A_1235 = tpu.memref_slice %arg7[%dma_wait3A_1233, %dma_wait3A_1234] : memref<416x32xf32, #tpu.memory_space<vmem>> -> memref<26x32xf32, #tpu.memory_space<vmem>>
      %dma_wait3A_1236 = arith.constant 0 : i32
      %dma_wait3A_1237 = arith.constant 0 : i32
      %dma_wait3A_1238 = tpu.memref_slice %arg4[%add3A_708, %dma_wait3A_1236, %dma_wait3A_1237] : memref<16384x26x32xf32, #tpu.memory_space<hbm>> -> memref<1x26x32xf32, #tpu.memory_space<hbm>>
      %dma_wait3A_1239 = tpu.memref_squeeze %dma_wait3A_1238 : memref<1x26x32xf32, #tpu.memory_space<hbm>> -> memref<26x32xf32, #tpu.memory_space<hbm>>
      %dma_wait3A_1240 = arith.constant 0 : i32
      %dma_wait3A_1241 = arith.constant 0 : i32
      %dma_wait3A_1242 = tpu.memref_slice %arg4[%add3A_708, %dma_wait3A_1240, %dma_wait3A_1241] : memref<16384x26x32xf32, #tpu.memory_space<hbm>> -> memref<1x26x32xf32, #tpu.memory_space<hbm>>
      %dma_wait3A_1243 = tpu.memref_squeeze %dma_wait3A_1242 : memref<1x26x32xf32, #tpu.memory_space<hbm>> -> memref<26x32xf32, #tpu.memory_space<hbm>>
      %dma_wait3A_1244 = arith.constant 234 : i32
      %dma_wait3A_1245 = arith.constant 0 : i32
      %dma_wait3A_1246 = tpu.memref_slice %arg7[%dma_wait3A_1244, %dma_wait3A_1245] : memref<416x32xf32, #tpu.memory_space<vmem>> -> memref<26x32xf32, #tpu.memory_space<vmem>>
      tpu.wait_dma2 semaphore(%arg13 : memref<!tpu.dma_semaphore, #tpu.memory_space<semaphore_mem>>) src(%dma_wait3A_1246 : memref<26x32xf32, #tpu.memory_space<vmem>>) dst(%dma_wait3A_1243 : memref<26x32xf32, #tpu.memory_space<hbm>>)
      %dma_wait3A_1247 = arith.constant 260 : i32
      %dma_wait3A_1248 = arith.constant 0 : i32
      %dma_wait3A_1249 = tpu.memref_slice %arg7[%dma_wait3A_1247, %dma_wait3A_1248] : memref<416x32xf32, #tpu.memory_space<vmem>> -> memref<26x32xf32, #tpu.memory_space<vmem>>
      %dma_wait3A_1250 = arith.constant 0 : i32
      %dma_wait3A_1251 = arith.constant 0 : i32
      %dma_wait3A_1252 = tpu.memref_slice %arg4[%add3A_724, %dma_wait3A_1250, %dma_wait3A_1251] : memref<16384x26x32xf32, #tpu.memory_space<hbm>> -> memref<1x26x32xf32, #tpu.memory_space<hbm>>
      %dma_wait3A_1253 = tpu.memref_squeeze %dma_wait3A_1252 : memref<1x26x32xf32, #tpu.memory_space<hbm>> -> memref<26x32xf32, #tpu.memory_space<hbm>>
      %dma_wait3A_1254 = arith.constant 0 : i32
      %dma_wait3A_1255 = arith.constant 0 : i32
      %dma_wait3A_1256 = tpu.memref_slice %arg4[%add3A_724, %dma_wait3A_1254, %dma_wait3A_1255] : memref<16384x26x32xf32, #tpu.memory_space<hbm>> -> memref<1x26x32xf32, #tpu.memory_space<hbm>>
      %dma_wait3A_1257 = tpu.memref_squeeze %dma_wait3A_1256 : memref<1x26x32xf32, #tpu.memory_space<hbm>> -> memref<26x32xf32, #tpu.memory_space<hbm>>
      %dma_wait3A_1258 = arith.constant 260 : i32
      %dma_wait3A_1259 = arith.constant 0 : i32
      %dma_wait3A_1260 = tpu.memref_slice %arg7[%dma_wait3A_1258, %dma_wait3A_1259] : memref<416x32xf32, #tpu.memory_space<vmem>> -> memref<26x32xf32, #tpu.memory_space<vmem>>
      tpu.wait_dma2 semaphore(%arg13 : memref<!tpu.dma_semaphore, #tpu.memory_space<semaphore_mem>>) src(%dma_wait3A_1260 : memref<26x32xf32, #tpu.memory_space<vmem>>) dst(%dma_wait3A_1257 : memref<26x32xf32, #tpu.memory_space<hbm>>)
      %dma_wait3A_1261 = arith.constant 286 : i32
      %dma_wait3A_1262 = arith.constant 0 : i32
      %dma_wait3A_1263 = tpu.memref_slice %arg7[%dma_wait3A_1261, %dma_wait3A_1262] : memref<416x32xf32, #tpu.memory_space<vmem>> -> memref<26x32xf32, #tpu.memory_space<vmem>>
      %dma_wait3A_1264 = arith.constant 0 : i32
      %dma_wait3A_1265 = arith.constant 0 : i32
      %dma_wait3A_1266 = tpu.memref_slice %arg4[%add3A_740, %dma_wait3A_1264, %dma_wait3A_1265] : memref<16384x26x32xf32, #tpu.memory_space<hbm>> -> memref<1x26x32xf32, #tpu.memory_space<hbm>>
      %dma_wait3A_1267 = tpu.memref_squeeze %dma_wait3A_1266 : memref<1x26x32xf32, #tpu.memory_space<hbm>> -> memref<26x32xf32, #tpu.memory_space<hbm>>
      %dma_wait3A_1268 = arith.constant 0 : i32
      %dma_wait3A_1269 = arith.constant 0 : i32
      %dma_wait3A_1270 = tpu.memref_slice %arg4[%add3A_740, %dma_wait3A_1268, %dma_wait3A_1269] : memref<16384x26x32xf32, #tpu.memory_space<hbm>> -> memref<1x26x32xf32, #tpu.memory_space<hbm>>
      %dma_wait3A_1271 = tpu.memref_squeeze %dma_wait3A_1270 : memref<1x26x32xf32, #tpu.memory_space<hbm>> -> memref<26x32xf32, #tpu.memory_space<hbm>>
      %dma_wait3A_1272 = arith.constant 286 : i32
      %dma_wait3A_1273 = arith.constant 0 : i32
      %dma_wait3A_1274 = tpu.memref_slice %arg7[%dma_wait3A_1272, %dma_wait3A_1273] : memref<416x32xf32, #tpu.memory_space<vmem>> -> memref<26x32xf32, #tpu.memory_space<vmem>>
      tpu.wait_dma2 semaphore(%arg13 : memref<!tpu.dma_semaphore, #tpu.memory_space<semaphore_mem>>) src(%dma_wait3A_1274 : memref<26x32xf32, #tpu.memory_space<vmem>>) dst(%dma_wait3A_1271 : memref<26x32xf32, #tpu.memory_space<hbm>>)
      %dma_wait3A_1275 = arith.constant 312 : i32
      %dma_wait3A_1276 = arith.constant 0 : i32
      %dma_wait3A_1277 = tpu.memref_slice %arg7[%dma_wait3A_1275, %dma_wait3A_1276] : memref<416x32xf32, #tpu.memory_space<vmem>> -> memref<26x32xf32, #tpu.memory_space<vmem>>
      %dma_wait3A_1278 = arith.constant 0 : i32
      %dma_wait3A_1279 = arith.constant 0 : i32
      %dma_wait3A_1280 = tpu.memref_slice %arg4[%add3A_756, %dma_wait3A_1278, %dma_wait3A_1279] : memref<16384x26x32xf32, #tpu.memory_space<hbm>> -> memref<1x26x32xf32, #tpu.memory_space<hbm>>
      %dma_wait3A_1281 = tpu.memref_squeeze %dma_wait3A_1280 : memref<1x26x32xf32, #tpu.memory_space<hbm>> -> memref<26x32xf32, #tpu.memory_space<hbm>>
      %dma_wait3A_1282 = arith.constant 0 : i32
      %dma_wait3A_1283 = arith.constant 0 : i32
      %dma_wait3A_1284 = tpu.memref_slice %arg4[%add3A_756, %dma_wait3A_1282, %dma_wait3A_1283] : memref<16384x26x32xf32, #tpu.memory_space<hbm>> -> memref<1x26x32xf32, #tpu.memory_space<hbm>>
      %dma_wait3A_1285 = tpu.memref_squeeze %dma_wait3A_1284 : memref<1x26x32xf32, #tpu.memory_space<hbm>> -> memref<26x32xf32, #tpu.memory_space<hbm>>
      %dma_wait3A_1286 = arith.constant 312 : i32
      %dma_wait3A_1287 = arith.constant 0 : i32
      %dma_wait3A_1288 = tpu.memref_slice %arg7[%dma_wait3A_1286, %dma_wait3A_1287] : memref<416x32xf32, #tpu.memory_space<vmem>> -> memref<26x32xf32, #tpu.memory_space<vmem>>
      tpu.wait_dma2 semaphore(%arg13 : memref<!tpu.dma_semaphore, #tpu.memory_space<semaphore_mem>>) src(%dma_wait3A_1288 : memref<26x32xf32, #tpu.memory_space<vmem>>) dst(%dma_wait3A_1285 : memref<26x32xf32, #tpu.memory_space<hbm>>)
      %dma_wait3A_1289 = arith.constant 338 : i32
      %dma_wait3A_1290 = arith.constant 0 : i32
      %dma_wait3A_1291 = tpu.memref_slice %arg7[%dma_wait3A_1289, %dma_wait3A_1290] : memref<416x32xf32, #tpu.memory_space<vmem>> -> memref<26x32xf32, #tpu.memory_space<vmem>>
      %dma_wait3A_1292 = arith.constant 0 : i32
      %dma_wait3A_1293 = arith.constant 0 : i32
      %dma_wait3A_1294 = tpu.memref_slice %arg4[%add3A_772, %dma_wait3A_1292, %dma_wait3A_1293] : memref<16384x26x32xf32, #tpu.memory_space<hbm>> -> memref<1x26x32xf32, #tpu.memory_space<hbm>>
      %dma_wait3A_1295 = tpu.memref_squeeze %dma_wait3A_1294 : memref<1x26x32xf32, #tpu.memory_space<hbm>> -> memref<26x32xf32, #tpu.memory_space<hbm>>
      %dma_wait3A_1296 = arith.constant 0 : i32
      %dma_wait3A_1297 = arith.constant 0 : i32
      %dma_wait3A_1298 = tpu.memref_slice %arg4[%add3A_772, %dma_wait3A_1296, %dma_wait3A_1297] : memref<16384x26x32xf32, #tpu.memory_space<hbm>> -> memref<1x26x32xf32, #tpu.memory_space<hbm>>
      %dma_wait3A_1299 = tpu.memref_squeeze %dma_wait3A_1298 : memref<1x26x32xf32, #tpu.memory_space<hbm>> -> memref<26x32xf32, #tpu.memory_space<hbm>>
      %dma_wait3A_1300 = arith.constant 338 : i32
      %dma_wait3A_1301 = arith.constant 0 : i32
      %dma_wait3A_1302 = tpu.memref_slice %arg7[%dma_wait3A_1300, %dma_wait3A_1301] : memref<416x32xf32, #tpu.memory_space<vmem>> -> memref<26x32xf32, #tpu.memory_space<vmem>>
      tpu.wait_dma2 semaphore(%arg13 : memref<!tpu.dma_semaphore, #tpu.memory_space<semaphore_mem>>) src(%dma_wait3A_1302 : memref<26x32xf32, #tpu.memory_space<vmem>>) dst(%dma_wait3A_1299 : memref<26x32xf32, #tpu.memory_space<hbm>>)
      %dma_wait3A_1303 = arith.constant 364 : i32
      %dma_wait3A_1304 = arith.constant 0 : i32
      %dma_wait3A_1305 = tpu.memref_slice %arg7[%dma_wait3A_1303, %dma_wait3A_1304] : memref<416x32xf32, #tpu.memory_space<vmem>> -> memref<26x32xf32, #tpu.memory_space<vmem>>
      %dma_wait3A_1306 = arith.constant 0 : i32
      %dma_wait3A_1307 = arith.constant 0 : i32
      %dma_wait3A_1308 = tpu.memref_slice %arg4[%add3A_788, %dma_wait3A_1306, %dma_wait3A_1307] : memref<16384x26x32xf32, #tpu.memory_space<hbm>> -> memref<1x26x32xf32, #tpu.memory_space<hbm>>
      %dma_wait3A_1309 = tpu.memref_squeeze %dma_wait3A_1308 : memref<1x26x32xf32, #tpu.memory_space<hbm>> -> memref<26x32xf32, #tpu.memory_space<hbm>>
      %dma_wait3A_1310 = arith.constant 0 : i32
      %dma_wait3A_1311 = arith.constant 0 : i32
      %dma_wait3A_1312 = tpu.memref_slice %arg4[%add3A_788, %dma_wait3A_1310, %dma_wait3A_1311] : memref<16384x26x32xf32, #tpu.memory_space<hbm>> -> memref<1x26x32xf32, #tpu.memory_space<hbm>>
      %dma_wait3A_1313 = tpu.memref_squeeze %dma_wait3A_1312 : memref<1x26x32xf32, #tpu.memory_space<hbm>> -> memref<26x32xf32, #tpu.memory_space<hbm>>
      %dma_wait3A_1314 = arith.constant 364 : i32
      %dma_wait3A_1315 = arith.constant 0 : i32
      %dma_wait3A_1316 = tpu.memref_slice %arg7[%dma_wait3A_1314, %dma_wait3A_1315] : memref<416x32xf32, #tpu.memory_space<vmem>> -> memref<26x32xf32, #tpu.memory_space<vmem>>
      tpu.wait_dma2 semaphore(%arg13 : memref<!tpu.dma_semaphore, #tpu.memory_space<semaphore_mem>>) src(%dma_wait3A_1316 : memref<26x32xf32, #tpu.memory_space<vmem>>) dst(%dma_wait3A_1313 : memref<26x32xf32, #tpu.memory_space<hbm>>)
      %dma_wait3A_1317 = arith.constant 390 : i32
      %dma_wait3A_1318 = arith.constant 0 : i32
      %dma_wait3A_1319 = tpu.memref_slice %arg7[%dma_wait3A_1317, %dma_wait3A_1318] : memref<416x32xf32, #tpu.memory_space<vmem>> -> memref<26x32xf32, #tpu.memory_space<vmem>>
      %dma_wait3A_1320 = arith.constant 0 : i32
      %dma_wait3A_1321 = arith.constant 0 : i32
      %dma_wait3A_1322 = tpu.memref_slice %arg4[%add3A_804, %dma_wait3A_1320, %dma_wait3A_1321] : memref<16384x26x32xf32, #tpu.memory_space<hbm>> -> memref<1x26x32xf32, #tpu.memory_space<hbm>>
      %dma_wait3A_1323 = tpu.memref_squeeze %dma_wait3A_1322 : memref<1x26x32xf32, #tpu.memory_space<hbm>> -> memref<26x32xf32, #tpu.memory_space<hbm>>
      %dma_wait3A_1324 = arith.constant 0 : i32
      %dma_wait3A_1325 = arith.constant 0 : i32
      %dma_wait3A_1326 = tpu.memref_slice %arg4[%add3A_804, %dma_wait3A_1324, %dma_wait3A_1325] : memref<16384x26x32xf32, #tpu.memory_space<hbm>> -> memref<1x26x32xf32, #tpu.memory_space<hbm>>
      %dma_wait3A_1327 = tpu.memref_squeeze %dma_wait3A_1326 : memref<1x26x32xf32, #tpu.memory_space<hbm>> -> memref<26x32xf32, #tpu.memory_space<hbm>>
      %dma_wait3A_1328 = arith.constant 390 : i32
      %dma_wait3A_1329 = arith.constant 0 : i32
      %dma_wait3A_1330 = tpu.memref_slice %arg7[%dma_wait3A_1328, %dma_wait3A_1329] : memref<416x32xf32, #tpu.memory_space<vmem>> -> memref<26x32xf32, #tpu.memory_space<vmem>>
      tpu.wait_dma2 semaphore(%arg13 : memref<!tpu.dma_semaphore, #tpu.memory_space<semaphore_mem>>) src(%dma_wait3A_1330 : memref<26x32xf32, #tpu.memory_space<vmem>>) dst(%dma_wait3A_1327 : memref<26x32xf32, #tpu.memory_space<hbm>>)
      %dma_wait3A_1331 = arith.constant 0 : i32
      %dma_wait3A_1332 = arith.constant 0 : i32
      %dma_wait3A_1333 = tpu.memref_slice %arg10[%dma_wait3A_1331, %dma_wait3A_1332] : memref<416x32xf32, #tpu.memory_space<vmem>> -> memref<26x32xf32, #tpu.memory_space<vmem>>
      %dma_wait3A_1334 = arith.constant 0 : i32
      %dma_wait3A_1335 = arith.constant 0 : i32
      %dma_wait3A_1336 = tpu.memref_slice %arg4[%add3A_852, %dma_wait3A_1334, %dma_wait3A_1335] : memref<16384x26x32xf32, #tpu.memory_space<hbm>> -> memref<1x26x32xf32, #tpu.memory_space<hbm>>
      %dma_wait3A_1337 = tpu.memref_squeeze %dma_wait3A_1336 : memref<1x26x32xf32, #tpu.memory_space<hbm>> -> memref<26x32xf32, #tpu.memory_space<hbm>>
      %dma_wait3A_1338 = arith.constant 0 : i32
      %dma_wait3A_1339 = arith.constant 0 : i32
      %dma_wait3A_1340 = tpu.memref_slice %arg4[%add3A_852, %dma_wait3A_1338, %dma_wait3A_1339] : memref<16384x26x32xf32, #tpu.memory_space<hbm>> -> memref<1x26x32xf32, #tpu.memory_space<hbm>>
      %dma_wait3A_1341 = tpu.memref_squeeze %dma_wait3A_1340 : memref<1x26x32xf32, #tpu.memory_space<hbm>> -> memref<26x32xf32, #tpu.memory_space<hbm>>
      %dma_wait3A_1342 = arith.constant 0 : i32
      %dma_wait3A_1343 = arith.constant 0 : i32
      %dma_wait3A_1344 = tpu.memref_slice %arg10[%dma_wait3A_1342, %dma_wait3A_1343] : memref<416x32xf32, #tpu.memory_space<vmem>> -> memref<26x32xf32, #tpu.memory_space<vmem>>
      tpu.wait_dma2 semaphore(%arg13 : memref<!tpu.dma_semaphore, #tpu.memory_space<semaphore_mem>>) src(%dma_wait3A_1344 : memref<26x32xf32, #tpu.memory_space<vmem>>) dst(%dma_wait3A_1341 : memref<26x32xf32, #tpu.memory_space<hbm>>)
      %dma_wait3A_1345 = arith.constant 26 : i32
      %dma_wait3A_1346 = arith.constant 0 : i32
      %dma_wait3A_1347 = tpu.memref_slice %arg10[%dma_wait3A_1345, %dma_wait3A_1346] : memref<416x32xf32, #tpu.memory_space<vmem>> -> memref<26x32xf32, #tpu.memory_space<vmem>>
      %dma_wait3A_1348 = arith.constant 0 : i32
      %dma_wait3A_1349 = arith.constant 0 : i32
      %dma_wait3A_1350 = tpu.memref_slice %arg4[%add3A_868, %dma_wait3A_1348, %dma_wait3A_1349] : memref<16384x26x32xf32, #tpu.memory_space<hbm>> -> memref<1x26x32xf32, #tpu.memory_space<hbm>>
      %dma_wait3A_1351 = tpu.memref_squeeze %dma_wait3A_1350 : memref<1x26x32xf32, #tpu.memory_space<hbm>> -> memref<26x32xf32, #tpu.memory_space<hbm>>
      %dma_wait3A_1352 = arith.constant 0 : i32
      %dma_wait3A_1353 = arith.constant 0 : i32
      %dma_wait3A_1354 = tpu.memref_slice %arg4[%add3A_868, %dma_wait3A_1352, %dma_wait3A_1353] : memref<16384x26x32xf32, #tpu.memory_space<hbm>> -> memref<1x26x32xf32, #tpu.memory_space<hbm>>
      %dma_wait3A_1355 = tpu.memref_squeeze %dma_wait3A_1354 : memref<1x26x32xf32, #tpu.memory_space<hbm>> -> memref<26x32xf32, #tpu.memory_space<hbm>>
      %dma_wait3A_1356 = arith.constant 26 : i32
      %dma_wait3A_1357 = arith.constant 0 : i32
      %dma_wait3A_1358 = tpu.memref_slice %arg10[%dma_wait3A_1356, %dma_wait3A_1357] : memref<416x32xf32, #tpu.memory_space<vmem>> -> memref<26x32xf32, #tpu.memory_space<vmem>>
      tpu.wait_dma2 semaphore(%arg13 : memref<!tpu.dma_semaphore, #tpu.memory_space<semaphore_mem>>) src(%dma_wait3A_1358 : memref<26x32xf32, #tpu.memory_space<vmem>>) dst(%dma_wait3A_1355 : memref<26x32xf32, #tpu.memory_space<hbm>>)
      %dma_wait3A_1359 = arith.constant 52 : i32
      %dma_wait3A_1360 = arith.constant 0 : i32
      %dma_wait3A_1361 = tpu.memref_slice %arg10[%dma_wait3A_1359, %dma_wait3A_1360] : memref<416x32xf32, #tpu.memory_space<vmem>> -> memref<26x32xf32, #tpu.memory_space<vmem>>
      %dma_wait3A_1362 = arith.constant 0 : i32
      %dma_wait3A_1363 = arith.constant 0 : i32
      %dma_wait3A_1364 = tpu.memref_slice %arg4[%add3A_884, %dma_wait3A_1362, %dma_wait3A_1363] : memref<16384x26x32xf32, #tpu.memory_space<hbm>> -> memref<1x26x32xf32, #tpu.memory_space<hbm>>
      %dma_wait3A_1365 = tpu.memref_squeeze %dma_wait3A_1364 : memref<1x26x32xf32, #tpu.memory_space<hbm>> -> memref<26x32xf32, #tpu.memory_space<hbm>>
      %dma_wait3A_1366 = arith.constant 0 : i32
      %dma_wait3A_1367 = arith.constant 0 : i32
      %dma_wait3A_1368 = tpu.memref_slice %arg4[%add3A_884, %dma_wait3A_1366, %dma_wait3A_1367] : memref<16384x26x32xf32, #tpu.memory_space<hbm>> -> memref<1x26x32xf32, #tpu.memory_space<hbm>>
      %dma_wait3A_1369 = tpu.memref_squeeze %dma_wait3A_1368 : memref<1x26x32xf32, #tpu.memory_space<hbm>> -> memref<26x32xf32, #tpu.memory_space<hbm>>
      %dma_wait3A_1370 = arith.constant 52 : i32
      %dma_wait3A_1371 = arith.constant 0 : i32
      %dma_wait3A_1372 = tpu.memref_slice %arg10[%dma_wait3A_1370, %dma_wait3A_1371] : memref<416x32xf32, #tpu.memory_space<vmem>> -> memref<26x32xf32, #tpu.memory_space<vmem>>
      tpu.wait_dma2 semaphore(%arg13 : memref<!tpu.dma_semaphore, #tpu.memory_space<semaphore_mem>>) src(%dma_wait3A_1372 : memref<26x32xf32, #tpu.memory_space<vmem>>) dst(%dma_wait3A_1369 : memref<26x32xf32, #tpu.memory_space<hbm>>)
      %dma_wait3A_1373 = arith.constant 78 : i32
      %dma_wait3A_1374 = arith.constant 0 : i32
      %dma_wait3A_1375 = tpu.memref_slice %arg10[%dma_wait3A_1373, %dma_wait3A_1374] : memref<416x32xf32, #tpu.memory_space<vmem>> -> memref<26x32xf32, #tpu.memory_space<vmem>>
      %dma_wait3A_1376 = arith.constant 0 : i32
      %dma_wait3A_1377 = arith.constant 0 : i32
      %dma_wait3A_1378 = tpu.memref_slice %arg4[%add3A_900, %dma_wait3A_1376, %dma_wait3A_1377] : memref<16384x26x32xf32, #tpu.memory_space<hbm>> -> memref<1x26x32xf32, #tpu.memory_space<hbm>>
      %dma_wait3A_1379 = tpu.memref_squeeze %dma_wait3A_1378 : memref<1x26x32xf32, #tpu.memory_space<hbm>> -> memref<26x32xf32, #tpu.memory_space<hbm>>
      %dma_wait3A_1380 = arith.constant 0 : i32
      %dma_wait3A_1381 = arith.constant 0 : i32
      %dma_wait3A_1382 = tpu.memref_slice %arg4[%add3A_900, %dma_wait3A_1380, %dma_wait3A_1381] : memref<16384x26x32xf32, #tpu.memory_space<hbm>> -> memref<1x26x32xf32, #tpu.memory_space<hbm>>
      %dma_wait3A_1383 = tpu.memref_squeeze %dma_wait3A_1382 : memref<1x26x32xf32, #tpu.memory_space<hbm>> -> memref<26x32xf32, #tpu.memory_space<hbm>>
      %dma_wait3A_1384 = arith.constant 78 : i32
      %dma_wait3A_1385 = arith.constant 0 : i32
      %dma_wait3A_1386 = tpu.memref_slice %arg10[%dma_wait3A_1384, %dma_wait3A_1385] : memref<416x32xf32, #tpu.memory_space<vmem>> -> memref<26x32xf32, #tpu.memory_space<vmem>>
      tpu.wait_dma2 semaphore(%arg13 : memref<!tpu.dma_semaphore, #tpu.memory_space<semaphore_mem>>) src(%dma_wait3A_1386 : memref<26x32xf32, #tpu.memory_space<vmem>>) dst(%dma_wait3A_1383 : memref<26x32xf32, #tpu.memory_space<hbm>>)
      %dma_wait3A_1387 = arith.constant 104 : i32
      %dma_wait3A_1388 = arith.constant 0 : i32
      %dma_wait3A_1389 = tpu.memref_slice %arg10[%dma_wait3A_1387, %dma_wait3A_1388] : memref<416x32xf32, #tpu.memory_space<vmem>> -> memref<26x32xf32, #tpu.memory_space<vmem>>
      %dma_wait3A_1390 = arith.constant 0 : i32
      %dma_wait3A_1391 = arith.constant 0 : i32
      %dma_wait3A_1392 = tpu.memref_slice %arg4[%add3A_916, %dma_wait3A_1390, %dma_wait3A_1391] : memref<16384x26x32xf32, #tpu.memory_space<hbm>> -> memref<1x26x32xf32, #tpu.memory_space<hbm>>
      %dma_wait3A_1393 = tpu.memref_squeeze %dma_wait3A_1392 : memref<1x26x32xf32, #tpu.memory_space<hbm>> -> memref<26x32xf32, #tpu.memory_space<hbm>>
      %dma_wait3A_1394 = arith.constant 0 : i32
      %dma_wait3A_1395 = arith.constant 0 : i32
      %dma_wait3A_1396 = tpu.memref_slice %arg4[%add3A_916, %dma_wait3A_1394, %dma_wait3A_1395] : memref<16384x26x32xf32, #tpu.memory_space<hbm>> -> memref<1x26x32xf32, #tpu.memory_space<hbm>>
      %dma_wait3A_1397 = tpu.memref_squeeze %dma_wait3A_1396 : memref<1x26x32xf32, #tpu.memory_space<hbm>> -> memref<26x32xf32, #tpu.memory_space<hbm>>
      %dma_wait3A_1398 = arith.constant 104 : i32
      %dma_wait3A_1399 = arith.constant 0 : i32
      %dma_wait3A_1400 = tpu.memref_slice %arg10[%dma_wait3A_1398, %dma_wait3A_1399] : memref<416x32xf32, #tpu.memory_space<vmem>> -> memref<26x32xf32, #tpu.memory_space<vmem>>
      tpu.wait_dma2 semaphore(%arg13 : memref<!tpu.dma_semaphore, #tpu.memory_space<semaphore_mem>>) src(%dma_wait3A_1400 : memref<26x32xf32, #tpu.memory_space<vmem>>) dst(%dma_wait3A_1397 : memref<26x32xf32, #tpu.memory_space<hbm>>)
      %dma_wait3A_1401 = arith.constant 130 : i32
      %dma_wait3A_1402 = arith.constant 0 : i32
      %dma_wait3A_1403 = tpu.memref_slice %arg10[%dma_wait3A_1401, %dma_wait3A_1402] : memref<416x32xf32, #tpu.memory_space<vmem>> -> memref<26x32xf32, #tpu.memory_space<vmem>>
      %dma_wait3A_1404 = arith.constant 0 : i32
      %dma_wait3A_1405 = arith.constant 0 : i32
      %dma_wait3A_1406 = tpu.memref_slice %arg4[%add3A_932, %dma_wait3A_1404, %dma_wait3A_1405] : memref<16384x26x32xf32, #tpu.memory_space<hbm>> -> memref<1x26x32xf32, #tpu.memory_space<hbm>>
      %dma_wait3A_1407 = tpu.memref_squeeze %dma_wait3A_1406 : memref<1x26x32xf32, #tpu.memory_space<hbm>> -> memref<26x32xf32, #tpu.memory_space<hbm>>
      %dma_wait3A_1408 = arith.constant 0 : i32
      %dma_wait3A_1409 = arith.constant 0 : i32
      %dma_wait3A_1410 = tpu.memref_slice %arg4[%add3A_932, %dma_wait3A_1408, %dma_wait3A_1409] : memref<16384x26x32xf32, #tpu.memory_space<hbm>> -> memref<1x26x32xf32, #tpu.memory_space<hbm>>
      %dma_wait3A_1411 = tpu.memref_squeeze %dma_wait3A_1410 : memref<1x26x32xf32, #tpu.memory_space<hbm>> -> memref<26x32xf32, #tpu.memory_space<hbm>>
      %dma_wait3A_1412 = arith.constant 130 : i32
      %dma_wait3A_1413 = arith.constant 0 : i32
      %dma_wait3A_1414 = tpu.memref_slice %arg10[%dma_wait3A_1412, %dma_wait3A_1413] : memref<416x32xf32, #tpu.memory_space<vmem>> -> memref<26x32xf32, #tpu.memory_space<vmem>>
      tpu.wait_dma2 semaphore(%arg13 : memref<!tpu.dma_semaphore, #tpu.memory_space<semaphore_mem>>) src(%dma_wait3A_1414 : memref<26x32xf32, #tpu.memory_space<vmem>>) dst(%dma_wait3A_1411 : memref<26x32xf32, #tpu.memory_space<hbm>>)
      %dma_wait3A_1415 = arith.constant 156 : i32
      %dma_wait3A_1416 = arith.constant 0 : i32
      %dma_wait3A_1417 = tpu.memref_slice %arg10[%dma_wait3A_1415, %dma_wait3A_1416] : memref<416x32xf32, #tpu.memory_space<vmem>> -> memref<26x32xf32, #tpu.memory_space<vmem>>
      %dma_wait3A_1418 = arith.constant 0 : i32
      %dma_wait3A_1419 = arith.constant 0 : i32
      %dma_wait3A_1420 = tpu.memref_slice %arg4[%add3A_948, %dma_wait3A_1418, %dma_wait3A_1419] : memref<16384x26x32xf32, #tpu.memory_space<hbm>> -> memref<1x26x32xf32, #tpu.memory_space<hbm>>
      %dma_wait3A_1421 = tpu.memref_squeeze %dma_wait3A_1420 : memref<1x26x32xf32, #tpu.memory_space<hbm>> -> memref<26x32xf32, #tpu.memory_space<hbm>>
      %dma_wait3A_1422 = arith.constant 0 : i32
      %dma_wait3A_1423 = arith.constant 0 : i32
      %dma_wait3A_1424 = tpu.memref_slice %arg4[%add3A_948, %dma_wait3A_1422, %dma_wait3A_1423] : memref<16384x26x32xf32, #tpu.memory_space<hbm>> -> memref<1x26x32xf32, #tpu.memory_space<hbm>>
      %dma_wait3A_1425 = tpu.memref_squeeze %dma_wait3A_1424 : memref<1x26x32xf32, #tpu.memory_space<hbm>> -> memref<26x32xf32, #tpu.memory_space<hbm>>
      %dma_wait3A_1426 = arith.constant 156 : i32
      %dma_wait3A_1427 = arith.constant 0 : i32
      %dma_wait3A_1428 = tpu.memref_slice %arg10[%dma_wait3A_1426, %dma_wait3A_1427] : memref<416x32xf32, #tpu.memory_space<vmem>> -> memref<26x32xf32, #tpu.memory_space<vmem>>
      tpu.wait_dma2 semaphore(%arg13 : memref<!tpu.dma_semaphore, #tpu.memory_space<semaphore_mem>>) src(%dma_wait3A_1428 : memref<26x32xf32, #tpu.memory_space<vmem>>) dst(%dma_wait3A_1425 : memref<26x32xf32, #tpu.memory_space<hbm>>)
      %dma_wait3A_1429 = arith.constant 182 : i32
      %dma_wait3A_1430 = arith.constant 0 : i32
      %dma_wait3A_1431 = tpu.memref_slice %arg10[%dma_wait3A_1429, %dma_wait3A_1430] : memref<416x32xf32, #tpu.memory_space<vmem>> -> memref<26x32xf32, #tpu.memory_space<vmem>>
      %dma_wait3A_1432 = arith.constant 0 : i32
      %dma_wait3A_1433 = arith.constant 0 : i32
      %dma_wait3A_1434 = tpu.memref_slice %arg4[%add3A_964, %dma_wait3A_1432, %dma_wait3A_1433] : memref<16384x26x32xf32, #tpu.memory_space<hbm>> -> memref<1x26x32xf32, #tpu.memory_space<hbm>>
      %dma_wait3A_1435 = tpu.memref_squeeze %dma_wait3A_1434 : memref<1x26x32xf32, #tpu.memory_space<hbm>> -> memref<26x32xf32, #tpu.memory_space<hbm>>
      %dma_wait3A_1436 = arith.constant 0 : i32
      %dma_wait3A_1437 = arith.constant 0 : i32
      %dma_wait3A_1438 = tpu.memref_slice %arg4[%add3A_964, %dma_wait3A_1436, %dma_wait3A_1437] : memref<16384x26x32xf32, #tpu.memory_space<hbm>> -> memref<1x26x32xf32, #tpu.memory_space<hbm>>
      %dma_wait3A_1439 = tpu.memref_squeeze %dma_wait3A_1438 : memref<1x26x32xf32, #tpu.memory_space<hbm>> -> memref<26x32xf32, #tpu.memory_space<hbm>>
      %dma_wait3A_1440 = arith.constant 182 : i32
      %dma_wait3A_1441 = arith.constant 0 : i32
      %dma_wait3A_1442 = tpu.memref_slice %arg10[%dma_wait3A_1440, %dma_wait3A_1441] : memref<416x32xf32, #tpu.memory_space<vmem>> -> memref<26x32xf32, #tpu.memory_space<vmem>>
      tpu.wait_dma2 semaphore(%arg13 : memref<!tpu.dma_semaphore, #tpu.memory_space<semaphore_mem>>) src(%dma_wait3A_1442 : memref<26x32xf32, #tpu.memory_space<vmem>>) dst(%dma_wait3A_1439 : memref<26x32xf32, #tpu.memory_space<hbm>>)
      %dma_wait3A_1443 = arith.constant 208 : i32
      %dma_wait3A_1444 = arith.constant 0 : i32
      %dma_wait3A_1445 = tpu.memref_slice %arg10[%dma_wait3A_1443, %dma_wait3A_1444] : memref<416x32xf32, #tpu.memory_space<vmem>> -> memref<26x32xf32, #tpu.memory_space<vmem>>
      %dma_wait3A_1446 = arith.constant 0 : i32
      %dma_wait3A_1447 = arith.constant 0 : i32
      %dma_wait3A_1448 = tpu.memref_slice %arg4[%add3A_980, %dma_wait3A_1446, %dma_wait3A_1447] : memref<16384x26x32xf32, #tpu.memory_space<hbm>> -> memref<1x26x32xf32, #tpu.memory_space<hbm>>
      %dma_wait3A_1449 = tpu.memref_squeeze %dma_wait3A_1448 : memref<1x26x32xf32, #tpu.memory_space<hbm>> -> memref<26x32xf32, #tpu.memory_space<hbm>>
      %dma_wait3A_1450 = arith.constant 0 : i32
      %dma_wait3A_1451 = arith.constant 0 : i32
      %dma_wait3A_1452 = tpu.memref_slice %arg4[%add3A_980, %dma_wait3A_1450, %dma_wait3A_1451] : memref<16384x26x32xf32, #tpu.memory_space<hbm>> -> memref<1x26x32xf32, #tpu.memory_space<hbm>>
      %dma_wait3A_1453 = tpu.memref_squeeze %dma_wait3A_1452 : memref<1x26x32xf32, #tpu.memory_space<hbm>> -> memref<26x32xf32, #tpu.memory_space<hbm>>
      %dma_wait3A_1454 = arith.constant 208 : i32
      %dma_wait3A_1455 = arith.constant 0 : i32
      %dma_wait3A_1456 = tpu.memref_slice %arg10[%dma_wait3A_1454, %dma_wait3A_1455] : memref<416x32xf32, #tpu.memory_space<vmem>> -> memref<26x32xf32, #tpu.memory_space<vmem>>
      tpu.wait_dma2 semaphore(%arg13 : memref<!tpu.dma_semaphore, #tpu.memory_space<semaphore_mem>>) src(%dma_wait3A_1456 : memref<26x32xf32, #tpu.memory_space<vmem>>) dst(%dma_wait3A_1453 : memref<26x32xf32, #tpu.memory_space<hbm>>)
      %dma_wait3A_1457 = arith.constant 234 : i32
      %dma_wait3A_1458 = arith.constant 0 : i32
      %dma_wait3A_1459 = tpu.memref_slice %arg10[%dma_wait3A_1457, %dma_wait3A_1458] : memref<416x32xf32, #tpu.memory_space<vmem>> -> memref<26x32xf32, #tpu.memory_space<vmem>>
      %dma_wait3A_1460 = arith.constant 0 : i32
      %dma_wait3A_1461 = arith.constant 0 : i32
      %dma_wait3A_1462 = tpu.memref_slice %arg4[%add3A_996, %dma_wait3A_1460, %dma_wait3A_1461] : memref<16384x26x32xf32, #tpu.memory_space<hbm>> -> memref<1x26x32xf32, #tpu.memory_space<hbm>>
      %dma_wait3A_1463 = tpu.memref_squeeze %dma_wait3A_1462 : memref<1x26x32xf32, #tpu.memory_space<hbm>> -> memref<26x32xf32, #tpu.memory_space<hbm>>
      %dma_wait3A_1464 = arith.constant 0 : i32
      %dma_wait3A_1465 = arith.constant 0 : i32
      %dma_wait3A_1466 = tpu.memref_slice %arg4[%add3A_996, %dma_wait3A_1464, %dma_wait3A_1465] : memref<16384x26x32xf32, #tpu.memory_space<hbm>> -> memref<1x26x32xf32, #tpu.memory_space<hbm>>
      %dma_wait3A_1467 = tpu.memref_squeeze %dma_wait3A_1466 : memref<1x26x32xf32, #tpu.memory_space<hbm>> -> memref<26x32xf32, #tpu.memory_space<hbm>>
      %dma_wait3A_1468 = arith.constant 234 : i32
      %dma_wait3A_1469 = arith.constant 0 : i32
      %dma_wait3A_1470 = tpu.memref_slice %arg10[%dma_wait3A_1468, %dma_wait3A_1469] : memref<416x32xf32, #tpu.memory_space<vmem>> -> memref<26x32xf32, #tpu.memory_space<vmem>>
      tpu.wait_dma2 semaphore(%arg13 : memref<!tpu.dma_semaphore, #tpu.memory_space<semaphore_mem>>) src(%dma_wait3A_1470 : memref<26x32xf32, #tpu.memory_space<vmem>>) dst(%dma_wait3A_1467 : memref<26x32xf32, #tpu.memory_space<hbm>>)
      %dma_wait3A_1471 = arith.constant 260 : i32
      %dma_wait3A_1472 = arith.constant 0 : i32
      %dma_wait3A_1473 = tpu.memref_slice %arg10[%dma_wait3A_1471, %dma_wait3A_1472] : memref<416x32xf32, #tpu.memory_space<vmem>> -> memref<26x32xf32, #tpu.memory_space<vmem>>
      %dma_wait3A_1474 = arith.constant 0 : i32
      %dma_wait3A_1475 = arith.constant 0 : i32
      %dma_wait3A_1476 = tpu.memref_slice %arg4[%add3A_1012, %dma_wait3A_1474, %dma_wait3A_1475] : memref<16384x26x32xf32, #tpu.memory_space<hbm>> -> memref<1x26x32xf32, #tpu.memory_space<hbm>>
      %dma_wait3A_1477 = tpu.memref_squeeze %dma_wait3A_1476 : memref<1x26x32xf32, #tpu.memory_space<hbm>> -> memref<26x32xf32, #tpu.memory_space<hbm>>
      %dma_wait3A_1478 = arith.constant 0 : i32
      %dma_wait3A_1479 = arith.constant 0 : i32
      %dma_wait3A_1480 = tpu.memref_slice %arg4[%add3A_1012, %dma_wait3A_1478, %dma_wait3A_1479] : memref<16384x26x32xf32, #tpu.memory_space<hbm>> -> memref<1x26x32xf32, #tpu.memory_space<hbm>>
      %dma_wait3A_1481 = tpu.memref_squeeze %dma_wait3A_1480 : memref<1x26x32xf32, #tpu.memory_space<hbm>> -> memref<26x32xf32, #tpu.memory_space<hbm>>
      %dma_wait3A_1482 = arith.constant 260 : i32
      %dma_wait3A_1483 = arith.constant 0 : i32
      %dma_wait3A_1484 = tpu.memref_slice %arg10[%dma_wait3A_1482, %dma_wait3A_1483] : memref<416x32xf32, #tpu.memory_space<vmem>> -> memref<26x32xf32, #tpu.memory_space<vmem>>
      tpu.wait_dma2 semaphore(%arg13 : memref<!tpu.dma_semaphore, #tpu.memory_space<semaphore_mem>>) src(%dma_wait3A_1484 : memref<26x32xf32, #tpu.memory_space<vmem>>) dst(%dma_wait3A_1481 : memref<26x32xf32, #tpu.memory_space<hbm>>)
      %dma_wait3A_1485 = arith.constant 286 : i32
      %dma_wait3A_1486 = arith.constant 0 : i32
      %dma_wait3A_1487 = tpu.memref_slice %arg10[%dma_wait3A_1485, %dma_wait3A_1486] : memref<416x32xf32, #tpu.memory_space<vmem>> -> memref<26x32xf32, #tpu.memory_space<vmem>>
      %dma_wait3A_1488 = arith.constant 0 : i32
      %dma_wait3A_1489 = arith.constant 0 : i32
      %dma_wait3A_1490 = tpu.memref_slice %arg4[%add3A_1028, %dma_wait3A_1488, %dma_wait3A_1489] : memref<16384x26x32xf32, #tpu.memory_space<hbm>> -> memref<1x26x32xf32, #tpu.memory_space<hbm>>
      %dma_wait3A_1491 = tpu.memref_squeeze %dma_wait3A_1490 : memref<1x26x32xf32, #tpu.memory_space<hbm>> -> memref<26x32xf32, #tpu.memory_space<hbm>>
      %dma_wait3A_1492 = arith.constant 0 : i32
      %dma_wait3A_1493 = arith.constant 0 : i32
      %dma_wait3A_1494 = tpu.memref_slice %arg4[%add3A_1028, %dma_wait3A_1492, %dma_wait3A_1493] : memref<16384x26x32xf32, #tpu.memory_space<hbm>> -> memref<1x26x32xf32, #tpu.memory_space<hbm>>
      %dma_wait3A_1495 = tpu.memref_squeeze %dma_wait3A_1494 : memref<1x26x32xf32, #tpu.memory_space<hbm>> -> memref<26x32xf32, #tpu.memory_space<hbm>>
      %dma_wait3A_1496 = arith.constant 286 : i32
      %dma_wait3A_1497 = arith.constant 0 : i32
      %dma_wait3A_1498 = tpu.memref_slice %arg10[%dma_wait3A_1496, %dma_wait3A_1497] : memref<416x32xf32, #tpu.memory_space<vmem>> -> memref<26x32xf32, #tpu.memory_space<vmem>>
      tpu.wait_dma2 semaphore(%arg13 : memref<!tpu.dma_semaphore, #tpu.memory_space<semaphore_mem>>) src(%dma_wait3A_1498 : memref<26x32xf32, #tpu.memory_space<vmem>>) dst(%dma_wait3A_1495 : memref<26x32xf32, #tpu.memory_space<hbm>>)
      %dma_wait3A_1499 = arith.constant 312 : i32
      %dma_wait3A_1500 = arith.constant 0 : i32
      %dma_wait3A_1501 = tpu.memref_slice %arg10[%dma_wait3A_1499, %dma_wait3A_1500] : memref<416x32xf32, #tpu.memory_space<vmem>> -> memref<26x32xf32, #tpu.memory_space<vmem>>
      %dma_wait3A_1502 = arith.constant 0 : i32
      %dma_wait3A_1503 = arith.constant 0 : i32
      %dma_wait3A_1504 = tpu.memref_slice %arg4[%add3A_1044, %dma_wait3A_1502, %dma_wait3A_1503] : memref<16384x26x32xf32, #tpu.memory_space<hbm>> -> memref<1x26x32xf32, #tpu.memory_space<hbm>>
      %dma_wait3A_1505 = tpu.memref_squeeze %dma_wait3A_1504 : memref<1x26x32xf32, #tpu.memory_space<hbm>> -> memref<26x32xf32, #tpu.memory_space<hbm>>
      %dma_wait3A_1506 = arith.constant 0 : i32
      %dma_wait3A_1507 = arith.constant 0 : i32
      %dma_wait3A_1508 = tpu.memref_slice %arg4[%add3A_1044, %dma_wait3A_1506, %dma_wait3A_1507] : memref<16384x26x32xf32, #tpu.memory_space<hbm>> -> memref<1x26x32xf32, #tpu.memory_space<hbm>>
      %dma_wait3A_1509 = tpu.memref_squeeze %dma_wait3A_1508 : memref<1x26x32xf32, #tpu.memory_space<hbm>> -> memref<26x32xf32, #tpu.memory_space<hbm>>
      %dma_wait3A_1510 = arith.constant 312 : i32
      %dma_wait3A_1511 = arith.constant 0 : i32
      %dma_wait3A_1512 = tpu.memref_slice %arg10[%dma_wait3A_1510, %dma_wait3A_1511] : memref<416x32xf32, #tpu.memory_space<vmem>> -> memref<26x32xf32, #tpu.memory_space<vmem>>
      tpu.wait_dma2 semaphore(%arg13 : memref<!tpu.dma_semaphore, #tpu.memory_space<semaphore_mem>>) src(%dma_wait3A_1512 : memref<26x32xf32, #tpu.memory_space<vmem>>) dst(%dma_wait3A_1509 : memref<26x32xf32, #tpu.memory_space<hbm>>)
      %dma_wait3A_1513 = arith.constant 338 : i32
      %dma_wait3A_1514 = arith.constant 0 : i32
      %dma_wait3A_1515 = tpu.memref_slice %arg10[%dma_wait3A_1513, %dma_wait3A_1514] : memref<416x32xf32, #tpu.memory_space<vmem>> -> memref<26x32xf32, #tpu.memory_space<vmem>>
      %dma_wait3A_1516 = arith.constant 0 : i32
      %dma_wait3A_1517 = arith.constant 0 : i32
      %dma_wait3A_1518 = tpu.memref_slice %arg4[%add3A_1060, %dma_wait3A_1516, %dma_wait3A_1517] : memref<16384x26x32xf32, #tpu.memory_space<hbm>> -> memref<1x26x32xf32, #tpu.memory_space<hbm>>
      %dma_wait3A_1519 = tpu.memref_squeeze %dma_wait3A_1518 : memref<1x26x32xf32, #tpu.memory_space<hbm>> -> memref<26x32xf32, #tpu.memory_space<hbm>>
      %dma_wait3A_1520 = arith.constant 0 : i32
      %dma_wait3A_1521 = arith.constant 0 : i32
      %dma_wait3A_1522 = tpu.memref_slice %arg4[%add3A_1060, %dma_wait3A_1520, %dma_wait3A_1521] : memref<16384x26x32xf32, #tpu.memory_space<hbm>> -> memref<1x26x32xf32, #tpu.memory_space<hbm>>
      %dma_wait3A_1523 = tpu.memref_squeeze %dma_wait3A_1522 : memref<1x26x32xf32, #tpu.memory_space<hbm>> -> memref<26x32xf32, #tpu.memory_space<hbm>>
      %dma_wait3A_1524 = arith.constant 338 : i32
      %dma_wait3A_1525 = arith.constant 0 : i32
      %dma_wait3A_1526 = tpu.memref_slice %arg10[%dma_wait3A_1524, %dma_wait3A_1525] : memref<416x32xf32, #tpu.memory_space<vmem>> -> memref<26x32xf32, #tpu.memory_space<vmem>>
      tpu.wait_dma2 semaphore(%arg13 : memref<!tpu.dma_semaphore, #tpu.memory_space<semaphore_mem>>) src(%dma_wait3A_1526 : memref<26x32xf32, #tpu.memory_space<vmem>>) dst(%dma_wait3A_1523 : memref<26x32xf32, #tpu.memory_space<hbm>>)
      %dma_wait3A_1527 = arith.constant 364 : i32
      %dma_wait3A_1528 = arith.constant 0 : i32
      %dma_wait3A_1529 = tpu.memref_slice %arg10[%dma_wait3A_1527, %dma_wait3A_1528] : memref<416x32xf32, #tpu.memory_space<vmem>> -> memref<26x32xf32, #tpu.memory_space<vmem>>
      %dma_wait3A_1530 = arith.constant 0 : i32
      %dma_wait3A_1531 = arith.constant 0 : i32
      %dma_wait3A_1532 = tpu.memref_slice %arg4[%add3A_1076, %dma_wait3A_1530, %dma_wait3A_1531] : memref<16384x26x32xf32, #tpu.memory_space<hbm>> -> memref<1x26x32xf32, #tpu.memory_space<hbm>>
      %dma_wait3A_1533 = tpu.memref_squeeze %dma_wait3A_1532 : memref<1x26x32xf32, #tpu.memory_space<hbm>> -> memref<26x32xf32, #tpu.memory_space<hbm>>
      %dma_wait3A_1534 = arith.constant 0 : i32
      %dma_wait3A_1535 = arith.constant 0 : i32
      %dma_wait3A_1536 = tpu.memref_slice %arg4[%add3A_1076, %dma_wait3A_1534, %dma_wait3A_1535] : memref<16384x26x32xf32, #tpu.memory_space<hbm>> -> memref<1x26x32xf32, #tpu.memory_space<hbm>>
      %dma_wait3A_1537 = tpu.memref_squeeze %dma_wait3A_1536 : memref<1x26x32xf32, #tpu.memory_space<hbm>> -> memref<26x32xf32, #tpu.memory_space<hbm>>
      %dma_wait3A_1538 = arith.constant 364 : i32
      %dma_wait3A_1539 = arith.constant 0 : i32
      %dma_wait3A_1540 = tpu.memref_slice %arg10[%dma_wait3A_1538, %dma_wait3A_1539] : memref<416x32xf32, #tpu.memory_space<vmem>> -> memref<26x32xf32, #tpu.memory_space<vmem>>
      tpu.wait_dma2 semaphore(%arg13 : memref<!tpu.dma_semaphore, #tpu.memory_space<semaphore_mem>>) src(%dma_wait3A_1540 : memref<26x32xf32, #tpu.memory_space<vmem>>) dst(%dma_wait3A_1537 : memref<26x32xf32, #tpu.memory_space<hbm>>)
      %dma_wait3A_1541 = arith.constant 390 : i32
      %dma_wait3A_1542 = arith.constant 0 : i32
      %dma_wait3A_1543 = tpu.memref_slice %arg10[%dma_wait3A_1541, %dma_wait3A_1542] : memref<416x32xf32, #tpu.memory_space<vmem>> -> memref<26x32xf32, #tpu.memory_space<vmem>>
      %dma_wait3A_1544 = arith.constant 0 : i32
      %dma_wait3A_1545 = arith.constant 0 : i32
      %dma_wait3A_1546 = tpu.memref_slice %arg4[%add3A_1092, %dma_wait3A_1544, %dma_wait3A_1545] : memref<16384x26x32xf32, #tpu.memory_space<hbm>> -> memref<1x26x32xf32, #tpu.memory_space<hbm>>
      %dma_wait3A_1547 = tpu.memref_squeeze %dma_wait3A_1546 : memref<1x26x32xf32, #tpu.memory_space<hbm>> -> memref<26x32xf32, #tpu.memory_space<hbm>>
      %dma_wait3A_1548 = arith.constant 0 : i32
      %dma_wait3A_1549 = arith.constant 0 : i32
      %dma_wait3A_1550 = tpu.memref_slice %arg4[%add3A_1092, %dma_wait3A_1548, %dma_wait3A_1549] : memref<16384x26x32xf32, #tpu.memory_space<hbm>> -> memref<1x26x32xf32, #tpu.memory_space<hbm>>
      %dma_wait3A_1551 = tpu.memref_squeeze %dma_wait3A_1550 : memref<1x26x32xf32, #tpu.memory_space<hbm>> -> memref<26x32xf32, #tpu.memory_space<hbm>>
      %dma_wait3A_1552 = arith.constant 390 : i32
      %dma_wait3A_1553 = arith.constant 0 : i32
      %dma_wait3A_1554 = tpu.memref_slice %arg10[%dma_wait3A_1552, %dma_wait3A_1553] : memref<416x32xf32, #tpu.memory_space<vmem>> -> memref<26x32xf32, #tpu.memory_space<vmem>>
      tpu.wait_dma2 semaphore(%arg13 : memref<!tpu.dma_semaphore, #tpu.memory_space<semaphore_mem>>) src(%dma_wait3A_1554 : memref<26x32xf32, #tpu.memory_space<vmem>>) dst(%dma_wait3A_1551 : memref<26x32xf32, #tpu.memory_space<hbm>>)
    }
    %scan3A_7 = arith.constant 16 : i32
    return
  }
}

</mosaic_0001>

<sc_bundles>
// kernel: kernel.3.cloned.1.call-start
scs
__scs_entry_jumppad:
0x0: {  	(pc) =	sbr.rel $0x88, $3  }
0x1: {  	(tag) =	ssettag $0x0;
	lr =	simm.s32 $0x1  }
0x2: {  	[smem:$0x3F9F] =	sst lr;
	_ =	strace $0xD0000000  }
0x3: {  	_ = 	snop  }
0x4: {  	_ = 	snop  }
0x5: {  	_ = 	snop  }
0x6: {  	_ = 	snop  }
0x7: {  	_ = 	snop  }
__scs_overlays_trampoline_lowered:
0x8: {  	[smem:$0x3FAE] =	sst s0  }
0x9: {  	[smem:$0x3FAF] =	sst s1  }
0xa: {  	[smem:$0x3FB0] =	sst s2  }
0xb: {  	[smem:$0x3FB1] =	sst s3  }
0xc: {  	[smem:$0x3FB2] =	sst s4  }
0xd: {  	[smem:$0x3FB3] =	sst s5  }
0xe: {  	[smem:$0x3FB4] =	sst s6  }
0xf: {  	[smem:$0x3FB5] =	sst s7  }
0x10: {  	[smem:$0x3FB6] =	sst s8  }
0x11: {  	[smem:$0x3FB7] =	sst s9;
	s0 =	simm.s32 @!p0 $0x0  }
0x12: {  	s1 =	sld [smem:$0x3F9D];
	s0 =	simm.s32 @p0 $0x1  }
0x13: {  	[smem:$0x3FB8] =	sst s0;
	s0 =	simm.s32 @!p1 $0x0  }
0x14: {  	s2 =	sld [smem:$0x3F9C];
	s0 =	simm.s32 @p1 $0x1  }
0x15: {  	[smem:$0x3FB9] =	sst s0;
	s0 =	simm.s32 @!p2 $0x0  }
0x16: {  	s3 =	sld [smem:$0x3FDB];
	s0 =	simm.s32 @p2 $0x1  }
0x17: {  	s4 =	simm.s32 $0x1BF5;
	[smem:$0x3FBB] =	sst s0  }
0x18: {  	s0 =	sld [smem:$0x3F9E];
	_ =	swait.ge [sflag:s4], $0x0  }
0x19: {  	s7 =	sld [smem:$0x3F9F]  }
0x1a: {  	s8 =	sadd.s32 $0xFFFFE003, lr  }
0x1b: {  	s9 =	sadd.s32 $0xFFFFFEF7, lr;
	s5 =	simm.s32 $0xFFFFFFFF;
	p2 =	slt.u32 s8, $0xFFFFF086  }
0x1c: {  	p1 =	slt.u32 s9, $0xF7A;
	s5 =	simm.s32 @!p2 $0x0  }
0x1d: {  	s5 =	simm.s32 @p1 $0x1;
	p0 =	seq.s32 s7, s2  }
0x1e: {  	s7 =	smul.u32 @!p0 $0xF7A, s2;
	p2 =	seq.s32 @!p0 s5, $0x0  }
0x1f: {  	s9 =	smul.u32 $0xF7A, s1;
	s8 =	simm.s32 @!p0 $0x1BF5;
	p2 =	por !p2, p0  }
0x20: {  	[sflag:s8] =	ssyncset.s32 @!p0 $0xFFFFF086;
	s6 =	sadd.s32 @!p0 s3, s7;
	s7 =	simm.s32 @!p0 $0x108  }
0x21: {  	s3 =	sadd.s32 s3, s9;
	s6 =	sadd.s32 @!p0 $0x88, s6;
	s7 =	simm.s32 @p2 $0x1082  }
0x22: {  	[simem:s7], [sflag:s8] =	dma.local @!p0 [hbm:s6], $0xF7A  }
0x23: {  	s9 =	sor.u32 $0xD0000000, s2;
	s6 =	simm.s32 $0x108;
	_ =	swait.ge @!p0 [sflag:s8], $0x0  }
0x24: {  	s3 =	sadd.s32 $0x88, s3;
	s6 =	simm.s32 @!p1 $0x1082;
	[sflag:s4] =	ssyncset.s32 $0xFFFFF086  }
0x25: {  	[simem:s6], [sflag:s4] =	dma.local [hbm:s3], $0xF7A  }
0x26: {  	[smem:$0x3F9F] =	sst s1;
	(tag) =	ssettag s2;
	_ =	strace s9  }
0x27: {  	s1 =	sld [smem:$0x3FAF]  }
0x28: {  	s2 =	sld [smem:$0x3FB0]  }
0x29: {  	s4 =	sld [smem:$0x3FB2]  }
0x2a: {  	p0 =	seq.s32 s5, $0x0;
	s5 =	sld [smem:$0x3FB3]  }
0x2b: {  	s6 =	sld [smem:$0x3FB4]  }
0x2c: {  	s7 =	sld [smem:$0x3FB5]  }
0x2d: {  	s3 =	simm.s32 $0x108;
	s8 =	sld [smem:$0x3FB6]  }
0x2e: {  	s3 =	simm.s32 @!p0 $0x1082;
	s9 =	sld [smem:$0x3FB7]  }
0x2f: {  	lr =	sadd.s32 s0, s3;
	s0 =	sld [smem:$0x3FAE]  }
0x30: {  	s3 =	sld [smem:$0x3FB1]  }
0x31: {  	[smem:$0x3FBA] =	sst s10  }
0x32: {  	s10 =	sld [smem:$0x3FB8];
	_ =	sdelay $0x3  }
0x33: {  	p0 =	seq.s32 s10, $0x1;
	s10 =	sld [smem:$0x3FBA];
	_ =	sdelay $0x3  }
0x34: {  	[smem:$0x3FBA] =	sst s10  }
0x35: {  	s10 =	sld [smem:$0x3FB9];
	_ =	sdelay $0x3  }
0x36: {  	p1 =	seq.s32 s10, $0x1;
	s10 =	sld [smem:$0x3FBA];
	_ =	sdelay $0x3  }
0x37: {  	[smem:$0x3FBA] =	sst s10  }
0x38: {  	s10 =	sld [smem:$0x3FBB]  }
0x39: {  	_ = 	snop;
	(pc) =	sbr.ind lr, $3  }
0x3a: {  	_ = 	snop  }
0x3b: {  	_ = 	snop  }
0x3c: {  	p2 =	seq.s32 s10, $0x1;
	s10 =	sld [smem:$0x3FBA]  }
0x3d: {  	_ =	shalt  }
0x3e: {  	_ =	shalt  }
0x3f: {  	_ =	shalt  }
0x40: {  	_ =	shalt  }
0x41: {  	_ =	shalt  }
0x42: {  	_ =	shalt  }
0x43: {  	_ =	shalt  }
0x44: {  	_ =	shalt  }
0x45: {  	_ =	shalt  }
0x46: {  	_ =	shalt  }
0x47: {  	_ =	shalt  }
0x48: {  	_ =	shalt  }
0x49: {  	_ =	shalt  }
0x4a: {  	_ =	shalt  }
0x4b: {  	_ =	shalt  }
0x4c: {  	_ =	shalt  }
0x4d: {  	_ =	shalt  }
0x4e: {  	_ =	shalt  }
0x4f: {  	_ =	shalt  }
0x50: {  	_ =	shalt  }
0x51: {  	_ =	shalt  }
0x52: {  	_ =	shalt  }
0x53: {  	_ =	shalt  }
0x54: {  	_ =	shalt  }
0x55: {  	_ =	shalt  }
0x56: {  	_ =	shalt  }
0x57: {  	_ =	shalt  }
0x58: {  	_ =	shalt  }
0x59: {  	_ =	shalt  }
0x5a: {  	_ =	shalt  }
0x5b: {  	_ =	shalt  }
0x5c: {  	_ =	shalt  }
0x5d: {  	_ =	shalt  }
0x5e: {  	_ =	shalt  }
0x5f: {  	_ =	shalt  }
0x60: {  	_ =	shalt  }
0x61: {  	_ =	shalt  }
0x62: {  	_ =	shalt  }
0x63: {  	_ =	shalt  }
0x64: {  	_ =	shalt  }
0x65: {  	_ =	shalt  }
0x66: {  	_ =	shalt  }
0x67: {  	_ =	shalt  }
0x68: {  	_ =	shalt  }
0x69: {  	_ =	shalt  }
0x6a: {  	_ =	shalt  }
0x6b: {  	_ =	shalt  }
0x6c: {  	_ =	shalt  }
0x6d: {  	_ =	shalt  }
0x6e: {  	_ =	shalt  }
0x6f: {  	_ =	shalt  }
0x70: {  	_ =	shalt  }
0x71: {  	_ =	shalt  }
0x72: {  	_ =	shalt  }
0x73: {  	_ =	shalt  }
0x74: {  	_ =	shalt  }
0x75: {  	_ =	shalt  }
0x76: {  	_ =	shalt  }
0x77: {  	_ =	shalt  }
0x78: {  	_ =	shalt  }
0x79: {  	_ =	shalt  }
0x7a: {  	_ =	shalt  }
0x7b: {  	_ =	shalt  }
0x7c: {  	_ =	shalt  }
0x7d: {  	_ =	shalt  }
0x7e: {  	_ =	shalt  }
0x7f: {  	_ =	shalt  }
0x80: {  	_ =	shalt  }
0x81: {  	_ =	shalt  }
0x82: {  	_ =	shalt  }
0x83: {  	_ =	shalt  }
0x84: {  	_ =	shalt  }
0x85: {  	_ =	shalt  }
0x86: {  	_ =	shalt  }
0x87: {  	_ =	shalt  }
.Lfunc_end0:
.L_simem_size_0:
called_computation.1_lowered:
.L_overlay_start_0:
0x88: {  	s2 =	sld [smem:$0x3FD9]  }
0x89: {  	s3 =	sld [smem:$0x3FFE];
	_ =	sdelay $0x1  }
0x8a: {  	s1 =	srdreg.scid  }
0x8b: {  	s0 =	sand.u32 $0x1, s1  }
0x8c: {  	s17 =	sshll.u32 s0, $0xA;
	s2 =	sadd.s32 s3, s2  }
0x8d: {  	s2 =	sadd.s32 s2, s17  }
0x8e: {  	[smem:$0x3FC6] =	sst s2  }
0x8f: {  	_ = 	snop  }
0x90: {  	s2 =	sld [smem:$0x3FD0];
	(tm) =	ssettm $0x1  }
0x91: {  	s18 =	sld [smem:$0x3FFB];
	_ =	sdelay $0x3  }
0x92: {  	_ =	strace s18  }
0x93: {  	s3 =	sld [smem:$0x3FFC];
	_ =	sdelay $0x3  }
0x94: {  	_ =	strace s3  }
0x95: {  	s3 =	sld [smem:$0x3FFD];
	_ =	sdelay $0x3  }
0x96: {  	_ =	strace s3  }
0x97: {  	_ =	strace $0x8FFFFFFF  }
0x98: {  	s19 =	sld [smem:$0x3FDB];
	_ =	sdelay $0x1  }
0x99: {  	s4 =	simm.s32 $_scs_section_size  }
0x9a: {  	s5 =	simm.s32 $_size__tile_overlayer_lowered;
	s6 =	simm.s32 $_tile_overlayer_lowered  }
0x9b: {  	s22 =	simm.s32 $0x1BFF;
	s21 =	sshll.u32 s6, $0x1;
	s3 =	sadd.s32 s4, s19  }
0x9c: {  	s7 =	simm.s32 $0x0;
	s20 =	sshll.u32 s5, $0x1;
	s5 =	sadd.s32 s21, s3  }
0x9d: {  	[timem:s7], [sflag:s22] =	dma.local [hbm:s5], s20  }
0x9e: {  	_ =	swait.ge [sflag:s22], s20  }
0x9f: {  	s4 =	ssub.s32 $0x0, s20;
	[sflag:s22] =	ssyncset.done $0x0  }
0xa0: {  	[sflag:s22] =	ssyncadd.s32 s4;
	_ =	sdelay $0x1  }
0xa1: {  	s23 =	simm.s32 $0x1B8B  }
0xa2: {  	_ =	swait.ge [sflag:s23], $0x1  }
0xa3: {  	[sflag:s23] =	ssyncset.done $0x0  }
0xa4: {  	s25 =	simm.s32 $0x1B8E;
	s24 =	sld [smem:$0x3FFE];
	[sflag:s23] =	ssyncadd.s32 $0xFFFFFFFF  }
0xa5: {  	s26 =	simm.s32 $execute0_lowered;
	[smem:$0x3FD2] =	sst s25  }
0xa6: {  	s5 =	sshll.u32 s26, $0x1;
	_ =	strace $0x80000046;
	[dreg:$0x1] =	wrdreg $0xFFFFFFFF  }
0xa7: {  	s28 =	simm.s32 $_size_execute0_lowered;
	s3 =	sadd.s32 s3, s5;
	[dreg:$0x0] =	wrdreg $0x0  }
0xa8: {  	s5 =	sshll.u32 s28, $0x1;
	[dreg:$0x2] =	wrdreg s3  }
0xa9: {  	[dreg:$0x3] =	wrdreg s5  }
0xaa: {  	[dreg:$0x4] =	wrdreg $0xC0  }
0xab: {  	_ =	task [dreg:s7], $0x5FFFF  }
0xac: {  	[dreg:$0x1] =	wrdreg $0xFFFFFFFF  }
0xad: {  	[dreg:$0x0] =	wrdreg $0x60  }
0xae: {  	[dreg:$0x2] =	wrdreg s24  }
0xaf: {  	[dreg:$0x3] =	wrdreg s2  }
0xb0: {  	[dreg:$0x4] =	wrdreg $0x9  }
0xb1: {  	_ =	task.clear_ibuf [dreg:s7], $0x5FFFF;
	_ =	strace $0x90000046  }
0xb2: {  	s29 =	simm.s32 $0x9;
	_ =	strace $0x80000048  }
0xb3: {  	_ =	swait.ge [sflag:s29], $0x1  }
0xb4: {  	[sflag:s29] =	ssyncadd.s32 $0xFFFFFFFF  }
0xb5: {  	_ =	strace $0x90000048  }
0xb6: {  	_ =	sfence  }
0xb7: {  	s30 =	sld [smem:$0x0];
	_ =	sdelay $0x2  }
0xb8: {  	s31 =	sshll.u32 s1, $0xD;
	s1 =	sshrl.u32 s1, $0x2  }
0xb9: {  	s3 =	sand.u32 $0x4000, s31;
	s1 =	sadd.s32 s1, s30  }
0xba: {  	s0 =	sor.u32 s3, s0;
	s1 =	sshll.u32 s1, $0x11  }
0xbb: {  	s0 =	sor.u32 s1, s0  }
0xbc: {  	s0 =	sadd.s32 $0x8F2B, s0  }
0xbd: {  	[sflag:s0] =	ssyncadd.remote.s32 $0x1  }
0xbe: {  	_ =	sfence.sel $0xFFFF  }
0xbf: {  	[dreg:$0x0] =	wrdreg $0xFFFFFFFF;
	(pc) =	sbr.abs _section_cstart, $3  }
0xc0: {  	[dreg:$0x1] =	wrdreg $0xFFFFFFFF  }
0xc1: {  	_ =	task.clear_ibuf [dreg:s7], $0x2FFFF;
	_ =	strace $0x9FFFFFFF  }
0xc2: {  	(tm) =	ssettm $0x7FFFFFFF  }
0xc3: {  	_ =	shalt  }
tec
execute0_lowered:
.L_overlay_start_1:
0x0: {  	(tag) =	ssettag $0x1  }
0x1: {  	s0 =	stileid.u32;
	s1 =	srdreg.scid  }
0x2: {  	s3 =	rddreg [dreg:$0x0];
	s5 =	sand.u32 $0x1, s1;
	s6 =	smul.u32 $0xD0000, s0  }
0x3: {  	s4 =	rddreg [dreg:$0x1];
	s2 =	simm.s32 $0x0;
	s7 =	smul.u32 $0x68000, s5  }
0x4: {  	[smem:$0x7FF] =	sst s2  }
0x5: {  	s1 =	rddreg [dreg:$0x2];
	_ =	strace $0x80000047;
	s6 =	sadd.s32 s7, s6  }
0x6: {  	s7 =	sor.u32 $0x64C0, s6;
	s8 =	sor.u32 $0x6180, s6;
	s9 =	sor.u32 $0x5E40, s6  }
0x7: {  	s20 =	sor.u32 $0x5B00, s6;
	s22 =	sor.u32 $0x57C0, s6;
	s23 =	sor.u32 $0x5480, s6  }
0x8: {  	s28 =	sor.u32 $0x5140, s6;
	s30 =	sor.u32 $0x4E00, s6;
	s31 =	sor.u32 $0x4AC0, s6  }
0x9: {  	s11 =	sor.u32 $0x4780, s6;
	s13 =	sor.u32 $0x4440, s6;
	s14 =	sor.u32 $0x4100, s6  }
0xa: {  	s7 =	sshrl.u32 s7, $0x3;
	s8 =	sshrl.u32 s8, $0x3;
	s18 =	sshrl.u32 s9, $0x3  }
0xb: {  	s21 =	sshrl.u32 s20, $0x3;
	s25 =	sshrl.u32 s23, $0x3;
	s29 =	sshrl.u32 s28, $0x3  }
0xc: {  	s9 =	sshrl.u32 s31, $0x3;
	s12 =	sshrl.u32 s11, $0x3;
	s16 =	sshrl.u32 s14, $0x3  }
0xd: {  	s20 =	sor.u32 $0x3A80, s6;
	s23 =	smul.u32 $0xD000, s5;
	s7 =	sadd.s32 s7, s4  }
0xe: {  	s28 =	sor.u32 $0x2D80, s6;
	s17 =	sadd.s32 s8, s4;
	[dreg:$0x3] =	wrdreg s7  }
0xf: {  	s31 =	sor.u32 $0x2700, s6;
	s19 =	sadd.s32 s18, s4;
	[dreg:$0x4] =	wrdreg s17  }
0x10: {  	s8 =	sshrl.u32 s22, $0x3;
	s26 =	sadd.s32 s25, s4;
	[dreg:$0x5] =	wrdreg s19  }
0x11: {  	s10 =	sadd.s32 s9, s4;
	s18 =	sor.u32 $0x3DC0, s6;
	[dreg:$0x8] =	wrdreg s26  }
0x12: {  	s22 =	sshrl.u32 s20, $0x3;
	s7 =	sadd.s32 s21, s4;
	[dreg:$0xb] =	wrdreg s10  }
0x13: {  	s24 =	sadd.s32 s8, s4;
	s8 =	sshrl.u32 s30, $0x3;
	[dreg:$0x6] =	wrdreg s7  }
0x14: {  	s17 =	sadd.s32 s16, s4;
	s19 =	sshrl.u32 s18, $0x3;
	[dreg:$0x7] =	wrdreg s24  }
0x15: {  	s10 =	sor.u32 $0x30C0, s6;
	s7 =	sadd.s32 s29, s4;
	[dreg:$0xe] =	wrdreg s17  }
0x16: {  	s16 =	sor.u32 $0x1D40, s6;
	s8 =	sadd.s32 s8, s4;
	[dreg:$0x9] =	wrdreg s7  }
0x17: {  	s18 =	sshrl.u32 s16, $0x3;
	s16 =	simm.s32 $0xA20;
	[dreg:$0xa] =	wrdreg s8  }
0x18: {  	s25 =	sshrl.u32 s10, $0x3;
	s7 =	sadd.s32 s12, s4;
	[smem:$0x7E7] =	sst s16  }
0x19: {  	s11 =	sshrl.u32 s31, $0x3;
	s26 =	sadd.s32 s25, s4;
	[dreg:$0xc] =	wrdreg s7  }
0x1a: {  	s20 =	sor.u32 $0x1A00, s6;
	s12 =	sadd.s32 s11, s4;
	[dreg:$0x12] =	wrdreg s26  }
0x1b: {  	s21 =	smul.u32 $0x1A000, s0;
	s11 =	simm.s32 $0x3A08;
	[dreg:$0x15] =	wrdreg s12  }
0x1c: {  	s8 =	sshrl.u32 s13, $0x3;
	s16 =	simm.s32 $0x5880;
	[smem:$0x7E3] =	sst s11  }
0x1d: {  	s30 =	sor.u32 $0x2A40, s6;
	s15 =	sadd.s32 s8, s4;
	[smem:$0x7F8] =	sst s16  }
0x1e: {  	s9 =	sadd.s32 s21, s4;
	s7 =	sadd.s32 s19, s4;
	[dreg:$0xd] =	wrdreg s15  }
0x1f: {  	s29 =	sshrl.u32 s28, $0x3;
	s24 =	sadd.s32 s23, s9;
	[dreg:$0xf] =	wrdreg s7  }
0x20: {  	s28 =	sor.u32 $0x1040, s6;
	s19 =	sadd.s32 s18, s4;
	[dreg:$0x11] =	wrdreg s24  }
0x21: {  	s13 =	sor.u32 $0x23C0, s6;
	s9 =	simm.s32 $0x338;
	[dreg:$0x18] =	wrdreg s19  }
0x22: {  	s21 =	sshrl.u32 s20, $0x3;
	s12 =	simm.s32 $0x3A70;
	[smem:$0x7E1] =	sst s9  }
0x23: {  	s14 =	sshrl.u32 s13, $0x3;
	s13 =	simm.s32 $0x3AD8;
	[smem:$0x7E4] =	sst s12  }
0x24: {  	s8 =	sshrl.u32 s30, $0x3;
	s11 =	simm.s32 $0x41C0;
	[smem:$0x7E5] =	sst s13  }
0x25: {  	s23 =	sor.u32 $0x1380, s6;
	s7 =	sadd.s32 s22, s4;
	[smem:$0x7F3] =	sst s11  }
0x26: {  	s30 =	sor.u32 $0xD00, s6;
	s10 =	sadd.s32 s8, s4;
	[dreg:$0x10] =	wrdreg s7  }
0x27: {  	s18 =	ssub.s32 $0x2, s5;
	s19 =	simm.s32 $0x13E0;
	[dreg:$0x14] =	wrdreg s10  }
0x28: {  	s25 =	sshrl.u32 s23, $0x3;
	s23 =	simm.s32 $0x20E0;
	[smem:$0x7E9] =	sst s19  }
0x29: {  	s5 =	sshll.u32 s5, $0xB;
	s12 =	simm.s32 $0x4500;
	[smem:$0x7EC] =	sst s23  }
0x2a: {  	s16 =	simm.s32 $0x5540;
	s13 =	simm.s32 $0x4B80;
	[smem:$0x7F4] =	sst s12  }
0x2b: {  	s15 =	sor.u32 $0x2080, s6;
	s7 =	sadd.s32 s29, s4;
	[smem:$0x7F5] =	sst s13  }
0x2c: {  	s22 =	sor.u32 $0x16C0, s6;
	s26 =	sadd.s32 s25, s4;
	[dreg:$0x13] =	wrdreg s7  }
0x2d: {  	s6 =	sor.u32 $0x9C0, s6;
	s10 =	simm.s32 $0x37A0;
	[dreg:$0x1b] =	wrdreg s26  }
0x2e: {  	s8 =	sshrl.u32 s15, $0x3;
	s15 =	simm.s32 $0x6E0;
	[smem:$0x7E2] =	sst s10  }
0x2f: {  	s20 =	sshrl.u32 s18, $0x1;
	s25 =	simm.s32 $0x2760;
	[smem:$0x7E6] =	sst s15  }
0x30: {  	s29 =	sshrl.u32 s28, $0x3;
	s28 =	simm.s32 $0x3120;
	[smem:$0x7EE] =	sst s25  }
0x31: {  	s9 =	simm.s32 $0x3A0;
	s19 =	simm.s32 $0x6580;
	[smem:$0x7F0] =	sst s28  }
0x32: {  	s11 =	simm.s32 $0x1DA0;
	s7 =	sadd.s32 s14, s4;
	[smem:$0x7FB] =	sst s19  }
0x33: {  	s6 =	sshrl.u32 s6, $0x3;
	s17 =	sadd.s32 s8, s4;
	[dreg:$0x16] =	wrdreg s7  }
0x34: {  	s8 =	sshrl.u32 s22, $0x3;
	s22 =	simm.s32 $0x1A60;
	[dreg:$0x17] =	wrdreg s17  }
0x35: {  	s12 =	simm.s32 $0x2AA0;
	s26 =	simm.s32 $0x2DE0;
	[smem:$0x7EB] =	sst s22  }
0x36: {  	s13 =	simm.s32 $0x39A0;
	s15 =	simm.s32 $0x5200;
	[smem:$0x7EF] =	sst s26  }
0x37: {  	s14 =	sshll.u32 s0, $0xC;
	s7 =	sadd.s32 s21, s4;
	[smem:$0x7F7] =	sst s15  }
0x38: {  	s10 =	simm.s32 $0x10A0;
	s24 =	sadd.s32 s8, s4;
	[dreg:$0x19] =	wrdreg s7  }
0x39: {  	s19 =	simm.s32 $0x2;
	s17 =	simm.s32 $0xD60;
	[dreg:$0x1a] =	wrdreg s24  }
0x3a: {  	s8 =	sshrl.u32 s30, $0x3;
	s21 =	simm.s32 $0x1720;
	[smem:$0x7E8] =	sst s17  }
0x3b: {  	s30 =	simm.s32 $0x3E80;
	s15 =	simm.s32 $0x4840;
	[smem:$0x7EA] =	sst s21  }
0x3c: {  	s7 =	sadd.s32 s29, s4;
	s31 =	sadd.s32 s8, s4;
	[smem:$0x7F2] =	sst s30  }
0x3d: {  	v0 =	vlaneseq.u32;
	s4 =	sadd.s32 s6, s4;
	s8 =	simm.s32 $0x2D0;
	[dreg:$0x1c] =	wrdreg s7  }
0x3e: {  	v1 =	vadd.s32 $0xA, v0;
	s6 =	sadd.s32 s14, s3;
	s3 =	sadd.s32 $0xF42E00, s3;
	[dreg:$0x1d] =	wrdreg s31  }
0x3f: {  	v2 =	vadd.s32 $0x1A, v0;
	v3 =	vadd.s32 $0x24, v0;
	v4 =	vadd.s32 $0x34, v0;
	s24 =	simm.s32 $0x2420;
	s29 =	simm.s32 $0x3460;
	[dreg:$0x1e] =	wrdreg s4  }
0x40: {  	v5 =	vadd.s32 $0x3E, v0;
	v6 =	vadd.s32 $0x4E, v0;
	v7 =	vadd.s32 $0x58, v0;
	s14 =	simm.s32 $0x4EC0;
	s17 =	simm.s32 $0x5BC0;
	[smem:$0x7E0] =	sst s8  }
0x41: {  	v8 =	vadd.s32 $0x68, v0;
	v9 =	vadd.s32 $0x72, v0;
	v10 =	vadd.s32 $0x82, v0;
	s21 =	simm.s32 $0x0;
	s7 =	simm.s32 $0x268;
	[smem:$0x7ED] =	sst s24  }
0x42: {  	v11 =	vadd.s32 $0x8C, v0;
	v12 =	vadd.s32 $0x9C, v0;
	v13 =	vadd.s32 $0xA6, v0;
	s5 =	sadd.s32 s5, s6;
	s6 =	simm.s32 $0x4;
	[smem:$0x7F1] =	sst s29  }
0x43: {  	v14 =	vadd.s32 $0xB6, v0;
	v15 =	vor.u32 $0xC0, v0;
	v16 =	vor.u32 $0xD0, v0;
	s8 =	simm.s32 $0x68;
	[smem:$0x7F6] =	sst s14;
	s14 =	simm.s32 $0x3B40  }
0x44: {  	v17 =	vadd.s32 $0xDA, v0;
	v18 =	vadd.s32 $0xEA, v0;
	v19 =	vadd.s32 $0xF4, v0;
	[smem:$0x7F9] =	sst s17;
	s17 =	simm.s32 $0x6240;
	s31 =	simm.s32 $0x6C00  }
0x45: {  	v20 =	vadd.s32 $0x104, v0;
	v21 =	vadd.s32 $0x10E, v0;
	v22 =	vadd.s32 $0x11E, v0;
	[dreg:$0x1f] =	wrdreg s7;
	s7 =	ssub.s32 s18, s20;
	s5 =	sadd.s32 $0xA40, s5  }
0x46: {  	v23 =	vadd.s32 $0x128, v0;
	v24 =	vadd.s32 $0x138, v0;
	v25 =	vadd.s32 $0x142, v0;
	s18 =	simm.s32 $0x5F00;
	s20 =	simm.s32 $0x68C0;
	[smem:$0x7FD] =	sst s31  }
0x47: {  	v26 =	vadd.s32 $0x152, v0;
	v27 =	vadd.s32 $0x15C, v0;
	v28 =	vadd.s32 $0x16C, v0;
	s4 =	smax.u32 s7, $0x1;
	s7 =	simm.s32 $0x200;
	[smem:$0x7FA] =	sst s18  }
0x48: {  	v29 =	vadd.s32 $0x176, v0;
	v30 =	vadd.s32 $0x186, v0;
	v31 =	vor.u32 $0x190, v0;
	s18 =	simm.s32 $0x1;
	[smem:$0x7FC] =	sst s20;
	s20 =	simm.s32 $0x3  }
.LBB2_1:
0x49: {  	s22 =	smov.u32 s5;
	s23 =	simm.s32 $0x0  }
.LBB2_2:
0x4a: {  	s24 =	sadd.s32 $0xFFFFFFC0, s22  }
0x4b: {  	[tilespmem:s2], [sflag:$0x4] =	stream.linear.gather [hbm4b:s24+s2], $0x200, $0x38;
	[tilespmem:$0x6F40] =	vst v63  }
0x4c: {  	_ =	swait.ge [sflag:s6], $0x200  }
0x4d: {  	[sflag:s6] =	ssyncset.done $0x0  }
0x4e: {  	[sflag:s6] =	ssyncadd.s32 $0xFFFFFE00  }
0x4f: {  	v32 =	vld [tilespmem:$0x0]  }
0x50: {  	v33 =	vld [tilespmem:$0xA];
	_ =	sdelay $0x3  }
0x51: {  	[tilespmem:v0+s7+$0x0] =	vst.idx.msk $0xffff, v32  }
0x52: {  	[tilespmem:v1+s7+$0x0] =	vst.idx.msk $0xffff, v33  }
0x53: {  	v32 =	vld [tilespmem:$0x20]  }
0x54: {  	v33 =	vld [tilespmem:$0x2A];
	_ =	sdelay $0x3  }
0x55: {  	[tilespmem:v2+s7+$0x0] =	vst.idx.msk $0xffff, v32  }
0x56: {  	[tilespmem:v3+s7+$0x0] =	vst.idx.msk $0xffff, v33  }
0x57: {  	v32 =	vld [tilespmem:$0x40]  }
0x58: {  	v33 =	vld [tilespmem:$0x4A];
	_ =	sdelay $0x3  }
0x59: {  	[tilespmem:v4+s7+$0x0] =	vst.idx.msk $0xffff, v32  }
0x5a: {  	[tilespmem:v5+s7+$0x0] =	vst.idx.msk $0xffff, v33  }
0x5b: {  	v32 =	vld [tilespmem:$0x60]  }
0x5c: {  	v33 =	vld [tilespmem:$0x6A];
	_ =	sdelay $0x3  }
0x5d: {  	[tilespmem:v6+s7+$0x0] =	vst.idx.msk $0xffff, v32  }
0x5e: {  	[tilespmem:v7+s7+$0x0] =	vst.idx.msk $0xffff, v33  }
0x5f: {  	v32 =	vld [tilespmem:$0x80]  }
0x60: {  	v33 =	vld [tilespmem:$0x8A];
	_ =	sdelay $0x3  }
0x61: {  	[tilespmem:v8+s7+$0x0] =	vst.idx.msk $0xffff, v32  }
0x62: {  	[tilespmem:v9+s7+$0x0] =	vst.idx.msk $0xffff, v33  }
0x63: {  	v32 =	vld [tilespmem:$0xA0]  }
0x64: {  	v33 =	vld [tilespmem:$0xAA];
	_ =	sdelay $0x3  }
0x65: {  	[tilespmem:v10+s7+$0x0] =	vst.idx.msk $0xffff, v32  }
0x66: {  	[tilespmem:v11+s7+$0x0] =	vst.idx.msk $0xffff, v33  }
0x67: {  	v32 =	vld [tilespmem:$0xC0]  }
0x68: {  	v33 =	vld [tilespmem:$0xCA];
	_ =	sdelay $0x3  }
0x69: {  	[tilespmem:v12+s7+$0x0] =	vst.idx.msk $0xffff, v32  }
0x6a: {  	[tilespmem:v13+s7+$0x0] =	vst.idx.msk $0xffff, v33  }
0x6b: {  	v32 =	vld [tilespmem:$0xE0]  }
0x6c: {  	v33 =	vld [tilespmem:$0xEA];
	_ =	sdelay $0x3  }
0x6d: {  	[tilespmem:v14+s7+$0x0] =	vst.idx.msk $0xffff, v32  }
0x6e: {  	[tilespmem:v15+s7+$0x0] =	vst.idx.msk $0xffff, v33  }
0x6f: {  	v32 =	vld [tilespmem:$0x100]  }
0x70: {  	v33 =	vld [tilespmem:$0x10A];
	_ =	sdelay $0x3  }
0x71: {  	[tilespmem:v16+s7+$0x0] =	vst.idx.msk $0xffff, v32  }
0x72: {  	[tilespmem:v17+s7+$0x0] =	vst.idx.msk $0xffff, v33  }
0x73: {  	v32 =	vld [tilespmem:$0x120]  }
0x74: {  	v33 =	vld [tilespmem:$0x12A];
	_ =	sdelay $0x3  }
0x75: {  	[tilespmem:v18+s7+$0x0] =	vst.idx.msk $0xffff, v32  }
0x76: {  	[tilespmem:v19+s7+$0x0] =	vst.idx.msk $0xffff, v33  }
0x77: {  	v32 =	vld [tilespmem:$0x140]  }
0x78: {  	v33 =	vld [tilespmem:$0x14A];
	_ =	sdelay $0x3  }
0x79: {  	[tilespmem:v20+s7+$0x0] =	vst.idx.msk $0xffff, v32  }
0x7a: {  	[tilespmem:v21+s7+$0x0] =	vst.idx.msk $0xffff, v33  }
0x7b: {  	v32 =	vld [tilespmem:$0x160]  }
0x7c: {  	v33 =	vld [tilespmem:$0x16A];
	_ =	sdelay $0x3  }
0x7d: {  	[tilespmem:v22+s7+$0x0] =	vst.idx.msk $0xffff, v32  }
0x7e: {  	[tilespmem:v23+s7+$0x0] =	vst.idx.msk $0xffff, v33  }
0x7f: {  	v32 =	vld [tilespmem:$0x180]  }
0x80: {  	v33 =	vld [tilespmem:$0x18A];
	_ =	sdelay $0x3  }
0x81: {  	[tilespmem:v24+s7+$0x0] =	vst.idx.msk $0xffff, v32  }
0x82: {  	[tilespmem:v25+s7+$0x0] =	vst.idx.msk $0xffff, v33  }
0x83: {  	v32 =	vld [tilespmem:$0x1A0]  }
0x84: {  	v33 =	vld [tilespmem:$0x1AA];
	_ =	sdelay $0x3  }
0x85: {  	[tilespmem:v26+s7+$0x0] =	vst.idx.msk $0xffff, v32  }
0x86: {  	[tilespmem:v27+s7+$0x0] =	vst.idx.msk $0xffff, v33  }
0x87: {  	v32 =	vld [tilespmem:$0x1C0]  }
0x88: {  	v33 =	vld [tilespmem:$0x1CA];
	_ =	sdelay $0x3  }
0x89: {  	[tilespmem:v28+s7+$0x0] =	vst.idx.msk $0xffff, v32  }
0x8a: {  	[tilespmem:v29+s7+$0x0] =	vst.idx.msk $0xffff, v33  }
0x8b: {  	v32 =	vld [tilespmem:$0x1E0]  }
0x8c: {  	v33 =	vld [tilespmem:$0x1EA];
	_ =	sdelay $0x3  }
0x8d: {  	[tilespmem:v30+s7+$0x0] =	vst.idx.msk $0xffff, v32  }
0x8e: {  	s26 =	rddreg [dreg:$0x1f];
	[tilespmem:v31+s7+$0x0] =	vst.idx.msk $0xffff, v33  }
0x8f: {  	[tilespmem:s9], [sflag:$0x1] =	stream.indirect.gather [hbm4b:s3+s8], $0x20, s7, s8, $0xb8;
	[tilespmem:$0x6F40] =	vst v63  }
0x90: {  	s25 =	sld [smem:$0x7E0]  }
0x91: {  	[tilespmem:s10], [sflag:$0x1] =	stream.indirect.gather [hbm4b:s3+s8], $0x20, s26, s8, $0xb8;
	[tilespmem:$0x6F40] =	vst v63  }
0x92: {  	s28 =	sld [smem:$0x7E1]  }
0x93: {  	[tilespmem:s11], [sflag:$0x1] =	stream.indirect.gather [hbm4b:s3+s8], $0x20, s25, s8, $0xb8;
	[tilespmem:$0x6F40] =	vst v63  }
0x94: {  	s29 =	sld [smem:$0x7E2]  }
0x95: {  	[tilespmem:s12], [sflag:$0x1] =	stream.indirect.gather [hbm4b:s3+s8], $0x20, s28, s8, $0xb8;
	[tilespmem:$0x6F40] =	vst v63  }
0x96: {  	_ = 	snop  }
0x97: {  	[tilespmem:s29], [sflag:$0x4] =	stream.linear.gather [hbm4b:s22+s2], $0x200, $0x38;
	[tilespmem:$0x6F40] =	vst v63  }
0x98: {  	_ =	swait.ge [sflag:s6], $0x200  }
0x99: {  	[sflag:s6] =	ssyncset.done $0x0  }
0x9a: {  	[sflag:s6] =	ssyncadd.s32 $0xFFFFFE00  }
0x9b: {  	v62 =	vld [tilespmem:$0x37A0]  }
0x9c: {  	v63 =	vld [tilespmem:$0x37AA];
	_ =	sdelay $0x3  }
0x9d: {  	[tilespmem:v0+s13+$0x0] =	vst.idx.msk $0xffff, v62  }
0x9e: {  	[tilespmem:v1+s13+$0x0] =	vst.idx.msk $0xffff, v63  }
0x9f: {  	v32 =	vld [tilespmem:$0x37C0]  }
0xa0: {  	v33 =	vld [tilespmem:$0x37CA];
	_ =	sdelay $0x3  }
0xa1: {  	[tilespmem:v2+s13+$0x0] =	vst.idx.msk $0xffff, v32  }
0xa2: {  	[tilespmem:v3+s13+$0x0] =	vst.idx.msk $0xffff, v33  }
0xa3: {  	v32 =	vld [tilespmem:$0x37E0]  }
0xa4: {  	v33 =	vld [tilespmem:$0x37EA];
	_ =	sdelay $0x3  }
0xa5: {  	[tilespmem:v4+s13+$0x0] =	vst.idx.msk $0xffff, v32  }
0xa6: {  	[tilespmem:v5+s13+$0x0] =	vst.idx.msk $0xffff, v33  }
0xa7: {  	v32 =	vld [tilespmem:$0x3800]  }
0xa8: {  	v33 =	vld [tilespmem:$0x380A];
	_ =	sdelay $0x3  }
0xa9: {  	[tilespmem:v6+s13+$0x0] =	vst.idx.msk $0xffff, v32  }
0xaa: {  	[tilespmem:v7+s13+$0x0] =	vst.idx.msk $0xffff, v33  }
0xab: {  	v32 =	vld [tilespmem:$0x3820]  }
0xac: {  	v33 =	vld [tilespmem:$0x382A];
	_ =	sdelay $0x3  }
0xad: {  	[tilespmem:v8+s13+$0x0] =	vst.idx.msk $0xffff, v32  }
0xae: {  	[tilespmem:v9+s13+$0x0] =	vst.idx.msk $0xffff, v33  }
0xaf: {  	v32 =	vld [tilespmem:$0x3840]  }
0xb0: {  	v33 =	vld [tilespmem:$0x384A];
	_ =	sdelay $0x3  }
0xb1: {  	[tilespmem:v10+s13+$0x0] =	vst.idx.msk $0xffff, v32  }
0xb2: {  	[tilespmem:v11+s13+$0x0] =	vst.idx.msk $0xffff, v33  }
0xb3: {  	v32 =	vld [tilespmem:$0x3860]  }
0xb4: {  	v33 =	vld [tilespmem:$0x386A];
	_ =	sdelay $0x3  }
0xb5: {  	[tilespmem:v12+s13+$0x0] =	vst.idx.msk $0xffff, v32  }
0xb6: {  	[tilespmem:v13+s13+$0x0] =	vst.idx.msk $0xffff, v33  }
0xb7: {  	v32 =	vld [tilespmem:$0x3880]  }
0xb8: {  	v33 =	vld [tilespmem:$0x388A];
	_ =	sdelay $0x3  }
0xb9: {  	[tilespmem:v14+s13+$0x0] =	vst.idx.msk $0xffff, v32  }
0xba: {  	[tilespmem:v15+s13+$0x0] =	vst.idx.msk $0xffff, v33  }
0xbb: {  	v32 =	vld [tilespmem:$0x38A0]  }
0xbc: {  	v33 =	vld [tilespmem:$0x38AA];
	_ =	sdelay $0x3  }
0xbd: {  	[tilespmem:v16+s13+$0x0] =	vst.idx.msk $0xffff, v32  }
0xbe: {  	[tilespmem:v17+s13+$0x0] =	vst.idx.msk $0xffff, v33  }
0xbf: {  	v32 =	vld [tilespmem:$0x38C0]  }
0xc0: {  	v33 =	vld [tilespmem:$0x38CA];
	_ =	sdelay $0x3  }
0xc1: {  	[tilespmem:v18+s13+$0x0] =	vst.idx.msk $0xffff, v32  }
0xc2: {  	[tilespmem:v19+s13+$0x0] =	vst.idx.msk $0xffff, v33  }
0xc3: {  	v32 =	vld [tilespmem:$0x38E0]  }
0xc4: {  	v33 =	vld [tilespmem:$0x38EA];
	_ =	sdelay $0x3  }
0xc5: {  	[tilespmem:v20+s13+$0x0] =	vst.idx.msk $0xffff, v32  }
0xc6: {  	[tilespmem:v21+s13+$0x0] =	vst.idx.msk $0xffff, v33  }
0xc7: {  	v32 =	vld [tilespmem:$0x3900]  }
0xc8: {  	v33 =	vld [tilespmem:$0x390A];
	_ =	sdelay $0x3  }
0xc9: {  	[tilespmem:v22+s13+$0x0] =	vst.idx.msk $0xffff, v32  }
0xca: {  	[tilespmem:v23+s13+$0x0] =	vst.idx.msk $0xffff, v33  }
0xcb: {  	v32 =	vld [tilespmem:$0x3920]  }
0xcc: {  	v33 =	vld [tilespmem:$0x392A];
	_ =	sdelay $0x3  }
0xcd: {  	[tilespmem:v24+s13+$0x0] =	vst.idx.msk $0xffff, v32  }
0xce: {  	[tilespmem:v25+s13+$0x0] =	vst.idx.msk $0xffff, v33  }
0xcf: {  	v32 =	vld [tilespmem:$0x3940]  }
0xd0: {  	v33 =	vld [tilespmem:$0x394A];
	_ =	sdelay $0x3  }
0xd1: {  	[tilespmem:v26+s13+$0x0] =	vst.idx.msk $0xffff, v32  }
0xd2: {  	[tilespmem:v27+s13+$0x0] =	vst.idx.msk $0xffff, v33  }
0xd3: {  	v32 =	vld [tilespmem:$0x3960]  }
0xd4: {  	v33 =	vld [tilespmem:$0x396A];
	_ =	sdelay $0x3  }
0xd5: {  	[tilespmem:v28+s13+$0x0] =	vst.idx.msk $0xffff, v32  }
0xd6: {  	[tilespmem:v29+s13+$0x0] =	vst.idx.msk $0xffff, v33  }
0xd7: {  	v32 =	vld [tilespmem:$0x3980]  }
0xd8: {  	v33 =	vld [tilespmem:$0x398A];
	_ =	sdelay $0x3  }
0xd9: {  	[tilespmem:v30+s13+$0x0] =	vst.idx.msk $0xffff, v32  }
0xda: {  	s30 =	sld [smem:$0x7E3];
	[tilespmem:v31+s13+$0x0] =	vst.idx.msk $0xffff, v33  }
0xdb: {  	[tilespmem:s14], [sflag:$0x2] =	stream.indirect.gather [hbm4b:s3+s8], $0x20, s13, s8, $0xb8;
	[tilespmem:$0x6F40] =	vst v63  }
0xdc: {  	s31 =	sld [smem:$0x7E4]  }
0xdd: {  	[tilespmem:s15], [sflag:$0x2] =	stream.indirect.gather [hbm4b:s3+s8], $0x20, s30, s8, $0xb8;
	[tilespmem:$0x6F40] =	vst v63  }
0xde: {  	s26 =	sld [smem:$0x7E5]  }
0xdf: {  	[tilespmem:s16], [sflag:$0x2] =	stream.indirect.gather [hbm4b:s3+s8], $0x20, s31, s8, $0xb8;
	[tilespmem:$0x6F40] =	vst v63  }
0xe0: {  	_ = 	snop  }
0xe1: {  	[tilespmem:s17], [sflag:$0x2] =	stream.indirect.gather [hbm4b:s3+s8], $0x20, s26, s8, $0xb8;
	[tilespmem:$0x6F40] =	vst v63  }
0xe2: {  	_ =	swait.ge [sflag:s18], $0xD00  }
0xe3: {  	[sflag:s18] =	ssyncset.done $0x0  }
0xe4: {  	[sflag:s18] =	ssyncadd.s32 $0xFFFFF300  }
0xe5: {  	_ =	swait.ge [sflag:s18], $0xD00  }
0xe6: {  	[sflag:s18] =	ssyncset.done $0x0  }
0xe7: {  	[sflag:s18] =	ssyncadd.s32 $0xFFFFF300  }
0xe8: {  	_ =	swait.ge [sflag:s18], $0xD00  }
0xe9: {  	[sflag:s18] =	ssyncset.done $0x0  }
0xea: {  	[sflag:s18] =	ssyncadd.s32 $0xFFFFF300  }
0xeb: {  	_ =	swait.ge [sflag:s18], $0xD00  }
0xec: {  	s28 =	rddreg [dreg:$0x11]  }
0xed: {  	[sflag:s18] =	ssyncset.done $0x0;
	s29 =	sld [smem:$0x7E6]  }
0xee: {  	s30 =	sld [smem:$0x7E7];
	[sflag:s18] =	ssyncadd.s32 $0xFFFFF300;
	s24 =	sadd.s32 s23, s28  }
0xef: {  	[hbm4b:s24+s2] =	stream.linear.scatter [tilespmem:s9], [sflag:$0x3], $0x340, $0x38;
	[tilespmem:$0x6F40] =	vst v63  }
0xf0: {  	s31 =	rddreg [dreg:$0x1e];
	s26 =	sadd.s32 $0x68, s24  }
0xf1: {  	[hbm4b:s26+s2] =	stream.linear.scatter [tilespmem:s29], [sflag:$0x3], $0x340, $0x38;
	[tilespmem:$0x6F40] =	vst v63  }
0xf2: {  	s29 =	sld [smem:$0x7E8]  }
0xf3: {  	s28 =	sadd.s32 $0xD0, s24;
	s26 =	sadd.s32 s23, s31;
	s31 =	sld [smem:$0x7E9]  }
0xf4: {  	[hbm4b:s28+s2] =	stream.linear.scatter [tilespmem:s30], [sflag:$0x3], $0x340, $0x38;
	[tilespmem:$0x6F40] =	vst v63  }
0xf5: {  	s28 =	rddreg [dreg:$0x1d]  }
0xf6: {  	s30 =	rddreg [dreg:$0x1c]  }
0xf7: {  	s25 =	sadd.s32 s23, s30;
	s30 =	rddreg [dreg:$0x1a]  }
0xf8: {  	[hbm4b:s26+s2] =	stream.linear.scatter [tilespmem:s29], [sflag:$0x3], $0x340, $0x38;
	[tilespmem:$0x6F40] =	vst v63  }
0xf9: {  	s29 =	rddreg [dreg:$0x1b]  }
0xfa: {  	s26 =	sadd.s32 s23, s28;
	s28 =	rddreg [dreg:$0x19]  }
0xfb: {  	[hbm4b:s26+s2] =	stream.linear.scatter [tilespmem:s10], [sflag:$0x3], $0x340, $0x38;
	[tilespmem:$0x6F40] =	vst v63  }
0xfc: {  	s26 =	sld [smem:$0x7EA]  }
0xfd: {  	[hbm4b:s25+s2] =	stream.linear.scatter [tilespmem:s31], [sflag:$0x3], $0x340, $0x38;
	[tilespmem:$0x6F40] =	vst v63  }
0xfe: {  	s31 =	sld [smem:$0x7EB]  }
0xff: {  	s25 =	sadd.s32 s23, s29;
	s29 =	rddreg [dreg:$0x17]  }
0x100: {  	[hbm4b:s25+s2] =	stream.linear.scatter [tilespmem:s26], [sflag:$0x3], $0x340, $0x38;
	[tilespmem:$0x6F40] =	vst v63  }
0x101: {  	s26 =	sadd.s32 s23, s30;
	s30 =	rddreg [dreg:$0x18]  }
0x102: {  	s25 =	sadd.s32 s23, s30;
	s30 =	rddreg [dreg:$0x16]  }
0x103: {  	[hbm4b:s26+s2] =	stream.linear.scatter [tilespmem:s31], [sflag:$0x3], $0x340, $0x38;
	[tilespmem:$0x6F40] =	vst v63  }
0x104: {  	s31 =	sld [smem:$0x7EC]  }
0x105: {  	s26 =	sadd.s32 s23, s28;
	s28 =	rddreg [dreg:$0x15]  }
0x106: {  	[hbm4b:s26+s2] =	stream.linear.scatter [tilespmem:s11], [sflag:$0x3], $0x340, $0x38;
	[tilespmem:$0x6F40] =	vst v63  }
0x107: {  	s26 =	sld [smem:$0x7ED]  }
0x108: {  	[hbm4b:s25+s2] =	stream.linear.scatter [tilespmem:s31], [sflag:$0x3], $0x340, $0x38;
	[tilespmem:$0x6F40] =	vst v63  }
0x109: {  	s31 =	sld [smem:$0x7EE]  }
0x10a: {  	s25 =	sadd.s32 s23, s29;
	s29 =	rddreg [dreg:$0x13]  }
0x10b: {  	[hbm4b:s25+s2] =	stream.linear.scatter [tilespmem:s26], [sflag:$0x3], $0x340, $0x38;
	[tilespmem:$0x6F40] =	vst v63  }
0x10c: {  	s26 =	sadd.s32 s23, s30;
	s30 =	rddreg [dreg:$0x14]  }
0x10d: {  	s25 =	sadd.s32 s23, s30;
	s30 =	rddreg [dreg:$0x12]  }
0x10e: {  	[hbm4b:s26+s2] =	stream.linear.scatter [tilespmem:s31], [sflag:$0x3], $0x340, $0x38;
	[tilespmem:$0x6F40] =	vst v63  }
0x10f: {  	s26 =	sadd.s32 s23, s28;
	s31 =	sld [smem:$0x7EF]  }
0x110: {  	[hbm4b:s26+s2] =	stream.linear.scatter [tilespmem:s12], [sflag:$0x3], $0x340, $0x38;
	[tilespmem:$0x6F40] =	vst v63  }
0x111: {  	s26 =	sld [smem:$0x7F0]  }
0x112: {  	[hbm4b:s25+s2] =	stream.linear.scatter [tilespmem:s31], [sflag:$0x3], $0x340, $0x38;
	[tilespmem:$0x6F40] =	vst v63  }
0x113: {  	s25 =	sadd.s32 s23, s29;
	s31 =	sld [smem:$0x7F1]  }
0x114: {  	[hbm4b:s25+s2] =	stream.linear.scatter [tilespmem:s26], [sflag:$0x3], $0x340, $0x38;
	[tilespmem:$0x6F40] =	vst v63  }
0x115: {  	s28 =	sadd.s32 s23, s30  }
0x116: {  	[hbm4b:s28+s2] =	stream.linear.scatter [tilespmem:s31], [sflag:$0x3], $0x340, $0x38;
	[tilespmem:$0x6F40] =	vst v63  }
0x117: {  	_ =	swait.ge [sflag:s19], $0xD00  }
0x118: {  	[sflag:s19] =	ssyncset.done $0x0  }
0x119: {  	[sflag:s19] =	ssyncadd.s32 $0xFFFFF300  }
0x11a: {  	_ =	swait.ge [sflag:s19], $0xD00  }
0x11b: {  	[sflag:s19] =	ssyncset.done $0x0  }
0x11c: {  	[sflag:s19] =	ssyncadd.s32 $0xFFFFF300  }
0x11d: {  	_ =	swait.ge [sflag:s19], $0xD00  }
0x11e: {  	[sflag:s19] =	ssyncset.done $0x0  }
0x11f: {  	[sflag:s19] =	ssyncadd.s32 $0xFFFFF300  }
0x120: {  	_ =	swait.ge [sflag:s19], $0xD00  }
0x121: {  	s31 =	sld [smem:$0x7F2]  }
0x122: {  	[sflag:s19] =	ssyncset.done $0x0;
	s28 =	rddreg [dreg:$0x10]  }
0x123: {  	s30 =	sadd.s32 $0x680, s24;
	s29 =	sld [smem:$0x7F3];
	[sflag:s19] =	ssyncadd.s32 $0xFFFFF300  }
0x124: {  	[hbm4b:s30+s2] =	stream.linear.scatter [tilespmem:s14], [sflag:$0x3], $0x340, $0x38;
	[tilespmem:$0x6F40] =	vst v63  }
0x125: {  	s30 =	rddreg [dreg:$0xf]  }
0x126: {  	s24 =	sadd.s32 $0x6E8, s24;
	s26 =	sadd.s32 s23, s30;
	s30 =	rddreg [dreg:$0xd]  }
0x127: {  	[hbm4b:s24+s2] =	stream.linear.scatter [tilespmem:s31], [sflag:$0x3], $0x340, $0x38;
	[tilespmem:$0x6F40] =	vst v63  }
0x128: {  	s31 =	sld [smem:$0x7F4]  }
0x129: {  	s24 =	sadd.s32 s23, s28;
	s28 =	rddreg [dreg:$0xc]  }
0x12a: {  	[hbm4b:s24+s2] =	stream.linear.scatter [tilespmem:s29], [sflag:$0x3], $0x340, $0x38;
	[tilespmem:$0x6F40] =	vst v63  }
0x12b: {  	s29 =	rddreg [dreg:$0xe]  }
0x12c: {  	s24 =	sadd.s32 s23, s30;
	s30 =	rddreg [dreg:$0xb]  }
0x12d: {  	s25 =	sadd.s32 s23, s29;
	s29 =	sld [smem:$0x7F6]  }
0x12e: {  	[hbm4b:s26+s2] =	stream.linear.scatter [tilespmem:s31], [sflag:$0x3], $0x340, $0x38;
	[tilespmem:$0x6F40] =	vst v63  }
0x12f: {  	s31 =	sld [smem:$0x7F5]  }
0x130: {  	[hbm4b:s25+s2] =	stream.linear.scatter [tilespmem:s15], [sflag:$0x3], $0x340, $0x38;
	[tilespmem:$0x6F40] =	vst v63  }
0x131: {  	s26 =	sadd.s32 s23, s30;
	s30 =	rddreg [dreg:$0x9]  }
0x132: {  	[hbm4b:s24+s2] =	stream.linear.scatter [tilespmem:s31], [sflag:$0x3], $0x340, $0x38;
	[tilespmem:$0x6F40] =	vst v63  }
0x133: {  	s31 =	sld [smem:$0x7F7]  }
0x134: {  	s24 =	sadd.s32 s23, s28;
	s28 =	rddreg [dreg:$0x8]  }
0x135: {  	[hbm4b:s24+s2] =	stream.linear.scatter [tilespmem:s29], [sflag:$0x3], $0x340, $0x38;
	[tilespmem:$0x6F40] =	vst v63  }
0x136: {  	s29 =	rddreg [dreg:$0xa]  }
0x137: {  	s24 =	sadd.s32 s23, s30;
	s30 =	rddreg [dreg:$0x7]  }
0x138: {  	s25 =	sadd.s32 s23, s29;
	s29 =	sld [smem:$0x7F9]  }
0x139: {  	[hbm4b:s26+s2] =	stream.linear.scatter [tilespmem:s31], [sflag:$0x3], $0x340, $0x38;
	[tilespmem:$0x6F40] =	vst v63  }
0x13a: {  	s31 =	sld [smem:$0x7F8]  }
0x13b: {  	[hbm4b:s25+s2] =	stream.linear.scatter [tilespmem:s16], [sflag:$0x3], $0x340, $0x38;
	[tilespmem:$0x6F40] =	vst v63  }
0x13c: {  	s26 =	sadd.s32 s23, s30;
	s30 =	rddreg [dreg:$0x5]  }
0x13d: {  	[hbm4b:s24+s2] =	stream.linear.scatter [tilespmem:s31], [sflag:$0x3], $0x340, $0x38;
	[tilespmem:$0x6F40] =	vst v63  }
0x13e: {  	s24 =	sadd.s32 s23, s28;
	s31 =	sld [smem:$0x7FA]  }
0x13f: {  	[hbm4b:s24+s2] =	stream.linear.scatter [tilespmem:s29], [sflag:$0x3], $0x340, $0x38;
	[tilespmem:$0x6F40] =	vst v63  }
0x140: {  	s29 =	rddreg [dreg:$0x6]  }
0x141: {  	s24 =	sadd.s32 s23, s30;
	s30 =	sld [smem:$0x7FD]  }
0x142: {  	[hbm4b:s26+s2] =	stream.linear.scatter [tilespmem:s31], [sflag:$0x3], $0x340, $0x38;
	[tilespmem:$0x6F40] =	vst v63  }
0x143: {  	s31 =	sld [smem:$0x7FB]  }
0x144: {  	s25 =	sadd.s32 s23, s29;
	s26 =	sld [smem:$0x7FC]  }
0x145: {  	[hbm4b:s25+s2] =	stream.linear.scatter [tilespmem:s17], [sflag:$0x3], $0x340, $0x38;
	[tilespmem:$0x6F40] =	vst v63  }
0x146: {  	s25 =	rddreg [dreg:$0x4]  }
0x147: {  	[hbm4b:s24+s2] =	stream.linear.scatter [tilespmem:s31], [sflag:$0x3], $0x340, $0x38;
	[tilespmem:$0x6F40] =	vst v63  }
0x148: {  	s29 =	rddreg [dreg:$0x3];
	s24 =	sadd.s32 s23, s25  }
0x149: {  	[hbm4b:s24+s2] =	stream.linear.scatter [tilespmem:s26], [sflag:$0x3], $0x340, $0x38;
	[tilespmem:$0x6F40] =	vst v63  }
0x14a: {  	s31 =	sadd.s32 s23, s29  }
0x14b: {  	[hbm4b:s31+s2] =	stream.linear.scatter [tilespmem:s30], [sflag:$0x3], $0x340, $0x38;
	[tilespmem:$0x6F40] =	vst v63  }
0x14c: {  	_ =	swait.ge [sflag:s20], $0x340  }
0x14d: {  	[sflag:s20] =	ssyncset.done $0x0  }
0x14e: {  	[sflag:s20] =	ssyncadd.s32 $0xFFFFFCC0  }
0x14f: {  	_ =	swait.ge [sflag:s20], $0x340  }
0x150: {  	[sflag:s20] =	ssyncset.done $0x0  }
0x151: {  	[sflag:s20] =	ssyncadd.s32 $0xFFFFFCC0  }
0x152: {  	_ =	swait.ge [sflag:s20], $0x340  }
0x153: {  	[sflag:s20] =	ssyncset.done $0x0  }
0x154: {  	[sflag:s20] =	ssyncadd.s32 $0xFFFFFCC0  }
0x155: {  	_ =	swait.ge [sflag:s20], $0x340  }
0x156: {  	[sflag:s20] =	ssyncset.done $0x0  }
0x157: {  	[sflag:s20] =	ssyncadd.s32 $0xFFFFFCC0  }
0x158: {  	_ =	swait.ge [sflag:s20], $0x340  }
0x159: {  	[sflag:s20] =	ssyncset.done $0x0  }
0x15a: {  	[sflag:s20] =	ssyncadd.s32 $0xFFFFFCC0  }
0x15b: {  	_ =	swait.ge [sflag:s20], $0x340  }
0x15c: {  	[sflag:s20] =	ssyncset.done $0x0  }
0x15d: {  	[sflag:s20] =	ssyncadd.s32 $0xFFFFFCC0  }
0x15e: {  	_ =	swait.ge [sflag:s20], $0x340  }
0x15f: {  	[sflag:s20] =	ssyncset.done $0x0  }
0x160: {  	[sflag:s20] =	ssyncadd.s32 $0xFFFFFCC0  }
0x161: {  	_ =	swait.ge [sflag:s20], $0x340  }
0x162: {  	[sflag:s20] =	ssyncset.done $0x0  }
0x163: {  	[sflag:s20] =	ssyncadd.s32 $0xFFFFFCC0  }
0x164: {  	_ =	swait.ge [sflag:s20], $0x340  }
0x165: {  	[sflag:s20] =	ssyncset.done $0x0  }
0x166: {  	[sflag:s20] =	ssyncadd.s32 $0xFFFFFCC0  }
0x167: {  	_ =	swait.ge [sflag:s20], $0x340  }
0x168: {  	[sflag:s20] =	ssyncset.done $0x0  }
0x169: {  	[sflag:s20] =	ssyncadd.s32 $0xFFFFFCC0  }
0x16a: {  	_ =	swait.ge [sflag:s20], $0x340  }
0x16b: {  	[sflag:s20] =	ssyncset.done $0x0  }
0x16c: {  	[sflag:s20] =	ssyncadd.s32 $0xFFFFFCC0  }
0x16d: {  	_ =	swait.ge [sflag:s20], $0x340  }
0x16e: {  	[sflag:s20] =	ssyncset.done $0x0  }
0x16f: {  	[sflag:s20] =	ssyncadd.s32 $0xFFFFFCC0  }
0x170: {  	_ =	swait.ge [sflag:s20], $0x340  }
0x171: {  	[sflag:s20] =	ssyncset.done $0x0  }
0x172: {  	[sflag:s20] =	ssyncadd.s32 $0xFFFFFCC0  }
0x173: {  	_ =	swait.ge [sflag:s20], $0x340  }
0x174: {  	[sflag:s20] =	ssyncset.done $0x0  }
0x175: {  	[sflag:s20] =	ssyncadd.s32 $0xFFFFFCC0  }
0x176: {  	_ =	swait.ge [sflag:s20], $0x340  }
0x177: {  	[sflag:s20] =	ssyncset.done $0x0  }
0x178: {  	[sflag:s20] =	ssyncadd.s32 $0xFFFFFCC0  }
0x179: {  	_ =	swait.ge [sflag:s20], $0x340  }
0x17a: {  	[sflag:s20] =	ssyncset.done $0x0  }
0x17b: {  	[sflag:s20] =	ssyncadd.s32 $0xFFFFFCC0  }
0x17c: {  	_ =	swait.ge [sflag:s20], $0x340  }
0x17d: {  	[sflag:s20] =	ssyncset.done $0x0  }
0x17e: {  	[sflag:s20] =	ssyncadd.s32 $0xFFFFFCC0  }
0x17f: {  	_ =	swait.ge [sflag:s20], $0x340  }
0x180: {  	[sflag:s20] =	ssyncset.done $0x0  }
0x181: {  	[sflag:s20] =	ssyncadd.s32 $0xFFFFFCC0  }
0x182: {  	_ =	swait.ge [sflag:s20], $0x340  }
0x183: {  	[sflag:s20] =	ssyncset.done $0x0  }
0x184: {  	[sflag:s20] =	ssyncadd.s32 $0xFFFFFCC0  }
0x185: {  	_ =	swait.ge [sflag:s20], $0x340  }
0x186: {  	[sflag:s20] =	ssyncset.done $0x0  }
0x187: {  	[sflag:s20] =	ssyncadd.s32 $0xFFFFFCC0  }
0x188: {  	_ =	swait.ge [sflag:s20], $0x340  }
0x189: {  	[sflag:s20] =	ssyncset.done $0x0  }
0x18a: {  	[sflag:s20] =	ssyncadd.s32 $0xFFFFFCC0  }
0x18b: {  	_ =	swait.ge [sflag:s20], $0x340  }
0x18c: {  	[sflag:s20] =	ssyncset.done $0x0  }
0x18d: {  	[sflag:s20] =	ssyncadd.s32 $0xFFFFFCC0  }
0x18e: {  	_ =	swait.ge [sflag:s20], $0x340  }
0x18f: {  	[sflag:s20] =	ssyncset.done $0x0  }
0x190: {  	[sflag:s20] =	ssyncadd.s32 $0xFFFFFCC0  }
0x191: {  	_ =	swait.ge [sflag:s20], $0x340  }
0x192: {  	[sflag:s20] =	ssyncset.done $0x0  }
0x193: {  	[sflag:s20] =	ssyncadd.s32 $0xFFFFFCC0  }
0x194: {  	_ =	swait.ge [sflag:s20], $0x340  }
0x195: {  	[sflag:s20] =	ssyncset.done $0x0  }
0x196: {  	[sflag:s20] =	ssyncadd.s32 $0xFFFFFCC0  }
0x197: {  	_ =	swait.ge [sflag:s20], $0x340  }
0x198: {  	[sflag:s20] =	ssyncset.done $0x0  }
0x199: {  	[sflag:s20] =	ssyncadd.s32 $0xFFFFFCC0  }
0x19a: {  	_ =	swait.ge [sflag:s20], $0x340  }
0x19b: {  	[sflag:s20] =	ssyncset.done $0x0  }
0x19c: {  	[sflag:s20] =	ssyncadd.s32 $0xFFFFFCC0  }
0x19d: {  	_ =	swait.ge [sflag:s20], $0x340  }
0x19e: {  	[sflag:s20] =	ssyncset.done $0x0  }
0x19f: {  	[sflag:s20] =	ssyncadd.s32 $0xFFFFFCC0  }
0x1a0: {  	_ =	swait.ge [sflag:s20], $0x340  }
0x1a1: {  	[sflag:s20] =	ssyncset.done $0x0  }
0x1a2: {  	[sflag:s20] =	ssyncadd.s32 $0xFFFFFCC0  }
0x1a3: {  	_ =	swait.ge [sflag:s20], $0x340  }
0x1a4: {  	[sflag:s20] =	ssyncset.done $0x0  }
0x1a5: {  	[sflag:s20] =	ssyncadd.s32 $0xFFFFFCC0  }
0x1a6: {  	p0 =	sne.s32 s23, $0xC300;
	_ =	swait.ge [sflag:s20], $0x340  }
.Ltmp0:
0x1a7: {  	[sflag:s20] =	ssyncset.done $0x0;
	(pc) =	sbr.rel @p0 .LBB2_2-.Ltmp0, $4  }
0x1a8: {  	[sflag:s20] =	ssyncadd.s32 $0xFFFFFCC0  }
0x1a9: {  	_ =	swait.ge [sflag:s20], $0x340  }
0x1aa: {  	[sflag:s20] =	ssyncset.done $0x0  }
0x1ab: {  	s22 =	sadd.s32 $0x80, s22;
	s23 =	sadd.s32 $0xD00, s23;
	[sflag:s20] =	ssyncadd.s32 $0xFFFFFCC0  }
0x1ac: {  	s21 =	sadd.s32 $0x1, s21  }
0x1ad: {  	p0 =	sne.s32 s21, s4  }
.Ltmp1:
0x1ae: {  	_ = 	snop;
	(pc) =	sbr.rel @p0 .LBB2_1-.Ltmp1, $1  }
0x1af: {  	_ =	sdelay $0x3  }
0x1b0: {  	_ =	sfence.sel $0x180000  }
0x1b1: {  	[bflag:$0x0] =	sbarrier.arrive $0xFFFF  }
0x1b2: {  	p0 =	sne.s32 s0, $0x0;
	_ =	strace $0x90000047  }
0x1b3: {  	s0 =	sadd.s32 @!p0 $0x100000, s1;
	[bflag:$0x2] =	sbarrier.arrive $0xFFFF  }
0x1b4: {  	[sflag:s0] =	ssyncadd.tile.s32 @!p0 $0x1;
	_ =	shalt  }
.Lfunc_end2:
_tile_overlayer_lowered:
.L_overlay_start_2:
0x1b5: {  	(tag) =	ssettag $0x2  }
0x1b6: {  	s0 =	rddreg [dreg:$0x0];
	s2 =	stileid.u32  }
0x1b7: {  	s1 =	rddreg [dreg:$0x1];
	p0 =	sne.s32 s2, $0x0  }
0x1b8: {  	s3 =	rddreg [dreg:$0x2];
	[bflag:$0x3] =	sbarrier.arrive $0xFFFF;
	s2 =	simm.s32 @!p0 $0x1C04  }
0x1b9: {  	[timem:s3], [sflag:s2] =	dma.local @!p0 [hbm:s0], s1  }
0x1ba: {  	s0 =	simm.s32 @!p0 $0x4  }
0x1bb: {  	_ =	swait.ge @!p0 [sflag:s0], s1  }
0x1bc: {  	s1 =	ssub.s32 @!p0 $0x0, s1;
	[sflag:s0] =	ssyncset.done @!p0 $0x0  }
0x1bd: {  	[sflag:s0] =	ssyncadd.s32 @!p0 s1  }
0x1be: {  	[bflag:$0x3] =	sbarrier.arrive $0xFFFF  }
0x1bf: {  	_ =	shalt  }

// kernel: sparse-core-data-format-call.cloned.1.call-start
scs
called_computation_lowered:
.L_overlay_start_0:
0x0: {  	s2 =	sld [smem:$0x3FD9]  }
0x1: {  	s3 =	sld [smem:$0x3FFE];
	_ =	sdelay $0x1  }
0x2: {  	s1 =	srdreg.scid  }
0x3: {  	s0 =	sand.u32 $0x1, s1  }
0x4: {  	s18 =	sshll.u32 s0, $0xA;
	s2 =	sadd.s32 s3, s2  }
0x5: {  	s2 =	sadd.s32 s2, s18  }
0x6: {  	[smem:$0x3FC6] =	sst s2  }
0x7: {  	_ = 	snop  }
0x8: {  	s2 =	sld [smem:$0x3FD0];
	(tm) =	ssettm $0x1  }
0x9: {  	s19 =	sld [smem:$0x3FFB];
	_ =	sdelay $0x3  }
0xa: {  	_ =	strace s19  }
0xb: {  	s3 =	sld [smem:$0x3FFC];
	_ =	sdelay $0x3  }
0xc: {  	_ =	strace s3  }
0xd: {  	s3 =	sld [smem:$0x3FFD];
	_ =	sdelay $0x3  }
0xe: {  	_ =	strace s3  }
0xf: {  	_ =	strace $0x8FFFFFFF  }
0x10: {  	s20 =	sld [smem:$0x3FDB];
	_ =	sdelay $0x1  }
0x11: {  	s4 =	simm.s32 $_scs_section_size  }
0x12: {  	s5 =	simm.s32 $_size__tile_overlayer_lowered;
	s6 =	simm.s32 $_tile_overlayer_lowered  }
0x13: {  	s23 =	simm.s32 $0x1BFF;
	s22 =	sshll.u32 s6, $0x1;
	s3 =	sadd.s32 s4, s20  }
0x14: {  	s7 =	simm.s32 $0x0;
	s21 =	sshll.u32 s5, $0x1;
	s5 =	sadd.s32 s22, s3  }
0x15: {  	[timem:s7], [sflag:s23] =	dma.local [hbm:s5], s21  }
0x16: {  	_ =	swait.ge [sflag:s23], s21  }
0x17: {  	s4 =	ssub.s32 $0x0, s21;
	[sflag:s23] =	ssyncset.done $0x0  }
0x18: {  	[sflag:s23] =	ssyncadd.s32 s4;
	_ =	sdelay $0x1  }
0x19: {  	s24 =	simm.s32 $0x1B8B  }
0x1a: {  	_ =	swait.ge [sflag:s24], $0x1  }
0x1b: {  	[sflag:s24] =	ssyncset.done $0x0  }
0x1c: {  	s26 =	simm.s32 $0x1B8E;
	s25 =	sld [smem:$0x3FFE];
	[sflag:s24] =	ssyncadd.s32 $0xFFFFFFFF  }
0x1d: {  	s27 =	simm.s32 $execute0_lowered;
	[smem:$0x3FD2] =	sst s26  }
0x1e: {  	s5 =	sshll.u32 s27, $0x1;
	_ =	strace $0x80000049;
	[dreg:$0x1] =	wrdreg $0xFFFFFFFF  }
0x1f: {  	s28 =	simm.s32 $_size_execute0_lowered;
	s3 =	sadd.s32 s3, s5;
	[dreg:$0x0] =	wrdreg $0x0  }
0x20: {  	s5 =	sshll.u32 s28, $0x1;
	[dreg:$0x2] =	wrdreg s3  }
0x21: {  	[dreg:$0x3] =	wrdreg s5  }
0x22: {  	[dreg:$0x4] =	wrdreg $0xC0  }
0x23: {  	_ =	task [dreg:s7], $0x5FFFF  }
0x24: {  	[dreg:$0x1] =	wrdreg $0xFFFFFFFF  }
0x25: {  	[dreg:$0x0] =	wrdreg $0x60  }
0x26: {  	[dreg:$0x2] =	wrdreg s25  }
0x27: {  	[dreg:$0x3] =	wrdreg s2  }
0x28: {  	[dreg:$0x4] =	wrdreg $0x9  }
0x29: {  	_ =	task.clear_ibuf [dreg:s7], $0x5FFFF;
	_ =	strace $0x90000049  }
0x2a: {  	s29 =	simm.s32 $0x9;
	_ =	strace $0x8000004B  }
0x2b: {  	_ =	swait.ge [sflag:s29], $0x1  }
0x2c: {  	[sflag:s29] =	ssyncadd.s32 $0xFFFFFFFF  }
0x2d: {  	_ =	strace $0x9000004B  }
0x2e: {  	_ =	sfence  }
0x2f: {  	s30 =	sld [smem:$0x0];
	_ =	sdelay $0x2  }
0x30: {  	s31 =	sshll.u32 s1, $0xD;
	s1 =	sshrl.u32 s1, $0x2  }
0x31: {  	s3 =	sand.u32 $0x4000, s31;
	s1 =	sadd.s32 s1, s30  }
0x32: {  	s0 =	sor.u32 s3, s0;
	s1 =	sshll.u32 s1, $0x11  }
0x33: {  	s0 =	sor.u32 s1, s0  }
0x34: {  	s0 =	sadd.s32 $0x8F2B, s0  }
0x35: {  	[sflag:s0] =	ssyncadd.remote.s32 $0x1  }
0x36: {  	_ =	sfence.sel $0xFFFF  }
0x37: {  	[dreg:$0x0] =	wrdreg $0xFFFFFFFF;
	(pc) =	sbr.abs _section_cstart, $3  }
0x38: {  	[dreg:$0x1] =	wrdreg $0xFFFFFFFF  }
0x39: {  	_ =	task.clear_ibuf [dreg:s7], $0x2FFFF;
	_ =	strace $0x9FFFFFFF  }
0x3a: {  	(tm) =	ssettm $0x7FFFFFFF  }
0x3b: {  	_ =	shalt  }
tec
execute0_lowered:
.L_overlay_start_1:
0x0: {  	(tag) =	ssettag $0x1  }
0x1: {  	s0 =	srdreg.scid  }
0x2: {  	s1 =	sshll.u32 s0, $0x4  }
0x3: {  	s0 =	stileid.u32;
	s1 =	sand.u32 $0x10, s1  }
0x4: {  	s1 =	sor.u32 s0, s1  }
0x5: {  	s6 =	rddreg [dreg:$0x0];
	s4 =	simm.s32 $0x1;
	s2 =	sshll.u32 s1, $0x7  }
0x6: {  	s7 =	simm.s32 $0x2;
	s12 =	simm.s32 $0x0;
	s1 =	ssub.s32 $0x4000, s2  }
0x7: {  	s8 =	simm.s32 $0x20000;
	s13 =	simm.s32 $0x0;
	s3 =	sand.u32 $0xF80, s1  }
0x8: {  	s9 =	simm.s32 $0x0;
	s5 =	sshrl.u32 s1, $0xC;
	p0 =	sne.s32 s3, $0x0  }
.Ltmp0:
0x9: {  	s1 =	rddreg [dreg:$0x2];
	s4 =	simm.s32 @!p0 $0x0;
	(pc) =	sbr.rel .LBB1_1-.Ltmp0, $4  }
0xa: {  	s11 =	simm.s32 $0x0;
	s3 =	rddreg [dreg:$0x1];
	s5 =	sadd.s32 s4, s5  }
0xb: {  	_ =	strace $0x8000004A;
	s4 =	simm.s32 $0x1;
	s5 =	smul.u32 $0x1A, s5  }
0xc: {  	s6 =	sadd.s32 $0xA00, s6;
	s10 =	smov.u32 s2;
	[sflag:s4] =	ssyncpa.u1 $0x0  }
0xd: {  	p0 =	por $0x0, $0x0;
	[sflag:s7] =	ssyncpa.u1 $0x0;
	s7 =	sor.u32 $0x1, s5  }
.LBB1_4:
0xe: {  	s16 =	sshll.u32 s13, $0x3;
	s17 =	sand.u32 $0x78, s13  }
0xf: {  	s30 =	sand.u32 $0xF800, s13;
	s12 =	sshll.u32 s12, $0x10;
	s16 =	sand.u32 $0x3C00, s16  }
0x10: {  	s31 =	sand.u32 $0x7, s13;
	s16 =	sor.u32 s17, s16;
	s17 =	sadd.s32 s3, s30  }
0x11: {  	s13 =	sshll.u32 s31, $0x12;
	s16 =	sshrl.u32 s16, $0x3;
	s12 =	sadd.s32 s12, s17  }
0x12: {  	[tilespmem:s15+$0x0 ss:$0x81] =	vst.msk $0xffff, v0;
	s13 =	sor.u32 $0x400, s13;
	s12 =	sadd.s32 s16, s12  }
0x13: {  	[hbm4b:s12+s13] =	stream.strided.scatter [tilespmem:s14], [sflag:$0x2], $0x1000, s8, s13, $0x20;
	[tilespmem:$0x4040] =	vst v63  }
.LBB1_5:
0x14: {  	s14 =	sadd.s32 $0x1, s9  }
0x15: {  	s12 =	sadd.s32 $0x1000, s10;
	s16 =	smov.u32 s10;
	p2 =	sgt.s32 s14, $0x19  }
0x16: {  	s16 =	smov.u32 @p2 s12  }
0x17: {  	s14 =	simm.s32 @p2 $0x0;
	p2 =	sgt.s32 s16, $0x3FFF  }
0x18: {  	s16 =	smov.u32 @p2 s2;
	p2 =	sne.s32 s11, s7  }
.Ltmp1:
0x19: {  	p1 =	slt.u32 s11, $0x2;
	(pc) =	sbr.rel @!p2 .LBB1_6-.Ltmp1, $4  }
0x1a: {  	s15 =	simm.s32 @!p1 $0x2  }
0x1b: {  	s13 =	smov.u32 s10;
	p0 =	por !p0, !p0;
	_ =	swait.ge @!p1 [sflag:s15], $0x1000  }
0x1c: {  	s12 =	smov.u32 s9;
	[sflag:s15] =	ssyncset.done @!p1 $0x0;
	s9 =	smov.u32 s14  }
0x1d: {  	s11 =	sadd.s32 $0x1, s11;
	[sflag:s15] =	ssyncadd.s32 @!p1 $0xFFFFF000;
	s10 =	smov.u32 s16  }
.LBB1_1:
0x1e: {  	p1 =	sge.u32 s11, s5  }
0x1f: {  	s31 =	sadd.s32 $0xFFFFFFFF, s11;
	s14 =	sxor.u32 @!p1 $0xFFFFFFFF, s11  }
0x20: {  	s15 =	sshll.u32 @!p1 s10, $0x9;
	s16 =	sshll.u32 @!p1 s9, $0x4;
	s17 =	simm.s32 @!p1 $0x1000  }
0x21: {  	s14 =	sshll.u32 @!p1 s14, $0xC;
	s16 =	sand.u32 @!p1 $0x1F0, s16;
	s15 =	sadd.s32 @!p1 s6, s15  }
0x22: {  	s14 =	sand.u32 @!p1 $0x1000, s14;
	s15 =	sadd.s32 @!p1 s16, s15;
	s16 =	simm.s32 @!p1 $0x20  }
0x23: {  	[tilespmem:s14], [sflag:$0x1] =	stream.strided.gather @!p1 [hbm4b:s15+s16], $0x1000, s17, s16, $0x38;
	[tilespmem:$0x4040] =	vst v63  }
0x24: {  	p1 =	sge.u32 s31, s5  }
.Ltmp2:
0x25: {  	_ = 	snop;
	(pc) =	sbr.rel @p1 .LBB1_5-.Ltmp2, $1  }
0x26: {  	_ =	sdelay $0x3  }
0x27: {  	s14 =	simm.s32 $0x1  }
0x28: {  	_ =	swait.ge [sflag:s4], $0x1000;
	s14 =	simm.s32 @!p0 $0x0  }
0x29: {  	[sflag:s4] =	ssyncset.done $0x0;
	s15 =	sshll.u32 s14, $0xC  }
0x2a: {  	[sflag:s4] =	ssyncadd.s32 $0xFFFFF000;
	s18 =	sor.u32 $0x10, s15  }
0x2b: {  	s14 =	smul.u32 $0x4080, s14;
	v1 =	vld [tilespmem:s18+$0x0]  }
0x2c: {  	s30 =	sand.u32 $0x1, s11;
	v0 =	vld [tilespmem:s18+$0xFFFFFFF0]  }
0x2d: {  	s15 =	smul.u32 $0x4080, s30;
	s14 =	sshrl.u32 s14, $0x2  }
0x2e: {  	s16 =	sor.u32 $0x2000, s14  }
0x2f: {  	s31 =	sshrl.u32 s15, $0x2;
	s15 =	sadd.s32 $0x0, s16  }
0x30: {  	s17 =	simm.s32 $0x4;
	s18 =	sadd.s32 $0x20, s18;
	s14 =	sor.u32 $0x2000, s31;
	[tilespmem:s15+$0x810 ss:$0x81] =	vst.msk $0xffff, v1  }
.LBB1_3:
0x31: {  	v1 =	vld [tilespmem:s18+$0x0];
	p1 =	sne.s32 s17, $0x1FC;
	[tilespmem:s15+$0x0 ss:$0x81] =	vst.msk $0xffff, v0;
	s15 =	smov.u32 s17;
	s17 =	sadd.s32 $0x4, s17  }
.Ltmp3:
0x32: {  	v0 =	vld [tilespmem:s18+$0xFFFFFFF0];
	(pc) =	sbr.rel @p1 .LBB1_3-.Ltmp3, $4  }
0x33: {  	_ = 	snop  }
0x34: {  	s15 =	sshra.s32 s15, $0x2  }
0x35: {  	s15 =	sadd.s32 s15, s16  }
0x36: {  	s18 =	sadd.s32 $0x20, s18;
	[tilespmem:s15+$0x810 ss:$0x81] =	vst.msk $0xffff, v1  }
.Ltmp4:
0x37: {  	_ = 	snop;
	(pc) =	sbr.rel .LBB1_4-.Ltmp4, $1  }
0x38: {  	_ =	sdelay $0x3  }
.LBB1_6:
0x39: {  	_ =	sfence.sel $0x180000  }
0x3a: {  	s2 =	simm.s32 $0x1;
	[bflag:$0x0] =	sbarrier.arrive $0xFFFF  }
0x3b: {  	s31 =	simm.s32 $0x2;
	[sflag:s2] =	ssyncpa.u1 $0x1  }
0x3c: {  	[sflag:s31] =	ssyncpa.u1 $0x1  }
0x3d: {  	p0 =	sne.s32 s0, $0x0;
	_ =	strace $0x9000004A  }
0x3e: {  	s0 =	sadd.s32 @!p0 $0x100000, s1;
	[bflag:$0x2] =	sbarrier.arrive $0xFFFF  }
0x3f: {  	[sflag:s0] =	ssyncadd.tile.s32 @!p0 $0x1;
	_ =	shalt  }
.Lfunc_end1:
_tile_overlayer_lowered:
.L_overlay_start_2:
0x40: {  	(tag) =	ssettag $0x2  }
0x41: {  	s0 =	rddreg [dreg:$0x0];
	s2 =	stileid.u32  }
0x42: {  	s1 =	rddreg [dreg:$0x1];
	p0 =	sne.s32 s2, $0x0  }
0x43: {  	s3 =	rddreg [dreg:$0x2];
	[bflag:$0x3] =	sbarrier.arrive $0xFFFF;
	s2 =	simm.s32 @!p0 $0x1C01  }
0x44: {  	[timem:s3], [sflag:s2] =	dma.local @!p0 [hbm:s0], s1  }
0x45: {  	s0 =	simm.s32 @!p0 $0x1  }
0x46: {  	_ =	swait.ge @!p0 [sflag:s0], s1  }
0x47: {  	s1 =	ssub.s32 @!p0 $0x0, s1;
	[sflag:s0] =	ssyncset.done @!p0 $0x0  }
0x48: {  	[sflag:s0] =	ssyncadd.s32 @!p0 s1  }
0x49: {  	[bflag:$0x3] =	sbarrier.arrive $0xFFFF  }
0x4a: {  	_ =	shalt  }

</sc_bundles>
